<compile_context>
chip_gen: v7x
topology: tpu7x:2x2x1
jax: 0.10.2.dev20260603
libtpu: 0.0.44.dev20260713+nightly
codegen_flags: <defaults>
</compile_context>

<pallas_src>
import dataclasses

import jax
import jax.numpy as jnp
from jax import lax
from jax.experimental import pallas as pl
from jax.experimental.pallas import tpu as pltpu
from jax.experimental.pallas import tpu_sc as plsc

_W = 128
_PV = 88


def _build_pair_table(table):
    vocab, dim = table.shape

    def body(t_ref, o_ref):
        t = t_ref[...]
        tpad = jnp.concatenate([t, jnp.zeros((_PV - vocab, dim), t.dtype)], 0)
        o_ref[:, :dim] = jnp.broadcast_to(t[:, None, :], (vocab, _PV, dim)).reshape(
            vocab * _PV, dim
        )
        o_ref[:, dim:] = jnp.broadcast_to(tpad[None], (vocab, _PV, dim)).reshape(
            vocab * _PV, dim
        )

    return pl.pallas_call(
        body,
        out_shape=jax.ShapeDtypeStruct((vocab * _PV, 2 * dim), table.dtype),
    )(table)


def kernel(poi_categories, table):
    batch, seq = poi_categories.shape
    vocab, dim = table.shape
    n = batch * seq
    np_ = n // 2

    idx = poi_categories.reshape(n).astype(jnp.int32)
    table2 = _build_pair_table(table)

    mesh = plsc.VectorSubcoreMesh(core_axis_name="c", subcore_axis_name="s")
    cp = pltpu.CompilerParams()
    if "needs_layout_passes" in pltpu.CompilerParams.__dataclass_fields__:
        cp = dataclasses.replace(cp, needs_layout_passes=False)

    nw = 32
    per_w = np_ // nw
    ic = 3200
    nsc = per_w // ic
    isteps = ic // _W

    @pl.kernel(
        out_type=jax.ShapeDtypeStruct((n, dim), table.dtype),
        mesh=mesh,
        scratch_types=[
            pltpu.VMEM((2 * 2 * ic,), jnp.int32),
            pltpu.VMEM((_W,), jnp.int32),
            pltpu.VMEM((_W,), jnp.int32),
            pltpu.VMEM((2 * _W, dim), jnp.float32),
            pltpu.VMEM((2 * _W, dim), jnp.float32),
            pltpu.SemaphoreType.DMA((2,)),
            pltpu.SemaphoreType.DMA((2,)),
            pltpu.SemaphoreType.DMA((2,)),
        ],
        compiler_params=cp,
    )
    def _gather(
        table_hbm, idx_hbm, out_hbm, idx_v, pid0_v, pid1_v, rows0_v, rows1_v,
        isem, gsem, wsem,
    ):
        pid_bufs = (pid0_v, pid1_v)
        rows_bufs = (rows0_v, rows1_v)
        wid = lax.axis_index("s") * 2 + lax.axis_index("c")
        base_i = wid * per_w * 2
        iota = lax.iota(jnp.int32, 16)

        def idx_load(c, jc):
            return pltpu.make_async_copy(
                idx_hbm.at[pl.ds(base_i + c * 2 * ic, 2 * ic)],
                idx_v.at[pl.ds(jc * 2 * ic, 2 * ic)],
                isem.at[jc],
            )

        def compute_pid(jc, s, slot):
            for g in range(_W // 16):
                pos = jc * 2 * ic + 2 * (s * _W + g * 16 + iota)
                a = plsc.load_gather(idx_v, [pos])
                b = plsc.load_gather(idx_v, [pos + 1])
                pid_bufs[slot][pl.ds(g * 16, 16)] = a * _PV + b

        def gather(slot):
            return pltpu.make_async_copy(
                table_hbm.at[pid_bufs[slot]],
                rows_bufs[slot].reshape(_W, 2 * dim),
                gsem.at[slot],
            )

        def writeback(c, s, slot):
            dst = out_hbm.at[pl.ds(base_i + c * 2 * ic + s * 2 * _W, 2 * _W)]
            return pltpu.make_async_copy(rows_bufs[slot], dst, wsem.at[slot])

        idx_load(0, 0).start()

        @pl.loop(0, nsc)
        def _(c):
            jc = lax.rem(c, 2)
            idx_load(c, jc).wait()

            @pl.when(c + 1 < nsc)
            def _():
                idx_load(c + 1, lax.rem(c + 1, 2)).start()

            @pl.when(c > 0)
            def _():
                writeback(c, 0, 0).wait()

            compute_pid(jc, 0, 0)
            gather(0).start()

            @pl.loop(0, isteps - 1, step=2)
            def _(r):
                for b in range(2):
                    s = r + b
                    gather(b).wait()
                    writeback(c, s, b).start()
                    tb = 1 - b

                    @pl.when((c > 0) | (s >= 1))
                    def _(tb=tb):
                        writeback(c, 0, tb).wait()

                    compute_pid(jc, s + 1, tb)
                    gather(tb).start()

            gather(0).wait()
            writeback(c, isteps - 1, 0).start()

        writeback(0, 0, 0).wait()
        writeback(0, 0, 1).wait()

    out = _gather(table2, idx)
    return out.reshape(batch, seq, dim)

# --- scband reference (transcript-rebuilt; emitter-appended) ---
"""Pipeline reference for scband-poiembedding-model-463856468058 (READ-ONLY COPY).

The authoritative reference and input builder live on the scoring server;
editing this copy changes nothing except your own understanding.
"""

import jax, jax.numpy as jnp
import numpy as np


def setup_inputs(seed: int = 0) -> dict:
    key = jax.random.key(seed)
    k_idx, k_tab = jax.random.split(key)
    poi_categories = jax.random.randint(k_idx, (16384, 200), 0, 86, dtype=jnp.int64)
    # nn.Embedding default init: N(0, 1)
    table = jax.random.normal(k_tab, (86, 128), dtype=jnp.float32)
    return {"poi_categories": poi_categories, "table": table}


def reference(poi_categories, table):
    # nn.Embedding lookup -> gather rows of the table
    return jnp.take(table, poi_categories, axis=0)

if __name__ == "__main__":
    import jax
    _d = setup_inputs()
    print(jax.jit(kernel)(*tuple(_d.values())))

</pallas_src>

<mosaic_0001>
#map = affine_map<(d0, d1) -> (0, 0)>
#map1 = affine_map<(d0, d1) -> (0)>
module attributes {stable_mosaic.version = 14 : i64} {
  func.func @_gather(%arg0: i32, %arg1: i32, %arg2: memref<7568x256xf32, #tpu.memory_space<hbm>>, %arg3: memref<3276800xi32, #tpu.memory_space<hbm>>, %arg4: memref<3276800x128xf32, #tpu.memory_space<hbm>>, %arg5: memref<12800xi32, #tpu.memory_space<vmem>>, %arg6: memref<128xi32, #tpu.memory_space<vmem>>, %arg7: memref<128xi32, #tpu.memory_space<vmem>>, %arg8: memref<256x128xf32, #tpu.memory_space<vmem>>, %arg9: memref<256x128xf32, #tpu.memory_space<vmem>>, %arg10: memref<2x!tpu.dma_semaphore, #tpu.memory_space<semaphore_mem>>, %arg11: memref<2x!tpu.dma_semaphore, #tpu.memory_space<semaphore_mem>>, %arg12: memref<2x!tpu.dma_semaphore, #tpu.memory_space<semaphore_mem>>) attributes {dimension_semantics = [#tpu.dimension_semantics<core_parallel>, #tpu.dimension_semantics<subcore_parallel>], iteration_bounds = array<i64: 2, 16>, scalar_prefetch = 0 : i64, scratch_operands = 8 : i64, tpu.core_type = #tpu.core_type<sc_vector_subcore>, window_params = [{transform_indices = #map}, {transform_indices = #map1}, {transform_indices = #map}]} {
    %mul3A = arith.constant 2 : i32
    %mul3A_0 = arith.muli %arg1, %mul3A : i32
    %add3A = arith.addi %mul3A_0, %arg0 : i32
    %mul3A_1 = arith.constant 51200 : i32
    %mul3A_2 = arith.muli %add3A, %mul3A_1 : i32
    %mul3A_3 = arith.constant 2 : i32
    %mul3A_4 = arith.muli %mul3A_2, %mul3A_3 : i32
    %iota3A = tpu.iota {dimensions = array<i32: 0>} : vector<16xi32>
    %add3A_5 = arith.constant 0 : i32
    %add3A_6 = arith.addi %mul3A_4, %add3A_5 : i32
    %dma_start3A = arith.constant 0 : i32
    %dma_start3A_7 = arith.constant 0 : i32
    %dma_start3A_8 = tpu.memref_slice %arg5[%dma_start3A_7] : memref<12800xi32, #tpu.memory_space<vmem>> -> memref<6400xi32, #tpu.memory_space<vmem>>
    %dma_start3A_9 = tpu.memref_slice %arg3[%add3A_6] : memref<3276800xi32, #tpu.memory_space<hbm>> -> memref<6400xi32, #tpu.memory_space<hbm>>
    %dma_start3A_10 = tpu.memref_slice %arg10[%dma_start3A] : memref<2x!tpu.dma_semaphore, #tpu.memory_space<semaphore_mem>> -> memref<1x!tpu.dma_semaphore, #tpu.memory_space<semaphore_mem>>
    %dma_start3A_11 = tpu.memref_squeeze %dma_start3A_10 : memref<1x!tpu.dma_semaphore, #tpu.memory_space<semaphore_mem>> -> memref<!tpu.dma_semaphore, #tpu.memory_space<semaphore_mem>>
    %dma_start3A_12 = arith.constant 0 : i32
    %dma_start3A_13 = tpu.memref_slice %arg5[%dma_start3A_12] : memref<12800xi32, #tpu.memory_space<vmem>> -> memref<6400xi32, #tpu.memory_space<vmem>>
    %dma_start3A_14 = tpu.memref_slice %arg3[%add3A_6] : memref<3276800xi32, #tpu.memory_space<hbm>> -> memref<6400xi32, #tpu.memory_space<hbm>>
    tpu.enqueue_dma source(%dma_start3A_14 : memref<6400xi32, #tpu.memory_space<hbm>>) target(%dma_start3A_13 : memref<6400xi32, #tpu.memory_space<vmem>>) target_semaphore(%dma_start3A_11 : memref<!tpu.dma_semaphore, #tpu.memory_space<semaphore_mem>>)
    %scan3A = arith.constant 0 : i32
    %scan3A_15 = arith.constant 16 : i32
    %scan3A_16 = arith.addi %scan3A, %scan3A_15 : i32
    %scan3A_17 = arith.constant 1 : i32
    scf.for %scan3A_40 = %scan3A to %scan3A_16 step %scan3A_17  : i32 {
      %mul3A_41 = arith.constant 1 : i32
      %mul3A_42 = arith.muli %scan3A_40, %mul3A_41 : i32
      %add3A_43 = arith.constant 0 : i32
      %add3A_44 = arith.addi %add3A_43, %mul3A_42 : i32
      %rem3A = arith.constant 2 : i32
      %rem3A_45 = arith.remsi %add3A_44, %rem3A : i32
      %mul3A_46 = arith.constant 2 : i32
      %mul3A_47 = arith.muli %add3A_44, %mul3A_46 : i32
      %mul3A_48 = arith.constant 3200 : i32
      %mul3A_49 = arith.muli %mul3A_47, %mul3A_48 : i32
      %add3A_50 = arith.addi %mul3A_4, %mul3A_49 : i32
      %mul3A_51 = arith.constant 2 : i32
      %mul3A_52 = arith.muli %rem3A_45, %mul3A_51 : i32
      %mul3A_53 = arith.constant 3200 : i32
      %mul3A_54 = arith.muli %mul3A_52, %mul3A_53 : i32
      %dma_wait3A_55 = tpu.memref_slice %arg5[%mul3A_54] : memref<12800xi32, #tpu.memory_space<vmem>> -> memref<6400xi32, #tpu.memory_space<vmem>>
      %dma_wait3A_56 = tpu.memref_slice %arg3[%add3A_50] : memref<3276800xi32, #tpu.memory_space<hbm>> -> memref<6400xi32, #tpu.memory_space<hbm>>
      %dma_wait3A_57 = tpu.memref_slice %arg10[%rem3A_45] : memref<2x!tpu.dma_semaphore, #tpu.memory_space<semaphore_mem>> -> memref<1x!tpu.dma_semaphore, #tpu.memory_space<semaphore_mem>>
      %dma_wait3A_58 = tpu.memref_squeeze %dma_wait3A_57 : memref<1x!tpu.dma_semaphore, #tpu.memory_space<semaphore_mem>> -> memref<!tpu.dma_semaphore, #tpu.memory_space<semaphore_mem>>
      %dma_wait3A_59 = tpu.memref_slice %arg5[%mul3A_54] : memref<12800xi32, #tpu.memory_space<vmem>> -> memref<6400xi32, #tpu.memory_space<vmem>>
      %dma_wait3A_60 = tpu.memref_slice %arg3[%add3A_50] : memref<3276800xi32, #tpu.memory_space<hbm>> -> memref<6400xi32, #tpu.memory_space<hbm>>
      tpu.wait_dma2 semaphore(%dma_wait3A_58 : memref<!tpu.dma_semaphore, #tpu.memory_space<semaphore_mem>>) src(%dma_wait3A_60 : memref<6400xi32, #tpu.memory_space<hbm>>) dst(%dma_wait3A_59 : memref<6400xi32, #tpu.memory_space<vmem>>)
      %add3A_61 = arith.constant 1 : i32
      %add3A_62 = arith.addi %add3A_44, %add3A_61 : i32
      %lt3A = arith.constant 16 : i32
      %lt3A_63 = arith.cmpi slt, %add3A_62, %lt3A : i32
      %convert_element_type3A = arith.extui %lt3A_63 : i1 to i32
      %cond3A = arith.constant 0 : i32
      %cond3A_64 = arith.cmpi ne, %convert_element_type3A, %cond3A : i32
      scf.if %cond3A_64 {
        %add3A_284 = arith.constant 1 : i32
        %add3A_285 = arith.addi %add3A_44, %add3A_284 : i32
        %add3A_286 = arith.constant 1 : i32
        %add3A_287 = arith.addi %add3A_44, %add3A_286 : i32
        %rem3A_288 = arith.constant 2 : i32
        %rem3A_289 = arith.remsi %add3A_287, %rem3A_288 : i32
        %mul3A_290 = arith.constant 2 : i32
        %mul3A_291 = arith.muli %add3A_285, %mul3A_290 : i32
        %mul3A_292 = arith.constant 3200 : i32
        %mul3A_293 = arith.muli %mul3A_291, %mul3A_292 : i32
        %add3A_294 = arith.addi %mul3A_4, %mul3A_293 : i32
        %mul3A_295 = arith.constant 2 : i32
        %mul3A_296 = arith.muli %rem3A_289, %mul3A_295 : i32
        %mul3A_297 = arith.constant 3200 : i32
        %mul3A_298 = arith.muli %mul3A_296, %mul3A_297 : i32
        %dma_start3A_299 = tpu.memref_slice %arg5[%mul3A_298] : memref<12800xi32, #tpu.memory_space<vmem>> -> memref<6400xi32, #tpu.memory_space<vmem>>
        %dma_start3A_300 = tpu.memref_slice %arg3[%add3A_294] : memref<3276800xi32, #tpu.memory_space<hbm>> -> memref<6400xi32, #tpu.memory_space<hbm>>
        %dma_start3A_301 = tpu.memref_slice %arg10[%rem3A_289] : memref<2x!tpu.dma_semaphore, #tpu.memory_space<semaphore_mem>> -> memref<1x!tpu.dma_semaphore, #tpu.memory_space<semaphore_mem>>
        %dma_start3A_302 = tpu.memref_squeeze %dma_start3A_301 : memref<1x!tpu.dma_semaphore, #tpu.memory_space<semaphore_mem>> -> memref<!tpu.dma_semaphore, #tpu.memory_space<semaphore_mem>>
        %dma_start3A_303 = tpu.memref_slice %arg5[%mul3A_298] : memref<12800xi32, #tpu.memory_space<vmem>> -> memref<6400xi32, #tpu.memory_space<vmem>>
        %dma_start3A_304 = tpu.memref_slice %arg3[%add3A_294] : memref<3276800xi32, #tpu.memory_space<hbm>> -> memref<6400xi32, #tpu.memory_space<hbm>>
        tpu.enqueue_dma source(%dma_start3A_304 : memref<6400xi32, #tpu.memory_space<hbm>>) target(%dma_start3A_303 : memref<6400xi32, #tpu.memory_space<vmem>>) target_semaphore(%dma_start3A_302 : memref<!tpu.dma_semaphore, #tpu.memory_space<semaphore_mem>>)
      } else {
      }
      %gt3A = arith.constant 0 : i32
      %gt3A_65 = arith.cmpi sgt, %add3A_44, %gt3A : i32
      %convert_element_type3A_66 = arith.extui %gt3A_65 : i1 to i32
      %cond3A_67 = arith.constant 0 : i32
      %cond3A_68 = arith.cmpi ne, %convert_element_type3A_66, %cond3A_67 : i32
      scf.if %cond3A_68 {
        %mul3A_284 = arith.constant 2 : i32
        %mul3A_285 = arith.muli %add3A_44, %mul3A_284 : i32
        %mul3A_286 = arith.constant 3200 : i32
        %mul3A_287 = arith.muli %mul3A_285, %mul3A_286 : i32
        %add3A_288 = arith.addi %mul3A_4, %mul3A_287 : i32
        %add3A_289 = arith.constant 0 : i32
        %add3A_290 = arith.addi %add3A_288, %add3A_289 : i32
        %dma_wait3A_291 = arith.constant 0 : i32
        %dma_wait3A_292 = arith.constant 0 : i32
        %dma_wait3A_293 = tpu.memref_slice %arg4[%add3A_290, %dma_wait3A_292] : memref<3276800x128xf32, #tpu.memory_space<hbm>> -> memref<256x128xf32, #tpu.memory_space<hbm>>
        %dma_wait3A_294 = tpu.memref_slice %arg12[%dma_wait3A_291] : memref<2x!tpu.dma_semaphore, #tpu.memory_space<semaphore_mem>> -> memref<1x!tpu.dma_semaphore, #tpu.memory_space<semaphore_mem>>
        %dma_wait3A_295 = tpu.memref_squeeze %dma_wait3A_294 : memref<1x!tpu.dma_semaphore, #tpu.memory_space<semaphore_mem>> -> memref<!tpu.dma_semaphore, #tpu.memory_space<semaphore_mem>>
        %dma_wait3A_296 = arith.constant 0 : i32
        %dma_wait3A_297 = tpu.memref_slice %arg4[%add3A_290, %dma_wait3A_296] : memref<3276800x128xf32, #tpu.memory_space<hbm>> -> memref<256x128xf32, #tpu.memory_space<hbm>>
        tpu.wait_dma2 semaphore(%dma_wait3A_295 : memref<!tpu.dma_semaphore, #tpu.memory_space<semaphore_mem>>) src(%arg8 : memref<256x128xf32, #tpu.memory_space<vmem>>) dst(%dma_wait3A_297 : memref<256x128xf32, #tpu.memory_space<hbm>>)
      } else {
      }
      %mul3A_69 = arith.constant 2 : i32
      %mul3A_70 = arith.muli %rem3A_45, %mul3A_69 : i32
      %mul3A_71 = arith.constant 3200 : i32
      %mul3A_72 = arith.muli %mul3A_70, %mul3A_71 : i32
      %add3A_73 = arith.constant 0 : i32
      %add3A_74 = vector.broadcast %add3A_73 : i32 to vector<16xi32>
      %add3A_75 = arith.addi %add3A_74, %iota3A : vector<16xi32>
      %mul3A_76 = arith.constant 2 : i32
      %mul3A_77 = vector.broadcast %mul3A_76 : i32 to vector<16xi32>
      %mul3A_78 = arith.muli %mul3A_77, %add3A_75 : vector<16xi32>
      %add3A_79 = vector.broadcast %mul3A_72 : i32 to vector<16xi32>
      %add3A_80 = arith.addi %add3A_79, %mul3A_78 : vector<16xi32>
      %gather3A = tpu.vector_load_idx %arg5[%add3A_80] : memref<12800xi32, #tpu.memory_space<vmem>>[vector<16xi32>], vector<16xi32>,
      %add3A_81 = arith.constant 1 : i32
      %add3A_82 = vector.broadcast %add3A_81 : i32 to vector<16xi32>
      %add3A_83 = arith.addi %add3A_80, %add3A_82 : vector<16xi32>
      %gather3A_84 = tpu.vector_load_idx %arg5[%add3A_83] : memref<12800xi32, #tpu.memory_space<vmem>>[vector<16xi32>], vector<16xi32>,
      %mul3A_85 = arith.constant 88 : i32
      %mul3A_86 = vector.broadcast %mul3A_85 : i32 to vector<16xi32>
      %mul3A_87 = arith.muli %gather3A, %mul3A_86 : vector<16xi32>
      %add3A_88 = arith.addi %mul3A_87, %gather3A_84 : vector<16xi32>
      %swap3A = arith.constant 0 : index
      %swap3A_89 = tpu.vector_load %arg6[%swap3A] {strides = array<i32>} : memref<128xi32, #tpu.memory_space<vmem>>, vector<16xi32>,
      tpu.vector_store %arg6[%swap3A], %add3A_88 {strides = array<i32>} : memref<128xi32, #tpu.memory_space<vmem>>, vector<16xi32>,
      %mul3A_90 = arith.constant 2 : i32
      %mul3A_91 = arith.muli %rem3A_45, %mul3A_90 : i32
      %mul3A_92 = arith.constant 3200 : i32
      %mul3A_93 = arith.muli %mul3A_91, %mul3A_92 : i32
      %add3A_94 = arith.constant 16 : i32
      %add3A_95 = vector.broadcast %add3A_94 : i32 to vector<16xi32>
      %add3A_96 = arith.addi %add3A_95, %iota3A : vector<16xi32>
      %mul3A_97 = arith.constant 2 : i32
      %mul3A_98 = vector.broadcast %mul3A_97 : i32 to vector<16xi32>
      %mul3A_99 = arith.muli %mul3A_98, %add3A_96 : vector<16xi32>
      %add3A_100 = vector.broadcast %mul3A_93 : i32 to vector<16xi32>
      %add3A_101 = arith.addi %add3A_100, %mul3A_99 : vector<16xi32>
      %gather3A_102 = tpu.vector_load_idx %arg5[%add3A_101] : memref<12800xi32, #tpu.memory_space<vmem>>[vector<16xi32>], vector<16xi32>,
      %add3A_103 = arith.constant 1 : i32
      %add3A_104 = vector.broadcast %add3A_103 : i32 to vector<16xi32>
      %add3A_105 = arith.addi %add3A_101, %add3A_104 : vector<16xi32>
      %gather3A_106 = tpu.vector_load_idx %arg5[%add3A_105] : memref<12800xi32, #tpu.memory_space<vmem>>[vector<16xi32>], vector<16xi32>,
      %mul3A_107 = arith.constant 88 : i32
      %mul3A_108 = vector.broadcast %mul3A_107 : i32 to vector<16xi32>
      %mul3A_109 = arith.muli %gather3A_102, %mul3A_108 : vector<16xi32>
      %add3A_110 = arith.addi %mul3A_109, %gather3A_106 : vector<16xi32>
      %swap3A_111 = arith.constant 16 : index
      %swap3A_112 = tpu.vector_load %arg6[%swap3A_111] {strides = array<i32>} : memref<128xi32, #tpu.memory_space<vmem>>, vector<16xi32>,
      tpu.vector_store %arg6[%swap3A_111], %add3A_110 {strides = array<i32>} : memref<128xi32, #tpu.memory_space<vmem>>, vector<16xi32>,
      %mul3A_113 = arith.constant 2 : i32
      %mul3A_114 = arith.muli %rem3A_45, %mul3A_113 : i32
      %mul3A_115 = arith.constant 3200 : i32
      %mul3A_116 = arith.muli %mul3A_114, %mul3A_115 : i32
      %add3A_117 = arith.constant 32 : i32
      %add3A_118 = vector.broadcast %add3A_117 : i32 to vector<16xi32>
      %add3A_119 = arith.addi %add3A_118, %iota3A : vector<16xi32>
      %mul3A_120 = arith.constant 2 : i32
      %mul3A_121 = vector.broadcast %mul3A_120 : i32 to vector<16xi32>
      %mul3A_122 = arith.muli %mul3A_121, %add3A_119 : vector<16xi32>
      %add3A_123 = vector.broadcast %mul3A_116 : i32 to vector<16xi32>
      %add3A_124 = arith.addi %add3A_123, %mul3A_122 : vector<16xi32>
      %gather3A_125 = tpu.vector_load_idx %arg5[%add3A_124] : memref<12800xi32, #tpu.memory_space<vmem>>[vector<16xi32>], vector<16xi32>,
      %add3A_126 = arith.constant 1 : i32
      %add3A_127 = vector.broadcast %add3A_126 : i32 to vector<16xi32>
      %add3A_128 = arith.addi %add3A_124, %add3A_127 : vector<16xi32>
      %gather3A_129 = tpu.vector_load_idx %arg5[%add3A_128] : memref<12800xi32, #tpu.memory_space<vmem>>[vector<16xi32>], vector<16xi32>,
      %mul3A_130 = arith.constant 88 : i32
      %mul3A_131 = vector.broadcast %mul3A_130 : i32 to vector<16xi32>
      %mul3A_132 = arith.muli %gather3A_125, %mul3A_131 : vector<16xi32>
      %add3A_133 = arith.addi %mul3A_132, %gather3A_129 : vector<16xi32>
      %swap3A_134 = arith.constant 32 : index
      %swap3A_135 = tpu.vector_load %arg6[%swap3A_134] {strides = array<i32>} : memref<128xi32, #tpu.memory_space<vmem>>, vector<16xi32>,
      tpu.vector_store %arg6[%swap3A_134], %add3A_133 {strides = array<i32>} : memref<128xi32, #tpu.memory_space<vmem>>, vector<16xi32>,
      %mul3A_136 = arith.constant 2 : i32
      %mul3A_137 = arith.muli %rem3A_45, %mul3A_136 : i32
      %mul3A_138 = arith.constant 3200 : i32
      %mul3A_139 = arith.muli %mul3A_137, %mul3A_138 : i32
      %add3A_140 = arith.constant 48 : i32
      %add3A_141 = vector.broadcast %add3A_140 : i32 to vector<16xi32>
      %add3A_142 = arith.addi %add3A_141, %iota3A : vector<16xi32>
      %mul3A_143 = arith.constant 2 : i32
      %mul3A_144 = vector.broadcast %mul3A_143 : i32 to vector<16xi32>
      %mul3A_145 = arith.muli %mul3A_144, %add3A_142 : vector<16xi32>
      %add3A_146 = vector.broadcast %mul3A_139 : i32 to vector<16xi32>
      %add3A_147 = arith.addi %add3A_146, %mul3A_145 : vector<16xi32>
      %gather3A_148 = tpu.vector_load_idx %arg5[%add3A_147] : memref<12800xi32, #tpu.memory_space<vmem>>[vector<16xi32>], vector<16xi32>,
      %add3A_149 = arith.constant 1 : i32
      %add3A_150 = vector.broadcast %add3A_149 : i32 to vector<16xi32>
      %add3A_151 = arith.addi %add3A_147, %add3A_150 : vector<16xi32>
      %gather3A_152 = tpu.vector_load_idx %arg5[%add3A_151] : memref<12800xi32, #tpu.memory_space<vmem>>[vector<16xi32>], vector<16xi32>,
      %mul3A_153 = arith.constant 88 : i32
      %mul3A_154 = vector.broadcast %mul3A_153 : i32 to vector<16xi32>
      %mul3A_155 = arith.muli %gather3A_148, %mul3A_154 : vector<16xi32>
      %add3A_156 = arith.addi %mul3A_155, %gather3A_152 : vector<16xi32>
      %swap3A_157 = arith.constant 48 : index
      %swap3A_158 = tpu.vector_load %arg6[%swap3A_157] {strides = array<i32>} : memref<128xi32, #tpu.memory_space<vmem>>, vector<16xi32>,
      tpu.vector_store %arg6[%swap3A_157], %add3A_156 {strides = array<i32>} : memref<128xi32, #tpu.memory_space<vmem>>, vector<16xi32>,
      %mul3A_159 = arith.constant 2 : i32
      %mul3A_160 = arith.muli %rem3A_45, %mul3A_159 : i32
      %mul3A_161 = arith.constant 3200 : i32
      %mul3A_162 = arith.muli %mul3A_160, %mul3A_161 : i32
      %add3A_163 = arith.constant 64 : i32
      %add3A_164 = vector.broadcast %add3A_163 : i32 to vector<16xi32>
      %add3A_165 = arith.addi %add3A_164, %iota3A : vector<16xi32>
      %mul3A_166 = arith.constant 2 : i32
      %mul3A_167 = vector.broadcast %mul3A_166 : i32 to vector<16xi32>
      %mul3A_168 = arith.muli %mul3A_167, %add3A_165 : vector<16xi32>
      %add3A_169 = vector.broadcast %mul3A_162 : i32 to vector<16xi32>
      %add3A_170 = arith.addi %add3A_169, %mul3A_168 : vector<16xi32>
      %gather3A_171 = tpu.vector_load_idx %arg5[%add3A_170] : memref<12800xi32, #tpu.memory_space<vmem>>[vector<16xi32>], vector<16xi32>,
      %add3A_172 = arith.constant 1 : i32
      %add3A_173 = vector.broadcast %add3A_172 : i32 to vector<16xi32>
      %add3A_174 = arith.addi %add3A_170, %add3A_173 : vector<16xi32>
      %gather3A_175 = tpu.vector_load_idx %arg5[%add3A_174] : memref<12800xi32, #tpu.memory_space<vmem>>[vector<16xi32>], vector<16xi32>,
      %mul3A_176 = arith.constant 88 : i32
      %mul3A_177 = vector.broadcast %mul3A_176 : i32 to vector<16xi32>
      %mul3A_178 = arith.muli %gather3A_171, %mul3A_177 : vector<16xi32>
      %add3A_179 = arith.addi %mul3A_178, %gather3A_175 : vector<16xi32>
      %swap3A_180 = arith.constant 64 : index
      %swap3A_181 = tpu.vector_load %arg6[%swap3A_180] {strides = array<i32>} : memref<128xi32, #tpu.memory_space<vmem>>, vector<16xi32>,
      tpu.vector_store %arg6[%swap3A_180], %add3A_179 {strides = array<i32>} : memref<128xi32, #tpu.memory_space<vmem>>, vector<16xi32>,
      %mul3A_182 = arith.constant 2 : i32
      %mul3A_183 = arith.muli %rem3A_45, %mul3A_182 : i32
      %mul3A_184 = arith.constant 3200 : i32
      %mul3A_185 = arith.muli %mul3A_183, %mul3A_184 : i32
      %add3A_186 = arith.constant 80 : i32
      %add3A_187 = vector.broadcast %add3A_186 : i32 to vector<16xi32>
      %add3A_188 = arith.addi %add3A_187, %iota3A : vector<16xi32>
      %mul3A_189 = arith.constant 2 : i32
      %mul3A_190 = vector.broadcast %mul3A_189 : i32 to vector<16xi32>
      %mul3A_191 = arith.muli %mul3A_190, %add3A_188 : vector<16xi32>
      %add3A_192 = vector.broadcast %mul3A_185 : i32 to vector<16xi32>
      %add3A_193 = arith.addi %add3A_192, %mul3A_191 : vector<16xi32>
      %gather3A_194 = tpu.vector_load_idx %arg5[%add3A_193] : memref<12800xi32, #tpu.memory_space<vmem>>[vector<16xi32>], vector<16xi32>,
      %add3A_195 = arith.constant 1 : i32
      %add3A_196 = vector.broadcast %add3A_195 : i32 to vector<16xi32>
      %add3A_197 = arith.addi %add3A_193, %add3A_196 : vector<16xi32>
      %gather3A_198 = tpu.vector_load_idx %arg5[%add3A_197] : memref<12800xi32, #tpu.memory_space<vmem>>[vector<16xi32>], vector<16xi32>,
      %mul3A_199 = arith.constant 88 : i32
      %mul3A_200 = vector.broadcast %mul3A_199 : i32 to vector<16xi32>
      %mul3A_201 = arith.muli %gather3A_194, %mul3A_200 : vector<16xi32>
      %add3A_202 = arith.addi %mul3A_201, %gather3A_198 : vector<16xi32>
      %swap3A_203 = arith.constant 80 : index
      %swap3A_204 = tpu.vector_load %arg6[%swap3A_203] {strides = array<i32>} : memref<128xi32, #tpu.memory_space<vmem>>, vector<16xi32>,
      tpu.vector_store %arg6[%swap3A_203], %add3A_202 {strides = array<i32>} : memref<128xi32, #tpu.memory_space<vmem>>, vector<16xi32>,
      %mul3A_205 = arith.constant 2 : i32
      %mul3A_206 = arith.muli %rem3A_45, %mul3A_205 : i32
      %mul3A_207 = arith.constant 3200 : i32
      %mul3A_208 = arith.muli %mul3A_206, %mul3A_207 : i32
      %add3A_209 = arith.constant 96 : i32
      %add3A_210 = vector.broadcast %add3A_209 : i32 to vector<16xi32>
      %add3A_211 = arith.addi %add3A_210, %iota3A : vector<16xi32>
      %mul3A_212 = arith.constant 2 : i32
      %mul3A_213 = vector.broadcast %mul3A_212 : i32 to vector<16xi32>
      %mul3A_214 = arith.muli %mul3A_213, %add3A_211 : vector<16xi32>
      %add3A_215 = vector.broadcast %mul3A_208 : i32 to vector<16xi32>
      %add3A_216 = arith.addi %add3A_215, %mul3A_214 : vector<16xi32>
      %gather3A_217 = tpu.vector_load_idx %arg5[%add3A_216] : memref<12800xi32, #tpu.memory_space<vmem>>[vector<16xi32>], vector<16xi32>,
      %add3A_218 = arith.constant 1 : i32
      %add3A_219 = vector.broadcast %add3A_218 : i32 to vector<16xi32>
      %add3A_220 = arith.addi %add3A_216, %add3A_219 : vector<16xi32>
      %gather3A_221 = tpu.vector_load_idx %arg5[%add3A_220] : memref<12800xi32, #tpu.memory_space<vmem>>[vector<16xi32>], vector<16xi32>,
      %mul3A_222 = arith.constant 88 : i32
      %mul3A_223 = vector.broadcast %mul3A_222 : i32 to vector<16xi32>
      %mul3A_224 = arith.muli %gather3A_217, %mul3A_223 : vector<16xi32>
      %add3A_225 = arith.addi %mul3A_224, %gather3A_221 : vector<16xi32>
      %swap3A_226 = arith.constant 96 : index
      %swap3A_227 = tpu.vector_load %arg6[%swap3A_226] {strides = array<i32>} : memref<128xi32, #tpu.memory_space<vmem>>, vector<16xi32>,
      tpu.vector_store %arg6[%swap3A_226], %add3A_225 {strides = array<i32>} : memref<128xi32, #tpu.memory_space<vmem>>, vector<16xi32>,
      %mul3A_228 = arith.constant 2 : i32
      %mul3A_229 = arith.muli %rem3A_45, %mul3A_228 : i32
      %mul3A_230 = arith.constant 3200 : i32
      %mul3A_231 = arith.muli %mul3A_229, %mul3A_230 : i32
      %add3A_232 = arith.constant 112 : i32
      %add3A_233 = vector.broadcast %add3A_232 : i32 to vector<16xi32>
      %add3A_234 = arith.addi %add3A_233, %iota3A : vector<16xi32>
      %mul3A_235 = arith.constant 2 : i32
      %mul3A_236 = vector.broadcast %mul3A_235 : i32 to vector<16xi32>
      %mul3A_237 = arith.muli %mul3A_236, %add3A_234 : vector<16xi32>
      %add3A_238 = vector.broadcast %mul3A_231 : i32 to vector<16xi32>
      %add3A_239 = arith.addi %add3A_238, %mul3A_237 : vector<16xi32>
      %gather3A_240 = tpu.vector_load_idx %arg5[%add3A_239] : memref<12800xi32, #tpu.memory_space<vmem>>[vector<16xi32>], vector<16xi32>,
      %add3A_241 = arith.constant 1 : i32
      %add3A_242 = vector.broadcast %add3A_241 : i32 to vector<16xi32>
      %add3A_243 = arith.addi %add3A_239, %add3A_242 : vector<16xi32>
      %gather3A_244 = tpu.vector_load_idx %arg5[%add3A_243] : memref<12800xi32, #tpu.memory_space<vmem>>[vector<16xi32>], vector<16xi32>,
      %mul3A_245 = arith.constant 88 : i32
      %mul3A_246 = vector.broadcast %mul3A_245 : i32 to vector<16xi32>
      %mul3A_247 = arith.muli %gather3A_240, %mul3A_246 : vector<16xi32>
      %add3A_248 = arith.addi %mul3A_247, %gather3A_244 : vector<16xi32>
      %swap3A_249 = arith.constant 112 : index
      %swap3A_250 = tpu.vector_load %arg6[%swap3A_249] {strides = array<i32>} : memref<128xi32, #tpu.memory_space<vmem>>, vector<16xi32>,
      tpu.vector_store %arg6[%swap3A_249], %add3A_248 {strides = array<i32>} : memref<128xi32, #tpu.memory_space<vmem>>, vector<16xi32>,
      %dma_start3A_251 = arith.constant 0 : i32
      %dma_start3A_252 = tpu.memref_reshape %arg8 : memref<256x128xf32, #tpu.memory_space<vmem>> -> memref<128x256xf32, #tpu.memory_space<vmem>>
      %dma_start3A_253 = arith.constant 0 : i32
      %dma_start3A_254 = arith.constant 0 : i32
      %dma_start3A_255 = tpu.memref_slice %arg2[%dma_start3A_253, %dma_start3A_254] : memref<7568x256xf32, #tpu.memory_space<hbm>> -> memref<7568x256xf32, #tpu.memory_space<hbm>>
      %dma_start3A_256 = tpu.memref_slice %arg11[%dma_start3A_251] : memref<2x!tpu.dma_semaphore, #tpu.memory_space<semaphore_mem>> -> memref<1x!tpu.dma_semaphore, #tpu.memory_space<semaphore_mem>>
      %dma_start3A_257 = tpu.memref_squeeze %dma_start3A_256 : memref<1x!tpu.dma_semaphore, #tpu.memory_space<semaphore_mem>> -> memref<!tpu.dma_semaphore, #tpu.memory_space<semaphore_mem>>
      tpu.enqueue_indirect_dma source(%dma_start3A_255 : memref<7568x256xf32, #tpu.memory_space<hbm>>) target(%dma_start3A_252 : memref<128x256xf32, #tpu.memory_space<vmem>>) offsets(%arg6 : memref<128xi32, #tpu.memory_space<vmem>>) semaphore(%dma_start3A_257 : memref<!tpu.dma_semaphore, #tpu.memory_space<semaphore_mem>>)
      %scan3A_258 = arith.constant 0 : i32
      %scan3A_259 = arith.constant 12 : i32
      %scan3A_260 = arith.addi %scan3A_258, %scan3A_259 : i32
      %scan3A_261 = arith.constant 1 : i32
      scf.for %scan3A_284 = %scan3A_258 to %scan3A_260 step %scan3A_261  : i32 {
        %mul3A_285 = arith.constant 2 : i32
        %mul3A_286 = arith.muli %scan3A_284, %mul3A_285 : i32
        %add3A_287 = arith.constant 0 : i32
        %add3A_288 = arith.addi %add3A_287, %mul3A_286 : i32
        %add3A_289 = arith.constant 0 : i32
        %add3A_290 = arith.addi %add3A_288, %add3A_289 : i32
        %dma_wait3A_291 = arith.constant 0 : i32
        %dma_wait3A_292 = tpu.memref_reshape %arg8 : memref<256x128xf32, #tpu.memory_space<vmem>> -> memref<128x256xf32, #tpu.memory_space<vmem>>
        %dma_wait3A_293 = arith.constant 0 : i32
        %dma_wait3A_294 = arith.constant 0 : i32
        %dma_wait3A_295 = tpu.memref_slice %arg2[%dma_wait3A_293, %dma_wait3A_294] : memref<7568x256xf32, #tpu.memory_space<hbm>> -> memref<7568x256xf32, #tpu.memory_space<hbm>>
        %dma_wait3A_296 = tpu.memref_slice %arg11[%dma_wait3A_291] : memref<2x!tpu.dma_semaphore, #tpu.memory_space<semaphore_mem>> -> memref<1x!tpu.dma_semaphore, #tpu.memory_space<semaphore_mem>>
        %dma_wait3A_297 = tpu.memref_squeeze %dma_wait3A_296 : memref<1x!tpu.dma_semaphore, #tpu.memory_space<semaphore_mem>> -> memref<!tpu.dma_semaphore, #tpu.memory_space<semaphore_mem>>
        tpu.wait_indirect_dma semaphore(%dma_wait3A_297 : memref<!tpu.dma_semaphore, #tpu.memory_space<semaphore_mem>>) src(%dma_wait3A_295 : memref<7568x256xf32, #tpu.memory_space<hbm>>) dst(%dma_wait3A_292 : memref<128x256xf32, #tpu.memory_space<vmem>>)
        %mul3A_298 = arith.constant 2 : i32
        %mul3A_299 = arith.muli %add3A_44, %mul3A_298 : i32
        %mul3A_300 = arith.constant 3200 : i32
        %mul3A_301 = arith.muli %mul3A_299, %mul3A_300 : i32
        %add3A_302 = arith.addi %mul3A_4, %mul3A_301 : i32
        %mul3A_303 = arith.constant 2 : i32
        %mul3A_304 = arith.muli %add3A_290, %mul3A_303 : i32
        %mul3A_305 = arith.constant 128 : i32
        %mul3A_306 = arith.muli %mul3A_304, %mul3A_305 : i32
        %add3A_307 = arith.addi %add3A_302, %mul3A_306 : i32
        %dma_start3A_308 = arith.constant 0 : i32
        %dma_start3A_309 = arith.constant 0 : i32
        %dma_start3A_310 = tpu.memref_slice %arg4[%add3A_307, %dma_start3A_309] : memref<3276800x128xf32, #tpu.memory_space<hbm>> -> memref<256x128xf32, #tpu.memory_space<hbm>>
        %dma_start3A_311 = tpu.memref_slice %arg12[%dma_start3A_308] : memref<2x!tpu.dma_semaphore, #tpu.memory_space<semaphore_mem>> -> memref<1x!tpu.dma_semaphore, #tpu.memory_space<semaphore_mem>>
        %dma_start3A_312 = tpu.memref_squeeze %dma_start3A_311 : memref<1x!tpu.dma_semaphore, #tpu.memory_space<semaphore_mem>> -> memref<!tpu.dma_semaphore, #tpu.memory_space<semaphore_mem>>
        %dma_start3A_313 = arith.constant 0 : i32
        %dma_start3A_314 = tpu.memref_slice %arg4[%add3A_307, %dma_start3A_313] : memref<3276800x128xf32, #tpu.memory_space<hbm>> -> memref<256x128xf32, #tpu.memory_space<hbm>>
        tpu.enqueue_dma source(%arg8 : memref<256x128xf32, #tpu.memory_space<vmem>>) target(%dma_start3A_314 : memref<256x128xf32, #tpu.memory_space<hbm>>) target_semaphore(%dma_start3A_312 : memref<!tpu.dma_semaphore, #tpu.memory_space<semaphore_mem>>)
        %gt3A_315 = arith.constant 0 : i32
        %gt3A_316 = arith.cmpi sgt, %add3A_44, %gt3A_315 : i32
        %ge3A = arith.constant 1 : i32
        %ge3A_317 = arith.cmpi sge, %add3A_290, %ge3A : i32
        %or3A = arith.ori %gt3A_316, %ge3A_317 : i1
        %convert_element_type3A_318 = arith.extui %or3A : i1 to i32
        %cond3A_319 = arith.constant 0 : i32
        %cond3A_320 = arith.cmpi ne, %convert_element_type3A_318, %cond3A_319 : i32
        scf.if %cond3A_320 {
          %mul3A_789 = arith.constant 2 : i32
          %mul3A_790 = arith.muli %add3A_44, %mul3A_789 : i32
          %mul3A_791 = arith.constant 3200 : i32
          %mul3A_792 = arith.muli %mul3A_790, %mul3A_791 : i32
          %add3A_793 = arith.addi %mul3A_4, %mul3A_792 : i32
          %add3A_794 = arith.constant 0 : i32
          %add3A_795 = arith.addi %add3A_793, %add3A_794 : i32
          %dma_wait3A_796 = arith.constant 1 : i32
          %dma_wait3A_797 = arith.constant 0 : i32
          %dma_wait3A_798 = tpu.memref_slice %arg4[%add3A_795, %dma_wait3A_797] : memref<3276800x128xf32, #tpu.memory_space<hbm>> -> memref<256x128xf32, #tpu.memory_space<hbm>>
          %dma_wait3A_799 = tpu.memref_slice %arg12[%dma_wait3A_796] : memref<2x!tpu.dma_semaphore, #tpu.memory_space<semaphore_mem>> -> memref<1x!tpu.dma_semaphore, #tpu.memory_space<semaphore_mem>>
          %dma_wait3A_800 = tpu.memref_squeeze %dma_wait3A_799 : memref<1x!tpu.dma_semaphore, #tpu.memory_space<semaphore_mem>> -> memref<!tpu.dma_semaphore, #tpu.memory_space<semaphore_mem>>
          %dma_wait3A_801 = arith.constant 0 : i32
          %dma_wait3A_802 = tpu.memref_slice %arg4[%add3A_795, %dma_wait3A_801] : memref<3276800x128xf32, #tpu.memory_space<hbm>> -> memref<256x128xf32, #tpu.memory_space<hbm>>
          tpu.wait_dma2 semaphore(%dma_wait3A_800 : memref<!tpu.dma_semaphore, #tpu.memory_space<semaphore_mem>>) src(%arg9 : memref<256x128xf32, #tpu.memory_space<vmem>>) dst(%dma_wait3A_802 : memref<256x128xf32, #tpu.memory_space<hbm>>)
        } else {
        }
        %add3A_321 = arith.constant 1 : i32
        %add3A_322 = arith.addi %add3A_290, %add3A_321 : i32
        %mul3A_323 = arith.constant 2 : i32
        %mul3A_324 = arith.muli %rem3A_45, %mul3A_323 : i32
        %mul3A_325 = arith.constant 3200 : i32
        %mul3A_326 = arith.muli %mul3A_324, %mul3A_325 : i32
        %mul3A_327 = arith.constant 128 : i32
        %mul3A_328 = arith.muli %add3A_322, %mul3A_327 : i32
        %add3A_329 = arith.constant 0 : i32
        %add3A_330 = arith.addi %mul3A_328, %add3A_329 : i32
        %add3A_331 = vector.broadcast %add3A_330 : i32 to vector<16xi32>
        %add3A_332 = arith.addi %add3A_331, %iota3A : vector<16xi32>
        %mul3A_333 = arith.constant 2 : i32
        %mul3A_334 = vector.broadcast %mul3A_333 : i32 to vector<16xi32>
        %mul3A_335 = arith.muli %mul3A_334, %add3A_332 : vector<16xi32>
        %add3A_336 = vector.broadcast %mul3A_326 : i32 to vector<16xi32>
        %add3A_337 = arith.addi %add3A_336, %mul3A_335 : vector<16xi32>
        %gather3A_338 = tpu.vector_load_idx %arg5[%add3A_337] : memref<12800xi32, #tpu.memory_space<vmem>>[vector<16xi32>], vector<16xi32>,
        %add3A_339 = arith.constant 1 : i32
        %add3A_340 = vector.broadcast %add3A_339 : i32 to vector<16xi32>
        %add3A_341 = arith.addi %add3A_337, %add3A_340 : vector<16xi32>
        %gather3A_342 = tpu.vector_load_idx %arg5[%add3A_341] : memref<12800xi32, #tpu.memory_space<vmem>>[vector<16xi32>], vector<16xi32>,
        %mul3A_343 = arith.constant 88 : i32
        %mul3A_344 = vector.broadcast %mul3A_343 : i32 to vector<16xi32>
        %mul3A_345 = arith.muli %gather3A_338, %mul3A_344 : vector<16xi32>
        %add3A_346 = arith.addi %mul3A_345, %gather3A_342 : vector<16xi32>
        %swap3A_347 = arith.constant 0 : index
        %swap3A_348 = tpu.vector_load %arg7[%swap3A_347] {strides = array<i32>} : memref<128xi32, #tpu.memory_space<vmem>>, vector<16xi32>,
        tpu.vector_store %arg7[%swap3A_347], %add3A_346 {strides = array<i32>} : memref<128xi32, #tpu.memory_space<vmem>>, vector<16xi32>,
        %mul3A_349 = arith.constant 2 : i32
        %mul3A_350 = arith.muli %rem3A_45, %mul3A_349 : i32
        %mul3A_351 = arith.constant 3200 : i32
        %mul3A_352 = arith.muli %mul3A_350, %mul3A_351 : i32
        %mul3A_353 = arith.constant 128 : i32
        %mul3A_354 = arith.muli %add3A_322, %mul3A_353 : i32
        %add3A_355 = arith.constant 16 : i32
        %add3A_356 = arith.addi %mul3A_354, %add3A_355 : i32
        %add3A_357 = vector.broadcast %add3A_356 : i32 to vector<16xi32>
        %add3A_358 = arith.addi %add3A_357, %iota3A : vector<16xi32>
        %mul3A_359 = arith.constant 2 : i32
        %mul3A_360 = vector.broadcast %mul3A_359 : i32 to vector<16xi32>
        %mul3A_361 = arith.muli %mul3A_360, %add3A_358 : vector<16xi32>
        %add3A_362 = vector.broadcast %mul3A_352 : i32 to vector<16xi32>
        %add3A_363 = arith.addi %add3A_362, %mul3A_361 : vector<16xi32>
        %gather3A_364 = tpu.vector_load_idx %arg5[%add3A_363] : memref<12800xi32, #tpu.memory_space<vmem>>[vector<16xi32>], vector<16xi32>,
        %add3A_365 = arith.constant 1 : i32
        %add3A_366 = vector.broadcast %add3A_365 : i32 to vector<16xi32>
        %add3A_367 = arith.addi %add3A_363, %add3A_366 : vector<16xi32>
        %gather3A_368 = tpu.vector_load_idx %arg5[%add3A_367] : memref<12800xi32, #tpu.memory_space<vmem>>[vector<16xi32>], vector<16xi32>,
        %mul3A_369 = arith.constant 88 : i32
        %mul3A_370 = vector.broadcast %mul3A_369 : i32 to vector<16xi32>
        %mul3A_371 = arith.muli %gather3A_364, %mul3A_370 : vector<16xi32>
        %add3A_372 = arith.addi %mul3A_371, %gather3A_368 : vector<16xi32>
        %swap3A_373 = arith.constant 16 : index
        %swap3A_374 = tpu.vector_load %arg7[%swap3A_373] {strides = array<i32>} : memref<128xi32, #tpu.memory_space<vmem>>, vector<16xi32>,
        tpu.vector_store %arg7[%swap3A_373], %add3A_372 {strides = array<i32>} : memref<128xi32, #tpu.memory_space<vmem>>, vector<16xi32>,
        %mul3A_375 = arith.constant 2 : i32
        %mul3A_376 = arith.muli %rem3A_45, %mul3A_375 : i32
        %mul3A_377 = arith.constant 3200 : i32
        %mul3A_378 = arith.muli %mul3A_376, %mul3A_377 : i32
        %mul3A_379 = arith.constant 128 : i32
        %mul3A_380 = arith.muli %add3A_322, %mul3A_379 : i32
        %add3A_381 = arith.constant 32 : i32
        %add3A_382 = arith.addi %mul3A_380, %add3A_381 : i32
        %add3A_383 = vector.broadcast %add3A_382 : i32 to vector<16xi32>
        %add3A_384 = arith.addi %add3A_383, %iota3A : vector<16xi32>
        %mul3A_385 = arith.constant 2 : i32
        %mul3A_386 = vector.broadcast %mul3A_385 : i32 to vector<16xi32>
        %mul3A_387 = arith.muli %mul3A_386, %add3A_384 : vector<16xi32>
        %add3A_388 = vector.broadcast %mul3A_378 : i32 to vector<16xi32>
        %add3A_389 = arith.addi %add3A_388, %mul3A_387 : vector<16xi32>
        %gather3A_390 = tpu.vector_load_idx %arg5[%add3A_389] : memref<12800xi32, #tpu.memory_space<vmem>>[vector<16xi32>], vector<16xi32>,
        %add3A_391 = arith.constant 1 : i32
        %add3A_392 = vector.broadcast %add3A_391 : i32 to vector<16xi32>
        %add3A_393 = arith.addi %add3A_389, %add3A_392 : vector<16xi32>
        %gather3A_394 = tpu.vector_load_idx %arg5[%add3A_393] : memref<12800xi32, #tpu.memory_space<vmem>>[vector<16xi32>], vector<16xi32>,
        %mul3A_395 = arith.constant 88 : i32
        %mul3A_396 = vector.broadcast %mul3A_395 : i32 to vector<16xi32>
        %mul3A_397 = arith.muli %gather3A_390, %mul3A_396 : vector<16xi32>
        %add3A_398 = arith.addi %mul3A_397, %gather3A_394 : vector<16xi32>
        %swap3A_399 = arith.constant 32 : index
        %swap3A_400 = tpu.vector_load %arg7[%swap3A_399] {strides = array<i32>} : memref<128xi32, #tpu.memory_space<vmem>>, vector<16xi32>,
        tpu.vector_store %arg7[%swap3A_399], %add3A_398 {strides = array<i32>} : memref<128xi32, #tpu.memory_space<vmem>>, vector<16xi32>,
        %mul3A_401 = arith.constant 2 : i32
        %mul3A_402 = arith.muli %rem3A_45, %mul3A_401 : i32
        %mul3A_403 = arith.constant 3200 : i32
        %mul3A_404 = arith.muli %mul3A_402, %mul3A_403 : i32
        %mul3A_405 = arith.constant 128 : i32
        %mul3A_406 = arith.muli %add3A_322, %mul3A_405 : i32
        %add3A_407 = arith.constant 48 : i32
        %add3A_408 = arith.addi %mul3A_406, %add3A_407 : i32
        %add3A_409 = vector.broadcast %add3A_408 : i32 to vector<16xi32>
        %add3A_410 = arith.addi %add3A_409, %iota3A : vector<16xi32>
        %mul3A_411 = arith.constant 2 : i32
        %mul3A_412 = vector.broadcast %mul3A_411 : i32 to vector<16xi32>
        %mul3A_413 = arith.muli %mul3A_412, %add3A_410 : vector<16xi32>
        %add3A_414 = vector.broadcast %mul3A_404 : i32 to vector<16xi32>
        %add3A_415 = arith.addi %add3A_414, %mul3A_413 : vector<16xi32>
        %gather3A_416 = tpu.vector_load_idx %arg5[%add3A_415] : memref<12800xi32, #tpu.memory_space<vmem>>[vector<16xi32>], vector<16xi32>,
        %add3A_417 = arith.constant 1 : i32
        %add3A_418 = vector.broadcast %add3A_417 : i32 to vector<16xi32>
        %add3A_419 = arith.addi %add3A_415, %add3A_418 : vector<16xi32>
        %gather3A_420 = tpu.vector_load_idx %arg5[%add3A_419] : memref<12800xi32, #tpu.memory_space<vmem>>[vector<16xi32>], vector<16xi32>,
        %mul3A_421 = arith.constant 88 : i32
        %mul3A_422 = vector.broadcast %mul3A_421 : i32 to vector<16xi32>
        %mul3A_423 = arith.muli %gather3A_416, %mul3A_422 : vector<16xi32>
        %add3A_424 = arith.addi %mul3A_423, %gather3A_420 : vector<16xi32>
        %swap3A_425 = arith.constant 48 : index
        %swap3A_426 = tpu.vector_load %arg7[%swap3A_425] {strides = array<i32>} : memref<128xi32, #tpu.memory_space<vmem>>, vector<16xi32>,
        tpu.vector_store %arg7[%swap3A_425], %add3A_424 {strides = array<i32>} : memref<128xi32, #tpu.memory_space<vmem>>, vector<16xi32>,
        %mul3A_427 = arith.constant 2 : i32
        %mul3A_428 = arith.muli %rem3A_45, %mul3A_427 : i32
        %mul3A_429 = arith.constant 3200 : i32
        %mul3A_430 = arith.muli %mul3A_428, %mul3A_429 : i32
        %mul3A_431 = arith.constant 128 : i32
        %mul3A_432 = arith.muli %add3A_322, %mul3A_431 : i32
        %add3A_433 = arith.constant 64 : i32
        %add3A_434 = arith.addi %mul3A_432, %add3A_433 : i32
        %add3A_435 = vector.broadcast %add3A_434 : i32 to vector<16xi32>
        %add3A_436 = arith.addi %add3A_435, %iota3A : vector<16xi32>
        %mul3A_437 = arith.constant 2 : i32
        %mul3A_438 = vector.broadcast %mul3A_437 : i32 to vector<16xi32>
        %mul3A_439 = arith.muli %mul3A_438, %add3A_436 : vector<16xi32>
        %add3A_440 = vector.broadcast %mul3A_430 : i32 to vector<16xi32>
        %add3A_441 = arith.addi %add3A_440, %mul3A_439 : vector<16xi32>
        %gather3A_442 = tpu.vector_load_idx %arg5[%add3A_441] : memref<12800xi32, #tpu.memory_space<vmem>>[vector<16xi32>], vector<16xi32>,
        %add3A_443 = arith.constant 1 : i32
        %add3A_444 = vector.broadcast %add3A_443 : i32 to vector<16xi32>
        %add3A_445 = arith.addi %add3A_441, %add3A_444 : vector<16xi32>
        %gather3A_446 = tpu.vector_load_idx %arg5[%add3A_445] : memref<12800xi32, #tpu.memory_space<vmem>>[vector<16xi32>], vector<16xi32>,
        %mul3A_447 = arith.constant 88 : i32
        %mul3A_448 = vector.broadcast %mul3A_447 : i32 to vector<16xi32>
        %mul3A_449 = arith.muli %gather3A_442, %mul3A_448 : vector<16xi32>
        %add3A_450 = arith.addi %mul3A_449, %gather3A_446 : vector<16xi32>
        %swap3A_451 = arith.constant 64 : index
        %swap3A_452 = tpu.vector_load %arg7[%swap3A_451] {strides = array<i32>} : memref<128xi32, #tpu.memory_space<vmem>>, vector<16xi32>,
        tpu.vector_store %arg7[%swap3A_451], %add3A_450 {strides = array<i32>} : memref<128xi32, #tpu.memory_space<vmem>>, vector<16xi32>,
        %mul3A_453 = arith.constant 2 : i32
        %mul3A_454 = arith.muli %rem3A_45, %mul3A_453 : i32
        %mul3A_455 = arith.constant 3200 : i32
        %mul3A_456 = arith.muli %mul3A_454, %mul3A_455 : i32
        %mul3A_457 = arith.constant 128 : i32
        %mul3A_458 = arith.muli %add3A_322, %mul3A_457 : i32
        %add3A_459 = arith.constant 80 : i32
        %add3A_460 = arith.addi %mul3A_458, %add3A_459 : i32
        %add3A_461 = vector.broadcast %add3A_460 : i32 to vector<16xi32>
        %add3A_462 = arith.addi %add3A_461, %iota3A : vector<16xi32>
        %mul3A_463 = arith.constant 2 : i32
        %mul3A_464 = vector.broadcast %mul3A_463 : i32 to vector<16xi32>
        %mul3A_465 = arith.muli %mul3A_464, %add3A_462 : vector<16xi32>
        %add3A_466 = vector.broadcast %mul3A_456 : i32 to vector<16xi32>
        %add3A_467 = arith.addi %add3A_466, %mul3A_465 : vector<16xi32>
        %gather3A_468 = tpu.vector_load_idx %arg5[%add3A_467] : memref<12800xi32, #tpu.memory_space<vmem>>[vector<16xi32>], vector<16xi32>,
        %add3A_469 = arith.constant 1 : i32
        %add3A_470 = vector.broadcast %add3A_469 : i32 to vector<16xi32>
        %add3A_471 = arith.addi %add3A_467, %add3A_470 : vector<16xi32>
        %gather3A_472 = tpu.vector_load_idx %arg5[%add3A_471] : memref<12800xi32, #tpu.memory_space<vmem>>[vector<16xi32>], vector<16xi32>,
        %mul3A_473 = arith.constant 88 : i32
        %mul3A_474 = vector.broadcast %mul3A_473 : i32 to vector<16xi32>
        %mul3A_475 = arith.muli %gather3A_468, %mul3A_474 : vector<16xi32>
        %add3A_476 = arith.addi %mul3A_475, %gather3A_472 : vector<16xi32>
        %swap3A_477 = arith.constant 80 : index
        %swap3A_478 = tpu.vector_load %arg7[%swap3A_477] {strides = array<i32>} : memref<128xi32, #tpu.memory_space<vmem>>, vector<16xi32>,
        tpu.vector_store %arg7[%swap3A_477], %add3A_476 {strides = array<i32>} : memref<128xi32, #tpu.memory_space<vmem>>, vector<16xi32>,
        %mul3A_479 = arith.constant 2 : i32
        %mul3A_480 = arith.muli %rem3A_45, %mul3A_479 : i32
        %mul3A_481 = arith.constant 3200 : i32
        %mul3A_482 = arith.muli %mul3A_480, %mul3A_481 : i32
        %mul3A_483 = arith.constant 128 : i32
        %mul3A_484 = arith.muli %add3A_322, %mul3A_483 : i32
        %add3A_485 = arith.constant 96 : i32
        %add3A_486 = arith.addi %mul3A_484, %add3A_485 : i32
        %add3A_487 = vector.broadcast %add3A_486 : i32 to vector<16xi32>
        %add3A_488 = arith.addi %add3A_487, %iota3A : vector<16xi32>
        %mul3A_489 = arith.constant 2 : i32
        %mul3A_490 = vector.broadcast %mul3A_489 : i32 to vector<16xi32>
        %mul3A_491 = arith.muli %mul3A_490, %add3A_488 : vector<16xi32>
        %add3A_492 = vector.broadcast %mul3A_482 : i32 to vector<16xi32>
        %add3A_493 = arith.addi %add3A_492, %mul3A_491 : vector<16xi32>
        %gather3A_494 = tpu.vector_load_idx %arg5[%add3A_493] : memref<12800xi32, #tpu.memory_space<vmem>>[vector<16xi32>], vector<16xi32>,
        %add3A_495 = arith.constant 1 : i32
        %add3A_496 = vector.broadcast %add3A_495 : i32 to vector<16xi32>
        %add3A_497 = arith.addi %add3A_493, %add3A_496 : vector<16xi32>
        %gather3A_498 = tpu.vector_load_idx %arg5[%add3A_497] : memref<12800xi32, #tpu.memory_space<vmem>>[vector<16xi32>], vector<16xi32>,
        %mul3A_499 = arith.constant 88 : i32
        %mul3A_500 = vector.broadcast %mul3A_499 : i32 to vector<16xi32>
        %mul3A_501 = arith.muli %gather3A_494, %mul3A_500 : vector<16xi32>
        %add3A_502 = arith.addi %mul3A_501, %gather3A_498 : vector<16xi32>
        %swap3A_503 = arith.constant 96 : index
        %swap3A_504 = tpu.vector_load %arg7[%swap3A_503] {strides = array<i32>} : memref<128xi32, #tpu.memory_space<vmem>>, vector<16xi32>,
        tpu.vector_store %arg7[%swap3A_503], %add3A_502 {strides = array<i32>} : memref<128xi32, #tpu.memory_space<vmem>>, vector<16xi32>,
        %mul3A_505 = arith.constant 2 : i32
        %mul3A_506 = arith.muli %rem3A_45, %mul3A_505 : i32
        %mul3A_507 = arith.constant 3200 : i32
        %mul3A_508 = arith.muli %mul3A_506, %mul3A_507 : i32
        %mul3A_509 = arith.constant 128 : i32
        %mul3A_510 = arith.muli %add3A_322, %mul3A_509 : i32
        %add3A_511 = arith.constant 112 : i32
        %add3A_512 = arith.addi %mul3A_510, %add3A_511 : i32
        %add3A_513 = vector.broadcast %add3A_512 : i32 to vector<16xi32>
        %add3A_514 = arith.addi %add3A_513, %iota3A : vector<16xi32>
        %mul3A_515 = arith.constant 2 : i32
        %mul3A_516 = vector.broadcast %mul3A_515 : i32 to vector<16xi32>
        %mul3A_517 = arith.muli %mul3A_516, %add3A_514 : vector<16xi32>
        %add3A_518 = vector.broadcast %mul3A_508 : i32 to vector<16xi32>
        %add3A_519 = arith.addi %add3A_518, %mul3A_517 : vector<16xi32>
        %gather3A_520 = tpu.vector_load_idx %arg5[%add3A_519] : memref<12800xi32, #tpu.memory_space<vmem>>[vector<16xi32>], vector<16xi32>,
        %add3A_521 = arith.constant 1 : i32
        %add3A_522 = vector.broadcast %add3A_521 : i32 to vector<16xi32>
        %add3A_523 = arith.addi %add3A_519, %add3A_522 : vector<16xi32>
        %gather3A_524 = tpu.vector_load_idx %arg5[%add3A_523] : memref<12800xi32, #tpu.memory_space<vmem>>[vector<16xi32>], vector<16xi32>,
        %mul3A_525 = arith.constant 88 : i32
        %mul3A_526 = vector.broadcast %mul3A_525 : i32 to vector<16xi32>
        %mul3A_527 = arith.muli %gather3A_520, %mul3A_526 : vector<16xi32>
        %add3A_528 = arith.addi %mul3A_527, %gather3A_524 : vector<16xi32>
        %swap3A_529 = arith.constant 112 : index
        %swap3A_530 = tpu.vector_load %arg7[%swap3A_529] {strides = array<i32>} : memref<128xi32, #tpu.memory_space<vmem>>, vector<16xi32>,
        tpu.vector_store %arg7[%swap3A_529], %add3A_528 {strides = array<i32>} : memref<128xi32, #tpu.memory_space<vmem>>, vector<16xi32>,
        %dma_start3A_531 = arith.constant 1 : i32
        %dma_start3A_532 = tpu.memref_reshape %arg9 : memref<256x128xf32, #tpu.memory_space<vmem>> -> memref<128x256xf32, #tpu.memory_space<vmem>>
        %dma_start3A_533 = arith.constant 0 : i32
        %dma_start3A_534 = arith.constant 0 : i32
        %dma_start3A_535 = tpu.memref_slice %arg2[%dma_start3A_533, %dma_start3A_534] : memref<7568x256xf32, #tpu.memory_space<hbm>> -> memref<7568x256xf32, #tpu.memory_space<hbm>>
        %dma_start3A_536 = tpu.memref_slice %arg11[%dma_start3A_531] : memref<2x!tpu.dma_semaphore, #tpu.memory_space<semaphore_mem>> -> memref<1x!tpu.dma_semaphore, #tpu.memory_space<semaphore_mem>>
        %dma_start3A_537 = tpu.memref_squeeze %dma_start3A_536 : memref<1x!tpu.dma_semaphore, #tpu.memory_space<semaphore_mem>> -> memref<!tpu.dma_semaphore, #tpu.memory_space<semaphore_mem>>
        tpu.enqueue_indirect_dma source(%dma_start3A_535 : memref<7568x256xf32, #tpu.memory_space<hbm>>) target(%dma_start3A_532 : memref<128x256xf32, #tpu.memory_space<vmem>>) offsets(%arg7 : memref<128xi32, #tpu.memory_space<vmem>>) semaphore(%dma_start3A_537 : memref<!tpu.dma_semaphore, #tpu.memory_space<semaphore_mem>>)
        %add3A_538 = arith.constant 1 : i32
        %add3A_539 = arith.addi %add3A_288, %add3A_538 : i32
        %dma_wait3A_540 = arith.constant 1 : i32
        %dma_wait3A_541 = tpu.memref_reshape %arg9 : memref<256x128xf32, #tpu.memory_space<vmem>> -> memref<128x256xf32, #tpu.memory_space<vmem>>
        %dma_wait3A_542 = arith.constant 0 : i32
        %dma_wait3A_543 = arith.constant 0 : i32
        %dma_wait3A_544 = tpu.memref_slice %arg2[%dma_wait3A_542, %dma_wait3A_543] : memref<7568x256xf32, #tpu.memory_space<hbm>> -> memref<7568x256xf32, #tpu.memory_space<hbm>>
        %dma_wait3A_545 = tpu.memref_slice %arg11[%dma_wait3A_540] : memref<2x!tpu.dma_semaphore, #tpu.memory_space<semaphore_mem>> -> memref<1x!tpu.dma_semaphore, #tpu.memory_space<semaphore_mem>>
        %dma_wait3A_546 = tpu.memref_squeeze %dma_wait3A_545 : memref<1x!tpu.dma_semaphore, #tpu.memory_space<semaphore_mem>> -> memref<!tpu.dma_semaphore, #tpu.memory_space<semaphore_mem>>
        tpu.wait_indirect_dma semaphore(%dma_wait3A_546 : memref<!tpu.dma_semaphore, #tpu.memory_space<semaphore_mem>>) src(%dma_wait3A_544 : memref<7568x256xf32, #tpu.memory_space<hbm>>) dst(%dma_wait3A_541 : memref<128x256xf32, #tpu.memory_space<vmem>>)
        %mul3A_547 = arith.constant 2 : i32
        %mul3A_548 = arith.muli %add3A_44, %mul3A_547 : i32
        %mul3A_549 = arith.constant 3200 : i32
        %mul3A_550 = arith.muli %mul3A_548, %mul3A_549 : i32
        %add3A_551 = arith.addi %mul3A_4, %mul3A_550 : i32
        %mul3A_552 = arith.constant 2 : i32
        %mul3A_553 = arith.muli %add3A_539, %mul3A_552 : i32
        %mul3A_554 = arith.constant 128 : i32
        %mul3A_555 = arith.muli %mul3A_553, %mul3A_554 : i32
        %add3A_556 = arith.addi %add3A_551, %mul3A_555 : i32
        %dma_start3A_557 = arith.constant 1 : i32
        %dma_start3A_558 = arith.constant 0 : i32
        %dma_start3A_559 = tpu.memref_slice %arg4[%add3A_556, %dma_start3A_558] : memref<3276800x128xf32, #tpu.memory_space<hbm>> -> memref<256x128xf32, #tpu.memory_space<hbm>>
        %dma_start3A_560 = tpu.memref_slice %arg12[%dma_start3A_557] : memref<2x!tpu.dma_semaphore, #tpu.memory_space<semaphore_mem>> -> memref<1x!tpu.dma_semaphore, #tpu.memory_space<semaphore_mem>>
        %dma_start3A_561 = tpu.memref_squeeze %dma_start3A_560 : memref<1x!tpu.dma_semaphore, #tpu.memory_space<semaphore_mem>> -> memref<!tpu.dma_semaphore, #tpu.memory_space<semaphore_mem>>
        %dma_start3A_562 = arith.constant 0 : i32
        %dma_start3A_563 = tpu.memref_slice %arg4[%add3A_556, %dma_start3A_562] : memref<3276800x128xf32, #tpu.memory_space<hbm>> -> memref<256x128xf32, #tpu.memory_space<hbm>>
        tpu.enqueue_dma source(%arg9 : memref<256x128xf32, #tpu.memory_space<vmem>>) target(%dma_start3A_563 : memref<256x128xf32, #tpu.memory_space<hbm>>) target_semaphore(%dma_start3A_561 : memref<!tpu.dma_semaphore, #tpu.memory_space<semaphore_mem>>)
        %gt3A_564 = arith.constant 0 : i32
        %gt3A_565 = arith.cmpi sgt, %add3A_44, %gt3A_564 : i32
        %ge3A_566 = arith.constant 1 : i32
        %ge3A_567 = arith.cmpi sge, %add3A_539, %ge3A_566 : i32
        %or3A_568 = arith.ori %gt3A_565, %ge3A_567 : i1
        %convert_element_type3A_569 = arith.extui %or3A_568 : i1 to i32
        %cond3A_570 = arith.constant 0 : i32
        %cond3A_571 = arith.cmpi ne, %convert_element_type3A_569, %cond3A_570 : i32
        scf.if %cond3A_571 {
          %mul3A_789 = arith.constant 2 : i32
          %mul3A_790 = arith.muli %add3A_44, %mul3A_789 : i32
          %mul3A_791 = arith.constant 3200 : i32
          %mul3A_792 = arith.muli %mul3A_790, %mul3A_791 : i32
          %add3A_793 = arith.addi %mul3A_4, %mul3A_792 : i32
          %add3A_794 = arith.constant 0 : i32
          %add3A_795 = arith.addi %add3A_793, %add3A_794 : i32
          %dma_wait3A_796 = arith.constant 0 : i32
          %dma_wait3A_797 = arith.constant 0 : i32
          %dma_wait3A_798 = tpu.memref_slice %arg4[%add3A_795, %dma_wait3A_797] : memref<3276800x128xf32, #tpu.memory_space<hbm>> -> memref<256x128xf32, #tpu.memory_space<hbm>>
          %dma_wait3A_799 = tpu.memref_slice %arg12[%dma_wait3A_796] : memref<2x!tpu.dma_semaphore, #tpu.memory_space<semaphore_mem>> -> memref<1x!tpu.dma_semaphore, #tpu.memory_space<semaphore_mem>>
          %dma_wait3A_800 = tpu.memref_squeeze %dma_wait3A_799 : memref<1x!tpu.dma_semaphore, #tpu.memory_space<semaphore_mem>> -> memref<!tpu.dma_semaphore, #tpu.memory_space<semaphore_mem>>
          %dma_wait3A_801 = arith.constant 0 : i32
          %dma_wait3A_802 = tpu.memref_slice %arg4[%add3A_795, %dma_wait3A_801] : memref<3276800x128xf32, #tpu.memory_space<hbm>> -> memref<256x128xf32, #tpu.memory_space<hbm>>
          tpu.wait_dma2 semaphore(%dma_wait3A_800 : memref<!tpu.dma_semaphore, #tpu.memory_space<semaphore_mem>>) src(%arg8 : memref<256x128xf32, #tpu.memory_space<vmem>>) dst(%dma_wait3A_802 : memref<256x128xf32, #tpu.memory_space<hbm>>)
        } else {
        }
        %add3A_572 = arith.constant 1 : i32
        %add3A_573 = arith.addi %add3A_539, %add3A_572 : i32
        %mul3A_574 = arith.constant 2 : i32
        %mul3A_575 = arith.muli %rem3A_45, %mul3A_574 : i32
        %mul3A_576 = arith.constant 3200 : i32
        %mul3A_577 = arith.muli %mul3A_575, %mul3A_576 : i32
        %mul3A_578 = arith.constant 128 : i32
        %mul3A_579 = arith.muli %add3A_573, %mul3A_578 : i32
        %add3A_580 = arith.constant 0 : i32
        %add3A_581 = arith.addi %mul3A_579, %add3A_580 : i32
        %add3A_582 = vector.broadcast %add3A_581 : i32 to vector<16xi32>
        %add3A_583 = arith.addi %add3A_582, %iota3A : vector<16xi32>
        %mul3A_584 = arith.constant 2 : i32
        %mul3A_585 = vector.broadcast %mul3A_584 : i32 to vector<16xi32>
        %mul3A_586 = arith.muli %mul3A_585, %add3A_583 : vector<16xi32>
        %add3A_587 = vector.broadcast %mul3A_577 : i32 to vector<16xi32>
        %add3A_588 = arith.addi %add3A_587, %mul3A_586 : vector<16xi32>
        %gather3A_589 = tpu.vector_load_idx %arg5[%add3A_588] : memref<12800xi32, #tpu.memory_space<vmem>>[vector<16xi32>], vector<16xi32>,
        %add3A_590 = arith.constant 1 : i32
        %add3A_591 = vector.broadcast %add3A_590 : i32 to vector<16xi32>
        %add3A_592 = arith.addi %add3A_588, %add3A_591 : vector<16xi32>
        %gather3A_593 = tpu.vector_load_idx %arg5[%add3A_592] : memref<12800xi32, #tpu.memory_space<vmem>>[vector<16xi32>], vector<16xi32>,
        %mul3A_594 = arith.constant 88 : i32
        %mul3A_595 = vector.broadcast %mul3A_594 : i32 to vector<16xi32>
        %mul3A_596 = arith.muli %gather3A_589, %mul3A_595 : vector<16xi32>
        %add3A_597 = arith.addi %mul3A_596, %gather3A_593 : vector<16xi32>
        %swap3A_598 = arith.constant 0 : index
        %swap3A_599 = tpu.vector_load %arg6[%swap3A_598] {strides = array<i32>} : memref<128xi32, #tpu.memory_space<vmem>>, vector<16xi32>,
        tpu.vector_store %arg6[%swap3A_598], %add3A_597 {strides = array<i32>} : memref<128xi32, #tpu.memory_space<vmem>>, vector<16xi32>,
        %mul3A_600 = arith.constant 2 : i32
        %mul3A_601 = arith.muli %rem3A_45, %mul3A_600 : i32
        %mul3A_602 = arith.constant 3200 : i32
        %mul3A_603 = arith.muli %mul3A_601, %mul3A_602 : i32
        %mul3A_604 = arith.constant 128 : i32
        %mul3A_605 = arith.muli %add3A_573, %mul3A_604 : i32
        %add3A_606 = arith.constant 16 : i32
        %add3A_607 = arith.addi %mul3A_605, %add3A_606 : i32
        %add3A_608 = vector.broadcast %add3A_607 : i32 to vector<16xi32>
        %add3A_609 = arith.addi %add3A_608, %iota3A : vector<16xi32>
        %mul3A_610 = arith.constant 2 : i32
        %mul3A_611 = vector.broadcast %mul3A_610 : i32 to vector<16xi32>
        %mul3A_612 = arith.muli %mul3A_611, %add3A_609 : vector<16xi32>
        %add3A_613 = vector.broadcast %mul3A_603 : i32 to vector<16xi32>
        %add3A_614 = arith.addi %add3A_613, %mul3A_612 : vector<16xi32>
        %gather3A_615 = tpu.vector_load_idx %arg5[%add3A_614] : memref<12800xi32, #tpu.memory_space<vmem>>[vector<16xi32>], vector<16xi32>,
        %add3A_616 = arith.constant 1 : i32
        %add3A_617 = vector.broadcast %add3A_616 : i32 to vector<16xi32>
        %add3A_618 = arith.addi %add3A_614, %add3A_617 : vector<16xi32>
        %gather3A_619 = tpu.vector_load_idx %arg5[%add3A_618] : memref<12800xi32, #tpu.memory_space<vmem>>[vector<16xi32>], vector<16xi32>,
        %mul3A_620 = arith.constant 88 : i32
        %mul3A_621 = vector.broadcast %mul3A_620 : i32 to vector<16xi32>
        %mul3A_622 = arith.muli %gather3A_615, %mul3A_621 : vector<16xi32>
        %add3A_623 = arith.addi %mul3A_622, %gather3A_619 : vector<16xi32>
        %swap3A_624 = arith.constant 16 : index
        %swap3A_625 = tpu.vector_load %arg6[%swap3A_624] {strides = array<i32>} : memref<128xi32, #tpu.memory_space<vmem>>, vector<16xi32>,
        tpu.vector_store %arg6[%swap3A_624], %add3A_623 {strides = array<i32>} : memref<128xi32, #tpu.memory_space<vmem>>, vector<16xi32>,
        %mul3A_626 = arith.constant 2 : i32
        %mul3A_627 = arith.muli %rem3A_45, %mul3A_626 : i32
        %mul3A_628 = arith.constant 3200 : i32
        %mul3A_629 = arith.muli %mul3A_627, %mul3A_628 : i32
        %mul3A_630 = arith.constant 128 : i32
        %mul3A_631 = arith.muli %add3A_573, %mul3A_630 : i32
        %add3A_632 = arith.constant 32 : i32
        %add3A_633 = arith.addi %mul3A_631, %add3A_632 : i32
        %add3A_634 = vector.broadcast %add3A_633 : i32 to vector<16xi32>
        %add3A_635 = arith.addi %add3A_634, %iota3A : vector<16xi32>
        %mul3A_636 = arith.constant 2 : i32
        %mul3A_637 = vector.broadcast %mul3A_636 : i32 to vector<16xi32>
        %mul3A_638 = arith.muli %mul3A_637, %add3A_635 : vector<16xi32>
        %add3A_639 = vector.broadcast %mul3A_629 : i32 to vector<16xi32>
        %add3A_640 = arith.addi %add3A_639, %mul3A_638 : vector<16xi32>
        %gather3A_641 = tpu.vector_load_idx %arg5[%add3A_640] : memref<12800xi32, #tpu.memory_space<vmem>>[vector<16xi32>], vector<16xi32>,
        %add3A_642 = arith.constant 1 : i32
        %add3A_643 = vector.broadcast %add3A_642 : i32 to vector<16xi32>
        %add3A_644 = arith.addi %add3A_640, %add3A_643 : vector<16xi32>
        %gather3A_645 = tpu.vector_load_idx %arg5[%add3A_644] : memref<12800xi32, #tpu.memory_space<vmem>>[vector<16xi32>], vector<16xi32>,
        %mul3A_646 = arith.constant 88 : i32
        %mul3A_647 = vector.broadcast %mul3A_646 : i32 to vector<16xi32>
        %mul3A_648 = arith.muli %gather3A_641, %mul3A_647 : vector<16xi32>
        %add3A_649 = arith.addi %mul3A_648, %gather3A_645 : vector<16xi32>
        %swap3A_650 = arith.constant 32 : index
        %swap3A_651 = tpu.vector_load %arg6[%swap3A_650] {strides = array<i32>} : memref<128xi32, #tpu.memory_space<vmem>>, vector<16xi32>,
        tpu.vector_store %arg6[%swap3A_650], %add3A_649 {strides = array<i32>} : memref<128xi32, #tpu.memory_space<vmem>>, vector<16xi32>,
        %mul3A_652 = arith.constant 2 : i32
        %mul3A_653 = arith.muli %rem3A_45, %mul3A_652 : i32
        %mul3A_654 = arith.constant 3200 : i32
        %mul3A_655 = arith.muli %mul3A_653, %mul3A_654 : i32
        %mul3A_656 = arith.constant 128 : i32
        %mul3A_657 = arith.muli %add3A_573, %mul3A_656 : i32
        %add3A_658 = arith.constant 48 : i32
        %add3A_659 = arith.addi %mul3A_657, %add3A_658 : i32
        %add3A_660 = vector.broadcast %add3A_659 : i32 to vector<16xi32>
        %add3A_661 = arith.addi %add3A_660, %iota3A : vector<16xi32>
        %mul3A_662 = arith.constant 2 : i32
        %mul3A_663 = vector.broadcast %mul3A_662 : i32 to vector<16xi32>
        %mul3A_664 = arith.muli %mul3A_663, %add3A_661 : vector<16xi32>
        %add3A_665 = vector.broadcast %mul3A_655 : i32 to vector<16xi32>
        %add3A_666 = arith.addi %add3A_665, %mul3A_664 : vector<16xi32>
        %gather3A_667 = tpu.vector_load_idx %arg5[%add3A_666] : memref<12800xi32, #tpu.memory_space<vmem>>[vector<16xi32>], vector<16xi32>,
        %add3A_668 = arith.constant 1 : i32
        %add3A_669 = vector.broadcast %add3A_668 : i32 to vector<16xi32>
        %add3A_670 = arith.addi %add3A_666, %add3A_669 : vector<16xi32>
        %gather3A_671 = tpu.vector_load_idx %arg5[%add3A_670] : memref<12800xi32, #tpu.memory_space<vmem>>[vector<16xi32>], vector<16xi32>,
        %mul3A_672 = arith.constant 88 : i32
        %mul3A_673 = vector.broadcast %mul3A_672 : i32 to vector<16xi32>
        %mul3A_674 = arith.muli %gather3A_667, %mul3A_673 : vector<16xi32>
        %add3A_675 = arith.addi %mul3A_674, %gather3A_671 : vector<16xi32>
        %swap3A_676 = arith.constant 48 : index
        %swap3A_677 = tpu.vector_load %arg6[%swap3A_676] {strides = array<i32>} : memref<128xi32, #tpu.memory_space<vmem>>, vector<16xi32>,
        tpu.vector_store %arg6[%swap3A_676], %add3A_675 {strides = array<i32>} : memref<128xi32, #tpu.memory_space<vmem>>, vector<16xi32>,
        %mul3A_678 = arith.constant 2 : i32
        %mul3A_679 = arith.muli %rem3A_45, %mul3A_678 : i32
        %mul3A_680 = arith.constant 3200 : i32
        %mul3A_681 = arith.muli %mul3A_679, %mul3A_680 : i32
        %mul3A_682 = arith.constant 128 : i32
        %mul3A_683 = arith.muli %add3A_573, %mul3A_682 : i32
        %add3A_684 = arith.constant 64 : i32
        %add3A_685 = arith.addi %mul3A_683, %add3A_684 : i32
        %add3A_686 = vector.broadcast %add3A_685 : i32 to vector<16xi32>
        %add3A_687 = arith.addi %add3A_686, %iota3A : vector<16xi32>
        %mul3A_688 = arith.constant 2 : i32
        %mul3A_689 = vector.broadcast %mul3A_688 : i32 to vector<16xi32>
        %mul3A_690 = arith.muli %mul3A_689, %add3A_687 : vector<16xi32>
        %add3A_691 = vector.broadcast %mul3A_681 : i32 to vector<16xi32>
        %add3A_692 = arith.addi %add3A_691, %mul3A_690 : vector<16xi32>
        %gather3A_693 = tpu.vector_load_idx %arg5[%add3A_692] : memref<12800xi32, #tpu.memory_space<vmem>>[vector<16xi32>], vector<16xi32>,
        %add3A_694 = arith.constant 1 : i32
        %add3A_695 = vector.broadcast %add3A_694 : i32 to vector<16xi32>
        %add3A_696 = arith.addi %add3A_692, %add3A_695 : vector<16xi32>
        %gather3A_697 = tpu.vector_load_idx %arg5[%add3A_696] : memref<12800xi32, #tpu.memory_space<vmem>>[vector<16xi32>], vector<16xi32>,
        %mul3A_698 = arith.constant 88 : i32
        %mul3A_699 = vector.broadcast %mul3A_698 : i32 to vector<16xi32>
        %mul3A_700 = arith.muli %gather3A_693, %mul3A_699 : vector<16xi32>
        %add3A_701 = arith.addi %mul3A_700, %gather3A_697 : vector<16xi32>
        %swap3A_702 = arith.constant 64 : index
        %swap3A_703 = tpu.vector_load %arg6[%swap3A_702] {strides = array<i32>} : memref<128xi32, #tpu.memory_space<vmem>>, vector<16xi32>,
        tpu.vector_store %arg6[%swap3A_702], %add3A_701 {strides = array<i32>} : memref<128xi32, #tpu.memory_space<vmem>>, vector<16xi32>,
        %mul3A_704 = arith.constant 2 : i32
        %mul3A_705 = arith.muli %rem3A_45, %mul3A_704 : i32
        %mul3A_706 = arith.constant 3200 : i32
        %mul3A_707 = arith.muli %mul3A_705, %mul3A_706 : i32
        %mul3A_708 = arith.constant 128 : i32
        %mul3A_709 = arith.muli %add3A_573, %mul3A_708 : i32
        %add3A_710 = arith.constant 80 : i32
        %add3A_711 = arith.addi %mul3A_709, %add3A_710 : i32
        %add3A_712 = vector.broadcast %add3A_711 : i32 to vector<16xi32>
        %add3A_713 = arith.addi %add3A_712, %iota3A : vector<16xi32>
        %mul3A_714 = arith.constant 2 : i32
        %mul3A_715 = vector.broadcast %mul3A_714 : i32 to vector<16xi32>
        %mul3A_716 = arith.muli %mul3A_715, %add3A_713 : vector<16xi32>
        %add3A_717 = vector.broadcast %mul3A_707 : i32 to vector<16xi32>
        %add3A_718 = arith.addi %add3A_717, %mul3A_716 : vector<16xi32>
        %gather3A_719 = tpu.vector_load_idx %arg5[%add3A_718] : memref<12800xi32, #tpu.memory_space<vmem>>[vector<16xi32>], vector<16xi32>,
        %add3A_720 = arith.constant 1 : i32
        %add3A_721 = vector.broadcast %add3A_720 : i32 to vector<16xi32>
        %add3A_722 = arith.addi %add3A_718, %add3A_721 : vector<16xi32>
        %gather3A_723 = tpu.vector_load_idx %arg5[%add3A_722] : memref<12800xi32, #tpu.memory_space<vmem>>[vector<16xi32>], vector<16xi32>,
        %mul3A_724 = arith.constant 88 : i32
        %mul3A_725 = vector.broadcast %mul3A_724 : i32 to vector<16xi32>
        %mul3A_726 = arith.muli %gather3A_719, %mul3A_725 : vector<16xi32>
        %add3A_727 = arith.addi %mul3A_726, %gather3A_723 : vector<16xi32>
        %swap3A_728 = arith.constant 80 : index
        %swap3A_729 = tpu.vector_load %arg6[%swap3A_728] {strides = array<i32>} : memref<128xi32, #tpu.memory_space<vmem>>, vector<16xi32>,
        tpu.vector_store %arg6[%swap3A_728], %add3A_727 {strides = array<i32>} : memref<128xi32, #tpu.memory_space<vmem>>, vector<16xi32>,
        %mul3A_730 = arith.constant 2 : i32
        %mul3A_731 = arith.muli %rem3A_45, %mul3A_730 : i32
        %mul3A_732 = arith.constant 3200 : i32
        %mul3A_733 = arith.muli %mul3A_731, %mul3A_732 : i32
        %mul3A_734 = arith.constant 128 : i32
        %mul3A_735 = arith.muli %add3A_573, %mul3A_734 : i32
        %add3A_736 = arith.constant 96 : i32
        %add3A_737 = arith.addi %mul3A_735, %add3A_736 : i32
        %add3A_738 = vector.broadcast %add3A_737 : i32 to vector<16xi32>
        %add3A_739 = arith.addi %add3A_738, %iota3A : vector<16xi32>
        %mul3A_740 = arith.constant 2 : i32
        %mul3A_741 = vector.broadcast %mul3A_740 : i32 to vector<16xi32>
        %mul3A_742 = arith.muli %mul3A_741, %add3A_739 : vector<16xi32>
        %add3A_743 = vector.broadcast %mul3A_733 : i32 to vector<16xi32>
        %add3A_744 = arith.addi %add3A_743, %mul3A_742 : vector<16xi32>
        %gather3A_745 = tpu.vector_load_idx %arg5[%add3A_744] : memref<12800xi32, #tpu.memory_space<vmem>>[vector<16xi32>], vector<16xi32>,
        %add3A_746 = arith.constant 1 : i32
        %add3A_747 = vector.broadcast %add3A_746 : i32 to vector<16xi32>
        %add3A_748 = arith.addi %add3A_744, %add3A_747 : vector<16xi32>
        %gather3A_749 = tpu.vector_load_idx %arg5[%add3A_748] : memref<12800xi32, #tpu.memory_space<vmem>>[vector<16xi32>], vector<16xi32>,
        %mul3A_750 = arith.constant 88 : i32
        %mul3A_751 = vector.broadcast %mul3A_750 : i32 to vector<16xi32>
        %mul3A_752 = arith.muli %gather3A_745, %mul3A_751 : vector<16xi32>
        %add3A_753 = arith.addi %mul3A_752, %gather3A_749 : vector<16xi32>
        %swap3A_754 = arith.constant 96 : index
        %swap3A_755 = tpu.vector_load %arg6[%swap3A_754] {strides = array<i32>} : memref<128xi32, #tpu.memory_space<vmem>>, vector<16xi32>,
        tpu.vector_store %arg6[%swap3A_754], %add3A_753 {strides = array<i32>} : memref<128xi32, #tpu.memory_space<vmem>>, vector<16xi32>,
        %mul3A_756 = arith.constant 2 : i32
        %mul3A_757 = arith.muli %rem3A_45, %mul3A_756 : i32
        %mul3A_758 = arith.constant 3200 : i32
        %mul3A_759 = arith.muli %mul3A_757, %mul3A_758 : i32
        %mul3A_760 = arith.constant 128 : i32
        %mul3A_761 = arith.muli %add3A_573, %mul3A_760 : i32
        %add3A_762 = arith.constant 112 : i32
        %add3A_763 = arith.addi %mul3A_761, %add3A_762 : i32
        %add3A_764 = vector.broadcast %add3A_763 : i32 to vector<16xi32>
        %add3A_765 = arith.addi %add3A_764, %iota3A : vector<16xi32>
        %mul3A_766 = arith.constant 2 : i32
        %mul3A_767 = vector.broadcast %mul3A_766 : i32 to vector<16xi32>
        %mul3A_768 = arith.muli %mul3A_767, %add3A_765 : vector<16xi32>
        %add3A_769 = vector.broadcast %mul3A_759 : i32 to vector<16xi32>
        %add3A_770 = arith.addi %add3A_769, %mul3A_768 : vector<16xi32>
        %gather3A_771 = tpu.vector_load_idx %arg5[%add3A_770] : memref<12800xi32, #tpu.memory_space<vmem>>[vector<16xi32>], vector<16xi32>,
        %add3A_772 = arith.constant 1 : i32
        %add3A_773 = vector.broadcast %add3A_772 : i32 to vector<16xi32>
        %add3A_774 = arith.addi %add3A_770, %add3A_773 : vector<16xi32>
        %gather3A_775 = tpu.vector_load_idx %arg5[%add3A_774] : memref<12800xi32, #tpu.memory_space<vmem>>[vector<16xi32>], vector<16xi32>,
        %mul3A_776 = arith.constant 88 : i32
        %mul3A_777 = vector.broadcast %mul3A_776 : i32 to vector<16xi32>
        %mul3A_778 = arith.muli %gather3A_771, %mul3A_777 : vector<16xi32>
        %add3A_779 = arith.addi %mul3A_778, %gather3A_775 : vector<16xi32>
        %swap3A_780 = arith.constant 112 : index
        %swap3A_781 = tpu.vector_load %arg6[%swap3A_780] {strides = array<i32>} : memref<128xi32, #tpu.memory_space<vmem>>, vector<16xi32>,
        tpu.vector_store %arg6[%swap3A_780], %add3A_779 {strides = array<i32>} : memref<128xi32, #tpu.memory_space<vmem>>, vector<16xi32>,
        %dma_start3A_782 = arith.constant 0 : i32
        %dma_start3A_783 = tpu.memref_reshape %arg8 : memref<256x128xf32, #tpu.memory_space<vmem>> -> memref<128x256xf32, #tpu.memory_space<vmem>>
        %dma_start3A_784 = arith.constant 0 : i32
        %dma_start3A_785 = arith.constant 0 : i32
        %dma_start3A_786 = tpu.memref_slice %arg2[%dma_start3A_784, %dma_start3A_785] : memref<7568x256xf32, #tpu.memory_space<hbm>> -> memref<7568x256xf32, #tpu.memory_space<hbm>>
        %dma_start3A_787 = tpu.memref_slice %arg11[%dma_start3A_782] : memref<2x!tpu.dma_semaphore, #tpu.memory_space<semaphore_mem>> -> memref<1x!tpu.dma_semaphore, #tpu.memory_space<semaphore_mem>>
        %dma_start3A_788 = tpu.memref_squeeze %dma_start3A_787 : memref<1x!tpu.dma_semaphore, #tpu.memory_space<semaphore_mem>> -> memref<!tpu.dma_semaphore, #tpu.memory_space<semaphore_mem>>
        tpu.enqueue_indirect_dma source(%dma_start3A_786 : memref<7568x256xf32, #tpu.memory_space<hbm>>) target(%dma_start3A_783 : memref<128x256xf32, #tpu.memory_space<vmem>>) offsets(%arg6 : memref<128xi32, #tpu.memory_space<vmem>>) semaphore(%dma_start3A_788 : memref<!tpu.dma_semaphore, #tpu.memory_space<semaphore_mem>>)
      }
      %scan3A_262 = arith.constant 12 : i32
      %dma_wait3A_263 = arith.constant 0 : i32
      %dma_wait3A_264 = tpu.memref_reshape %arg8 : memref<256x128xf32, #tpu.memory_space<vmem>> -> memref<128x256xf32, #tpu.memory_space<vmem>>
      %dma_wait3A_265 = arith.constant 0 : i32
      %dma_wait3A_266 = arith.constant 0 : i32
      %dma_wait3A_267 = tpu.memref_slice %arg2[%dma_wait3A_265, %dma_wait3A_266] : memref<7568x256xf32, #tpu.memory_space<hbm>> -> memref<7568x256xf32, #tpu.memory_space<hbm>>
      %dma_wait3A_268 = tpu.memref_slice %arg11[%dma_wait3A_263] : memref<2x!tpu.dma_semaphore, #tpu.memory_space<semaphore_mem>> -> memref<1x!tpu.dma_semaphore, #tpu.memory_space<semaphore_mem>>
      %dma_wait3A_269 = tpu.memref_squeeze %dma_wait3A_268 : memref<1x!tpu.dma_semaphore, #tpu.memory_space<semaphore_mem>> -> memref<!tpu.dma_semaphore, #tpu.memory_space<semaphore_mem>>
      tpu.wait_indirect_dma semaphore(%dma_wait3A_269 : memref<!tpu.dma_semaphore, #tpu.memory_space<semaphore_mem>>) src(%dma_wait3A_267 : memref<7568x256xf32, #tpu.memory_space<hbm>>) dst(%dma_wait3A_264 : memref<128x256xf32, #tpu.memory_space<vmem>>)
      %mul3A_270 = arith.constant 2 : i32
      %mul3A_271 = arith.muli %add3A_44, %mul3A_270 : i32
      %mul3A_272 = arith.constant 3200 : i32
      %mul3A_273 = arith.muli %mul3A_271, %mul3A_272 : i32
      %add3A_274 = arith.addi %mul3A_4, %mul3A_273 : i32
      %add3A_275 = arith.constant 6144 : i32
      %add3A_276 = arith.addi %add3A_274, %add3A_275 : i32
      %dma_start3A_277 = arith.constant 0 : i32
      %dma_start3A_278 = arith.constant 0 : i32
      %dma_start3A_279 = tpu.memref_slice %arg4[%add3A_276, %dma_start3A_278] : memref<3276800x128xf32, #tpu.memory_space<hbm>> -> memref<256x128xf32, #tpu.memory_space<hbm>>
      %dma_start3A_280 = tpu.memref_slice %arg12[%dma_start3A_277] : memref<2x!tpu.dma_semaphore, #tpu.memory_space<semaphore_mem>> -> memref<1x!tpu.dma_semaphore, #tpu.memory_space<semaphore_mem>>
      %dma_start3A_281 = tpu.memref_squeeze %dma_start3A_280 : memref<1x!tpu.dma_semaphore, #tpu.memory_space<semaphore_mem>> -> memref<!tpu.dma_semaphore, #tpu.memory_space<semaphore_mem>>
      %dma_start3A_282 = arith.constant 0 : i32
      %dma_start3A_283 = tpu.memref_slice %arg4[%add3A_276, %dma_start3A_282] : memref<3276800x128xf32, #tpu.memory_space<hbm>> -> memref<256x128xf32, #tpu.memory_space<hbm>>
      tpu.enqueue_dma source(%arg8 : memref<256x128xf32, #tpu.memory_space<vmem>>) target(%dma_start3A_283 : memref<256x128xf32, #tpu.memory_space<hbm>>) target_semaphore(%dma_start3A_281 : memref<!tpu.dma_semaphore, #tpu.memory_space<semaphore_mem>>)
    }
    %scan3A_18 = arith.constant 16 : i32
    %add3A_19 = arith.constant 0 : i32
    %add3A_20 = arith.addi %mul3A_4, %add3A_19 : i32
    %add3A_21 = arith.constant 0 : i32
    %add3A_22 = arith.addi %add3A_20, %add3A_21 : i32
    %dma_wait3A = arith.constant 0 : i32
    %dma_wait3A_23 = arith.constant 0 : i32
    %dma_wait3A_24 = tpu.memref_slice %arg4[%add3A_22, %dma_wait3A_23] : memref<3276800x128xf32, #tpu.memory_space<hbm>> -> memref<256x128xf32, #tpu.memory_space<hbm>>
    %dma_wait3A_25 = tpu.memref_slice %arg12[%dma_wait3A] : memref<2x!tpu.dma_semaphore, #tpu.memory_space<semaphore_mem>> -> memref<1x!tpu.dma_semaphore, #tpu.memory_space<semaphore_mem>>
    %dma_wait3A_26 = tpu.memref_squeeze %dma_wait3A_25 : memref<1x!tpu.dma_semaphore, #tpu.memory_space<semaphore_mem>> -> memref<!tpu.dma_semaphore, #tpu.memory_space<semaphore_mem>>
    %dma_wait3A_27 = arith.constant 0 : i32
    %dma_wait3A_28 = tpu.memref_slice %arg4[%add3A_22, %dma_wait3A_27] : memref<3276800x128xf32, #tpu.memory_space<hbm>> -> memref<256x128xf32, #tpu.memory_space<hbm>>
    tpu.wait_dma2 semaphore(%dma_wait3A_26 : memref<!tpu.dma_semaphore, #tpu.memory_space<semaphore_mem>>) src(%arg8 : memref<256x128xf32, #tpu.memory_space<vmem>>) dst(%dma_wait3A_28 : memref<256x128xf32, #tpu.memory_space<hbm>>)
    %add3A_29 = arith.constant 0 : i32
    %add3A_30 = arith.addi %mul3A_4, %add3A_29 : i32
    %add3A_31 = arith.constant 0 : i32
    %add3A_32 = arith.addi %add3A_30, %add3A_31 : i32
    %dma_wait3A_33 = arith.constant 1 : i32
    %dma_wait3A_34 = arith.constant 0 : i32
    %dma_wait3A_35 = tpu.memref_slice %arg4[%add3A_32, %dma_wait3A_34] : memref<3276800x128xf32, #tpu.memory_space<hbm>> -> memref<256x128xf32, #tpu.memory_space<hbm>>
    %dma_wait3A_36 = tpu.memref_slice %arg12[%dma_wait3A_33] : memref<2x!tpu.dma_semaphore, #tpu.memory_space<semaphore_mem>> -> memref<1x!tpu.dma_semaphore, #tpu.memory_space<semaphore_mem>>
    %dma_wait3A_37 = tpu.memref_squeeze %dma_wait3A_36 : memref<1x!tpu.dma_semaphore, #tpu.memory_space<semaphore_mem>> -> memref<!tpu.dma_semaphore, #tpu.memory_space<semaphore_mem>>
    %dma_wait3A_38 = arith.constant 0 : i32
    %dma_wait3A_39 = tpu.memref_slice %arg4[%add3A_32, %dma_wait3A_38] : memref<3276800x128xf32, #tpu.memory_space<hbm>> -> memref<256x128xf32, #tpu.memory_space<hbm>>
    tpu.wait_dma2 semaphore(%dma_wait3A_37 : memref<!tpu.dma_semaphore, #tpu.memory_space<semaphore_mem>>) src(%arg9 : memref<256x128xf32, #tpu.memory_space<vmem>>) dst(%dma_wait3A_39 : memref<256x128xf32, #tpu.memory_space<hbm>>)
    return
  }
}

module attributes {stable_mosaic.version = 14 : i64} {
  func.func @body(%arg0: memref<86x128xf32, #tpu.memory_space<vmem>>, %arg1: memref<7568x256xf32, #tpu.memory_space<vmem>>) attributes {dimension_semantics = [], scalar_prefetch = 0 : i64, scratch_operands = 0 : i64, tpu.core_type = #tpu.core_type<tc>} {
    %get3A = arith.constant 0 : index
    %get3A_0 = arith.constant 0 : index
    %get3A_1 = vector.load %arg0[%get3A, %get3A_0] : memref<86x128xf32, #tpu.memory_space<vmem>>, vector<86x128xf32>
    %broadcast_in_dim3A = arith.constant 0.000000e+00 : f32
    %broadcast_in_dim3A_2 = vector.broadcast %broadcast_in_dim3A : f32 to vector<2x128xf32>
    %concatenate3A = tpu.concatenate %get3A_1, %broadcast_in_dim3A_2 in 0 : vector<86x128xf32>, vector<2x128xf32> -> vector<88x128xf32>
    %broadcast_in_dim3A_3 = vector.shape_cast %get3A_1 : vector<86x128xf32> to vector<86x1x128xf32>
    %broadcast_in_dim3A_4 = vector.shape_cast %broadcast_in_dim3A_3 : vector<86x1x128xf32> to vector<86x1x128xf32>
    %broadcast_in_dim3A_5 = vector.broadcast %broadcast_in_dim3A_4 : vector<86x1x128xf32> to vector<86x88x128xf32>
    %reshape3A = vector.shape_cast %broadcast_in_dim3A_5 : vector<86x88x128xf32> to vector<7568x128xf32>
    %swap3A = arith.constant 0 : index
    %swap3A_6 = arith.constant 0 : index
    %swap3A_7 = vector.load %arg1[%swap3A, %swap3A_6] : memref<7568x256xf32, #tpu.memory_space<vmem>>, vector<7568x128xf32>
    tpu.vector_store %arg1[%swap3A, %swap3A_6], %reshape3A {strides = array<i32>} : memref<7568x256xf32, #tpu.memory_space<vmem>>, vector<7568x128xf32>,
    %broadcast_in_dim3A_8 = vector.shape_cast %concatenate3A : vector<88x128xf32> to vector<1x88x128xf32>
    %broadcast_in_dim3A_9 = vector.shape_cast %broadcast_in_dim3A_8 : vector<1x88x128xf32> to vector<1x88x128xf32>
    %broadcast_in_dim3A_10 = vector.broadcast %broadcast_in_dim3A_9 : vector<1x88x128xf32> to vector<86x88x128xf32>
    %reshape3A_11 = vector.shape_cast %broadcast_in_dim3A_10 : vector<86x88x128xf32> to vector<7568x128xf32>
    %swap3A_12 = arith.constant 0 : index
    %swap3A_13 = arith.constant 128 : index
    %swap3A_14 = vector.load %arg1[%swap3A_12, %swap3A_13] : memref<7568x256xf32, #tpu.memory_space<vmem>>, vector<7568x128xf32>
    tpu.vector_store %arg1[%swap3A_12, %swap3A_13], %reshape3A_11 {strides = array<i32>} : memref<7568x256xf32, #tpu.memory_space<vmem>>, vector<7568x128xf32>,
    return
  }
}

</mosaic_0001>

<sc_bundles>
// kernel: kernel.4.cloned.1.call-start
scs
__scs_entry_jumppad:
0x0: {  	(pc) =	sbr.rel $0x88, $3  }
0x1: {  	(tag) =	ssettag $0x0;
	lr =	simm.s32 $0x1  }
0x2: {  	[smem:$0x3F9F] =	sst lr;
	_ =	strace $0xD0000000  }
0x3: {  	_ = 	snop  }
0x4: {  	_ = 	snop  }
0x5: {  	_ = 	snop  }
0x6: {  	_ = 	snop  }
0x7: {  	_ = 	snop  }
__scs_overlays_trampoline_lowered:
0x8: {  	[smem:$0x3FAE] =	sst s0  }
0x9: {  	[smem:$0x3FAF] =	sst s1  }
0xa: {  	[smem:$0x3FB0] =	sst s2  }
0xb: {  	[smem:$0x3FB1] =	sst s3  }
0xc: {  	[smem:$0x3FB2] =	sst s4  }
0xd: {  	[smem:$0x3FB3] =	sst s5  }
0xe: {  	[smem:$0x3FB4] =	sst s6  }
0xf: {  	[smem:$0x3FB5] =	sst s7  }
0x10: {  	[smem:$0x3FB6] =	sst s8  }
0x11: {  	[smem:$0x3FB7] =	sst s9;
	s0 =	simm.s32 @!p0 $0x0  }
0x12: {  	s1 =	sld [smem:$0x3F9D];
	s0 =	simm.s32 @p0 $0x1  }
0x13: {  	[smem:$0x3FB8] =	sst s0;
	s0 =	simm.s32 @!p1 $0x0  }
0x14: {  	s2 =	sld [smem:$0x3F9C];
	s0 =	simm.s32 @p1 $0x1  }
0x15: {  	[smem:$0x3FB9] =	sst s0;
	s0 =	simm.s32 @!p2 $0x0  }
0x16: {  	s3 =	sld [smem:$0x3FDB];
	s0 =	simm.s32 @p2 $0x1  }
0x17: {  	s4 =	simm.s32 $0x1BF5;
	[smem:$0x3FBB] =	sst s0  }
0x18: {  	s0 =	sld [smem:$0x3F9E];
	_ =	swait.ge [sflag:s4], $0x0  }
0x19: {  	s7 =	sld [smem:$0x3F9F]  }
0x1a: {  	s8 =	sadd.s32 $0xFFFFE003, lr  }
0x1b: {  	s9 =	sadd.s32 $0xFFFFFEF7, lr;
	s5 =	simm.s32 $0xFFFFFFFF;
	p2 =	slt.u32 s8, $0xFFFFF086  }
0x1c: {  	p1 =	slt.u32 s9, $0xF7A;
	s5 =	simm.s32 @!p2 $0x0  }
0x1d: {  	s5 =	simm.s32 @p1 $0x1;
	p0 =	seq.s32 s7, s2  }
0x1e: {  	s7 =	smul.u32 @!p0 $0xF7A, s2;
	p2 =	seq.s32 @!p0 s5, $0x0  }
0x1f: {  	s9 =	smul.u32 $0xF7A, s1;
	s8 =	simm.s32 @!p0 $0x1BF5;
	p2 =	por !p2, p0  }
0x20: {  	[sflag:s8] =	ssyncset.s32 @!p0 $0xFFFFF086;
	s6 =	sadd.s32 @!p0 s3, s7;
	s7 =	simm.s32 @!p0 $0x108  }
0x21: {  	s3 =	sadd.s32 s3, s9;
	s6 =	sadd.s32 @!p0 $0x88, s6;
	s7 =	simm.s32 @p2 $0x1082  }
0x22: {  	[simem:s7], [sflag:s8] =	dma.local @!p0 [hbm:s6], $0xF7A  }
0x23: {  	s9 =	sor.u32 $0xD0000000, s2;
	s6 =	simm.s32 $0x108;
	_ =	swait.ge @!p0 [sflag:s8], $0x0  }
0x24: {  	s3 =	sadd.s32 $0x88, s3;
	s6 =	simm.s32 @!p1 $0x1082;
	[sflag:s4] =	ssyncset.s32 $0xFFFFF086  }
0x25: {  	[simem:s6], [sflag:s4] =	dma.local [hbm:s3], $0xF7A  }
0x26: {  	[smem:$0x3F9F] =	sst s1;
	(tag) =	ssettag s2;
	_ =	strace s9  }
0x27: {  	s1 =	sld [smem:$0x3FAF]  }
0x28: {  	s2 =	sld [smem:$0x3FB0]  }
0x29: {  	s4 =	sld [smem:$0x3FB2]  }
0x2a: {  	p0 =	seq.s32 s5, $0x0;
	s5 =	sld [smem:$0x3FB3]  }
0x2b: {  	s6 =	sld [smem:$0x3FB4]  }
0x2c: {  	s7 =	sld [smem:$0x3FB5]  }
0x2d: {  	s3 =	simm.s32 $0x108;
	s8 =	sld [smem:$0x3FB6]  }
0x2e: {  	s3 =	simm.s32 @!p0 $0x1082;
	s9 =	sld [smem:$0x3FB7]  }
0x2f: {  	lr =	sadd.s32 s0, s3;
	s0 =	sld [smem:$0x3FAE]  }
0x30: {  	s3 =	sld [smem:$0x3FB1]  }
0x31: {  	[smem:$0x3FBA] =	sst s10  }
0x32: {  	s10 =	sld [smem:$0x3FB8];
	_ =	sdelay $0x3  }
0x33: {  	p0 =	seq.s32 s10, $0x1;
	s10 =	sld [smem:$0x3FBA];
	_ =	sdelay $0x3  }
0x34: {  	[smem:$0x3FBA] =	sst s10  }
0x35: {  	s10 =	sld [smem:$0x3FB9];
	_ =	sdelay $0x3  }
0x36: {  	p1 =	seq.s32 s10, $0x1;
	s10 =	sld [smem:$0x3FBA];
	_ =	sdelay $0x3  }
0x37: {  	[smem:$0x3FBA] =	sst s10  }
0x38: {  	s10 =	sld [smem:$0x3FBB]  }
0x39: {  	_ = 	snop;
	(pc) =	sbr.ind lr, $3  }
0x3a: {  	_ = 	snop  }
0x3b: {  	_ = 	snop  }
0x3c: {  	p2 =	seq.s32 s10, $0x1;
	s10 =	sld [smem:$0x3FBA]  }
0x3d: {  	_ =	shalt  }
0x3e: {  	_ =	shalt  }
0x3f: {  	_ =	shalt  }
0x40: {  	_ =	shalt  }
0x41: {  	_ =	shalt  }
0x42: {  	_ =	shalt  }
0x43: {  	_ =	shalt  }
0x44: {  	_ =	shalt  }
0x45: {  	_ =	shalt  }
0x46: {  	_ =	shalt  }
0x47: {  	_ =	shalt  }
0x48: {  	_ =	shalt  }
0x49: {  	_ =	shalt  }
0x4a: {  	_ =	shalt  }
0x4b: {  	_ =	shalt  }
0x4c: {  	_ =	shalt  }
0x4d: {  	_ =	shalt  }
0x4e: {  	_ =	shalt  }
0x4f: {  	_ =	shalt  }
0x50: {  	_ =	shalt  }
0x51: {  	_ =	shalt  }
0x52: {  	_ =	shalt  }
0x53: {  	_ =	shalt  }
0x54: {  	_ =	shalt  }
0x55: {  	_ =	shalt  }
0x56: {  	_ =	shalt  }
0x57: {  	_ =	shalt  }
0x58: {  	_ =	shalt  }
0x59: {  	_ =	shalt  }
0x5a: {  	_ =	shalt  }
0x5b: {  	_ =	shalt  }
0x5c: {  	_ =	shalt  }
0x5d: {  	_ =	shalt  }
0x5e: {  	_ =	shalt  }
0x5f: {  	_ =	shalt  }
0x60: {  	_ =	shalt  }
0x61: {  	_ =	shalt  }
0x62: {  	_ =	shalt  }
0x63: {  	_ =	shalt  }
0x64: {  	_ =	shalt  }
0x65: {  	_ =	shalt  }
0x66: {  	_ =	shalt  }
0x67: {  	_ =	shalt  }
0x68: {  	_ =	shalt  }
0x69: {  	_ =	shalt  }
0x6a: {  	_ =	shalt  }
0x6b: {  	_ =	shalt  }
0x6c: {  	_ =	shalt  }
0x6d: {  	_ =	shalt  }
0x6e: {  	_ =	shalt  }
0x6f: {  	_ =	shalt  }
0x70: {  	_ =	shalt  }
0x71: {  	_ =	shalt  }
0x72: {  	_ =	shalt  }
0x73: {  	_ =	shalt  }
0x74: {  	_ =	shalt  }
0x75: {  	_ =	shalt  }
0x76: {  	_ =	shalt  }
0x77: {  	_ =	shalt  }
0x78: {  	_ =	shalt  }
0x79: {  	_ =	shalt  }
0x7a: {  	_ =	shalt  }
0x7b: {  	_ =	shalt  }
0x7c: {  	_ =	shalt  }
0x7d: {  	_ =	shalt  }
0x7e: {  	_ =	shalt  }
0x7f: {  	_ =	shalt  }
0x80: {  	_ =	shalt  }
0x81: {  	_ =	shalt  }
0x82: {  	_ =	shalt  }
0x83: {  	_ =	shalt  }
0x84: {  	_ =	shalt  }
0x85: {  	_ =	shalt  }
0x86: {  	_ =	shalt  }
0x87: {  	_ =	shalt  }
.Lfunc_end0:
.L_simem_size_0:
called_computation_lowered:
.L_overlay_start_0:
0x88: {  	s2 =	sld [smem:$0x3FD9]  }
0x89: {  	s3 =	sld [smem:$0x3FFE];
	_ =	sdelay $0x1  }
0x8a: {  	s1 =	srdreg.scid  }
0x8b: {  	s0 =	sand.u32 $0x1, s1  }
0x8c: {  	s17 =	sshll.u32 s0, $0xA;
	s2 =	sadd.s32 s3, s2  }
0x8d: {  	s2 =	sadd.s32 s2, s17  }
0x8e: {  	[smem:$0x3FC6] =	sst s2  }
0x8f: {  	_ = 	snop  }
0x90: {  	s2 =	sld [smem:$0x3FD0];
	(tm) =	ssettm $0x1  }
0x91: {  	s18 =	sld [smem:$0x3FFB];
	_ =	sdelay $0x3  }
0x92: {  	_ =	strace s18  }
0x93: {  	s3 =	sld [smem:$0x3FFC];
	_ =	sdelay $0x3  }
0x94: {  	_ =	strace s3  }
0x95: {  	s3 =	sld [smem:$0x3FFD];
	_ =	sdelay $0x3  }
0x96: {  	_ =	strace s3  }
0x97: {  	_ =	strace $0x8FFFFFFF  }
0x98: {  	s19 =	sld [smem:$0x3FDB];
	_ =	sdelay $0x1  }
0x99: {  	s4 =	simm.s32 $_scs_section_size  }
0x9a: {  	s5 =	simm.s32 $_size__tile_overlayer_lowered;
	s6 =	simm.s32 $_tile_overlayer_lowered  }
0x9b: {  	s22 =	simm.s32 $0x1BFF;
	s21 =	sshll.u32 s6, $0x1;
	s3 =	sadd.s32 s4, s19  }
0x9c: {  	s7 =	simm.s32 $0x0;
	s20 =	sshll.u32 s5, $0x1;
	s5 =	sadd.s32 s21, s3  }
0x9d: {  	[timem:s7], [sflag:s22] =	dma.local [hbm:s5], s20  }
0x9e: {  	_ =	swait.ge [sflag:s22], s20  }
0x9f: {  	s4 =	ssub.s32 $0x0, s20;
	[sflag:s22] =	ssyncset.done $0x0  }
0xa0: {  	[sflag:s22] =	ssyncadd.s32 s4;
	_ =	sdelay $0x1  }
0xa1: {  	s23 =	simm.s32 $0x1B8B  }
0xa2: {  	_ =	swait.ge [sflag:s23], $0x1  }
0xa3: {  	[sflag:s23] =	ssyncset.done $0x0  }
0xa4: {  	s25 =	simm.s32 $0x1B8E;
	s24 =	sld [smem:$0x3FFE];
	[sflag:s23] =	ssyncadd.s32 $0xFFFFFFFF  }
0xa5: {  	s26 =	simm.s32 $execute0_lowered;
	[smem:$0x3FD2] =	sst s25  }
0xa6: {  	s5 =	sshll.u32 s26, $0x1;
	_ =	strace $0x80000046;
	[dreg:$0x1] =	wrdreg $0xFFFFFFFF  }
0xa7: {  	s28 =	simm.s32 $_size_execute0_lowered;
	s3 =	sadd.s32 s3, s5;
	[dreg:$0x0] =	wrdreg $0x0  }
0xa8: {  	s5 =	sshll.u32 s28, $0x1;
	[dreg:$0x2] =	wrdreg s3  }
0xa9: {  	[dreg:$0x3] =	wrdreg s5  }
0xaa: {  	[dreg:$0x4] =	wrdreg $0xC0  }
0xab: {  	_ =	task [dreg:s7], $0x5FFFF  }
0xac: {  	[dreg:$0x1] =	wrdreg $0xFFFFFFFF  }
0xad: {  	[dreg:$0x0] =	wrdreg $0x60  }
0xae: {  	[dreg:$0x2] =	wrdreg s24  }
0xaf: {  	[dreg:$0x3] =	wrdreg s2  }
0xb0: {  	[dreg:$0x4] =	wrdreg $0x9  }
0xb1: {  	_ =	task.clear_ibuf [dreg:s7], $0x5FFFF;
	_ =	strace $0x90000046  }
0xb2: {  	s29 =	simm.s32 $0x9;
	_ =	strace $0x80000048  }
0xb3: {  	_ =	swait.ge [sflag:s29], $0x1  }
0xb4: {  	[sflag:s29] =	ssyncadd.s32 $0xFFFFFFFF  }
0xb5: {  	_ =	strace $0x90000048  }
0xb6: {  	_ =	sfence  }
0xb7: {  	s30 =	sld [smem:$0x0];
	_ =	sdelay $0x2  }
0xb8: {  	s31 =	sshll.u32 s1, $0xD;
	s1 =	sshrl.u32 s1, $0x2  }
0xb9: {  	s3 =	sand.u32 $0x4000, s31;
	s1 =	sadd.s32 s1, s30  }
0xba: {  	s0 =	sor.u32 s3, s0;
	s1 =	sshll.u32 s1, $0x11  }
0xbb: {  	s0 =	sor.u32 s1, s0  }
0xbc: {  	s0 =	sadd.s32 $0x8F2B, s0  }
0xbd: {  	[sflag:s0] =	ssyncadd.remote.s32 $0x1  }
0xbe: {  	_ =	sfence.sel $0xFFFF  }
0xbf: {  	[dreg:$0x0] =	wrdreg $0xFFFFFFFF;
	(pc) =	sbr.abs _section_cstart, $3  }
0xc0: {  	[dreg:$0x1] =	wrdreg $0xFFFFFFFF  }
0xc1: {  	_ =	task.clear_ibuf [dreg:s7], $0x2FFFF;
	_ =	strace $0x9FFFFFFF  }
0xc2: {  	(tm) =	ssettm $0x7FFFFFFF  }
0xc3: {  	_ =	shalt  }
tec
execute0_lowered:
.L_overlay_start_1:
0x0: {  	(tag) =	ssettag $0x1  }
0x1: {  	s3 =	rddreg [dreg:$0x0]  }
0x2: {  	s0 =	rddreg [dreg:$0x1];
	s1 =	simm.s32 $0x0  }
0x3: {  	s2 =	simm.s32 $0xB400;
	[smem:$0x7FF] =	sst s1  }
0x4: {  	s17 =	simm.s32 $0xB500;
	_ =	strace $0x80000047;
	[dreg:$0x3] =	wrdreg s2  }
0x5: {  	s18 =	simm.s32 $0xB600;
	[dreg:$0x4] =	wrdreg s17  }
0x6: {  	s19 =	simm.s32 $0xB700;
	[dreg:$0x5] =	wrdreg s18  }
0x7: {  	s20 =	simm.s32 $0xB800;
	[dreg:$0x6] =	wrdreg s19  }
0x8: {  	s21 =	simm.s32 $0xB900;
	[dreg:$0x7] =	wrdreg s20  }
0x9: {  	s22 =	simm.s32 $0xBA00;
	[dreg:$0x8] =	wrdreg s21  }
0xa: {  	s23 =	simm.s32 $0xBB00;
	[dreg:$0x9] =	wrdreg s22  }
0xb: {  	s24 =	simm.s32 $0xBC00;
	[dreg:$0xa] =	wrdreg s23  }
0xc: {  	s25 =	simm.s32 $0xBD00;
	[dreg:$0xb] =	wrdreg s24  }
0xd: {  	s26 =	simm.s32 $0xBE00;
	[dreg:$0xc] =	wrdreg s25  }
0xe: {  	s31 =	simm.s32 $0xBF00;
	[dreg:$0xd] =	wrdreg s26  }
0xf: {  	s4 =	simm.s32 $0xC000;
	[dreg:$0xe] =	wrdreg s31  }
0x10: {  	s5 =	simm.s32 $0xC100;
	[dreg:$0xf] =	wrdreg s4  }
0x11: {  	s6 =	simm.s32 $0xC200;
	[dreg:$0x10] =	wrdreg s5  }
0x12: {  	s7 =	simm.s32 $0xC300;
	[dreg:$0x11] =	wrdreg s6  }
0x13: {  	s8 =	simm.s32 $0xC400;
	[dreg:$0x12] =	wrdreg s7  }
0x14: {  	s9 =	simm.s32 $0xC500;
	[dreg:$0x13] =	wrdreg s8  }
0x15: {  	s10 =	simm.s32 $0xC600;
	[dreg:$0x14] =	wrdreg s9  }
0x16: {  	s11 =	simm.s32 $0xC700;
	[dreg:$0x15] =	wrdreg s10  }
0x17: {  	s12 =	simm.s32 $0xC800;
	[dreg:$0x16] =	wrdreg s11  }
0x18: {  	s13 =	simm.s32 $0xC900;
	[dreg:$0x17] =	wrdreg s12  }
0x19: {  	s14 =	simm.s32 $0xCA00;
	[dreg:$0x18] =	wrdreg s13  }
0x1a: {  	s15 =	simm.s32 $0xCB00;
	[dreg:$0x19] =	wrdreg s14  }
0x1b: {  	s16 =	simm.s32 $0xCC00;
	[dreg:$0x1a] =	wrdreg s15  }
0x1c: {  	[dreg:$0x1b] =	wrdreg s16;
	s17 =	simm.s32 $0xCD00  }
0x1d: {  	s18 =	simm.s32 $0xCE00;
	[dreg:$0x1c] =	wrdreg s17  }
0x1e: {  	s19 =	simm.s32 $0xCF00;
	[dreg:$0x1d] =	wrdreg s18  }
0x1f: {  	s20 =	simm.s32 $0xD000;
	[dreg:$0x1e] =	wrdreg s19  }
0x20: {  	s21 =	simm.s32 $0xD100;
	[dreg:$0x1f] =	wrdreg s20  }
0x21: {  	s22 =	simm.s32 $0xD200;
	[smem:$0x796] =	sst s21  }
0x22: {  	s23 =	simm.s32 $0xD300;
	[smem:$0x797] =	sst s22  }
0x23: {  	s24 =	simm.s32 $0xD400;
	[smem:$0x798] =	sst s23  }
0x24: {  	s25 =	simm.s32 $0xD500;
	[smem:$0x799] =	sst s24  }
0x25: {  	s26 =	simm.s32 $0xD600;
	[smem:$0x79A] =	sst s25  }
0x26: {  	s31 =	simm.s32 $0xD700;
	[smem:$0x79B] =	sst s26  }
0x27: {  	s4 =	simm.s32 $0xD800;
	[smem:$0x79C] =	sst s31  }
0x28: {  	s5 =	simm.s32 $0xD900;
	[smem:$0x79D] =	sst s4  }
0x29: {  	s6 =	simm.s32 $0xDA00;
	[smem:$0x79E] =	sst s5  }
0x2a: {  	s7 =	simm.s32 $0xDB00;
	[smem:$0x79F] =	sst s6  }
0x2b: {  	s8 =	simm.s32 $0xDC00;
	[smem:$0x7A0] =	sst s7  }
0x2c: {  	s9 =	simm.s32 $0xDD00;
	[smem:$0x7A1] =	sst s8  }
0x2d: {  	s10 =	simm.s32 $0xDE00;
	[smem:$0x7A2] =	sst s9  }
0x2e: {  	s11 =	simm.s32 $0xDF00;
	[smem:$0x7A3] =	sst s10  }
0x2f: {  	s12 =	simm.s32 $0xE000;
	[smem:$0x7A4] =	sst s11  }
0x30: {  	s13 =	simm.s32 $0xE100;
	[smem:$0x7A5] =	sst s12  }
0x31: {  	s14 =	simm.s32 $0xE200;
	[smem:$0x7A6] =	sst s13  }
0x32: {  	s15 =	simm.s32 $0xE300;
	[smem:$0x7A7] =	sst s14  }
0x33: {  	s16 =	simm.s32 $0xE400;
	[smem:$0x7A8] =	sst s15  }
0x34: {  	[smem:$0x7A9] =	sst s16;
	s17 =	simm.s32 $0xE500  }
0x35: {  	s18 =	simm.s32 $0xE600;
	[smem:$0x7AA] =	sst s17  }
0x36: {  	s19 =	simm.s32 $0xE700;
	[smem:$0x7AB] =	sst s18  }
0x37: {  	s20 =	simm.s32 $0xE800;
	[smem:$0x7AC] =	sst s19  }
0x38: {  	s21 =	simm.s32 $0xE900;
	[smem:$0x7AD] =	sst s20  }
0x39: {  	s22 =	simm.s32 $0xEA00;
	[smem:$0x7AE] =	sst s21  }
0x3a: {  	s23 =	simm.s32 $0xEB00;
	[smem:$0x7AF] =	sst s22  }
0x3b: {  	s24 =	simm.s32 $0xEC00;
	[smem:$0x7B0] =	sst s23  }
0x3c: {  	s25 =	simm.s32 $0xED00;
	[smem:$0x7B1] =	sst s24  }
0x3d: {  	s26 =	simm.s32 $0xEE00;
	[smem:$0x7B2] =	sst s25  }
0x3e: {  	s31 =	simm.s32 $0xEF00;
	[smem:$0x7B3] =	sst s26  }
0x3f: {  	s4 =	simm.s32 $0xF000;
	[smem:$0x7B4] =	sst s31  }
0x40: {  	s5 =	simm.s32 $0xF100;
	[smem:$0x7B5] =	sst s4  }
0x41: {  	s6 =	simm.s32 $0xF200;
	[smem:$0x7B6] =	sst s5  }
0x42: {  	s7 =	simm.s32 $0xF300;
	[smem:$0x7B7] =	sst s6  }
0x43: {  	s8 =	simm.s32 $0xF400;
	[smem:$0x7B8] =	sst s7  }
0x44: {  	s9 =	simm.s32 $0xF500;
	[smem:$0x7B9] =	sst s8  }
0x45: {  	s10 =	simm.s32 $0xF600;
	[smem:$0x7BA] =	sst s9  }
0x46: {  	s11 =	simm.s32 $0xF700;
	[smem:$0x7BB] =	sst s10  }
0x47: {  	s12 =	simm.s32 $0xF800;
	[smem:$0x7BC] =	sst s11  }
0x48: {  	s13 =	simm.s32 $0xF900;
	[smem:$0x7BD] =	sst s12  }
0x49: {  	s14 =	simm.s32 $0xFA00;
	[smem:$0x7BE] =	sst s13  }
0x4a: {  	s15 =	simm.s32 $0xFB00;
	[smem:$0x7BF] =	sst s14  }
0x4b: {  	s16 =	simm.s32 $0xFC00;
	[smem:$0x7C0] =	sst s15  }
0x4c: {  	[smem:$0x7C1] =	sst s16;
	s17 =	simm.s32 $0xFD00  }
0x4d: {  	s18 =	simm.s32 $0xFE00;
	[smem:$0x7C2] =	sst s17  }
0x4e: {  	s19 =	simm.s32 $0xFF00;
	[smem:$0x7C3] =	sst s18  }
0x4f: {  	s20 =	simm.s32 $0x10000;
	[smem:$0x7C4] =	sst s19  }
0x50: {  	s21 =	simm.s32 $0x10100;
	[smem:$0x7C5] =	sst s20  }
0x51: {  	s22 =	simm.s32 $0x10200;
	[smem:$0x7C6] =	sst s21  }
0x52: {  	s23 =	simm.s32 $0x10300;
	[smem:$0x7C7] =	sst s22  }
0x53: {  	s24 =	simm.s32 $0x10400;
	[smem:$0x7C8] =	sst s23  }
0x54: {  	s25 =	simm.s32 $0x10500;
	[smem:$0x7C9] =	sst s24  }
0x55: {  	s26 =	simm.s32 $0x10600;
	[smem:$0x7CA] =	sst s25  }
0x56: {  	s31 =	simm.s32 $0x10700;
	[smem:$0x7CB] =	sst s26  }
0x57: {  	s4 =	simm.s32 $0x10800;
	[smem:$0x7CC] =	sst s31  }
0x58: {  	s5 =	simm.s32 $0x10900;
	[smem:$0x7CD] =	sst s4  }
0x59: {  	s6 =	simm.s32 $0x10A00;
	[smem:$0x7CE] =	sst s5  }
0x5a: {  	s7 =	simm.s32 $0x10B00;
	[smem:$0x7CF] =	sst s6  }
0x5b: {  	s8 =	simm.s32 $0x10C00;
	[smem:$0x7D0] =	sst s7  }
0x5c: {  	s9 =	simm.s32 $0x10D00;
	[smem:$0x7D1] =	sst s8  }
0x5d: {  	s10 =	simm.s32 $0x10E00;
	[smem:$0x7D2] =	sst s9  }
0x5e: {  	s11 =	simm.s32 $0x10F00;
	[smem:$0x7D3] =	sst s10  }
0x5f: {  	s12 =	simm.s32 $0x11100;
	[smem:$0x7D4] =	sst s11  }
0x60: {  	s13 =	simm.s32 $0x11200;
	[smem:$0x7D6] =	sst s12  }
0x61: {  	s15 =	simm.s32 $0x11300;
	[smem:$0x7D7] =	sst s13  }
0x62: {  	s16 =	simm.s32 $0x11400;
	[smem:$0x7D8] =	sst s15  }
0x63: {  	s4 =	simm.s32 $0x11000;
	[smem:$0x7D9] =	sst s16  }
0x64: {  	s17 =	simm.s32 $0x11500;
	[smem:$0x7D5] =	sst s4  }
0x65: {  	s18 =	simm.s32 $0x11600;
	[smem:$0x7DA] =	sst s17  }
0x66: {  	s19 =	simm.s32 $0x11700;
	[smem:$0x7DB] =	sst s18  }
0x67: {  	s20 =	simm.s32 $0x11800;
	[smem:$0x7DC] =	sst s19  }
0x68: {  	s21 =	simm.s32 $0x11900;
	[smem:$0x7DD] =	sst s20  }
0x69: {  	s22 =	simm.s32 $0x11A00;
	[smem:$0x7DE] =	sst s21  }
0x6a: {  	s23 =	simm.s32 $0x11B00;
	[smem:$0x7DF] =	sst s22  }
0x6b: {  	s8 =	sadd.s32 $0x3BA00, s3;
	[smem:$0x7E1] =	sst s23  }
0x6c: {  	s25 =	simm.s32 $0x11C00;
	[smem:$0x7E2] =	sst s8  }
0x6d: {  	s31 =	sadd.s32 $0x18000, s0;
	[smem:$0x7E4] =	sst s25  }
0x6e: {  	s26 =	simm.s32 $0x11D00;
	[smem:$0x7E5] =	sst s31  }
0x6f: {  	s10 =	simm.s32 $0x12100;
	[smem:$0x7E6] =	sst s26  }
0x70: {  	s28 =	simm.s32 $0xB300;
	s11 =	simm.s32 $0x12200;
	[smem:$0x7EB] =	sst s10  }
0x71: {  	s29 =	simm.s32 $0x4;
	s12 =	simm.s32 $0x12300;
	[smem:$0x7ED] =	sst s11  }
0x72: {  	s30 =	simm.s32 $0x5;
	s13 =	simm.s32 $0x12400;
	[smem:$0x7EE] =	sst s12  }
0x73: {  	s2 =	sadd.s32 $0x800, s3;
	s15 =	simm.s32 $0x12600;
	[smem:$0x7EF] =	sst s13  }
0x74: {  	s14 =	srdreg.scid;
	s16 =	simm.s32 $0x12700;
	[smem:$0x7F1] =	sst s15  }
0x75: {  	s4 =	sand.u32 $0x1, s14;
	s14 =	simm.s32 $0x12500;
	[smem:$0x7F2] =	sst s16  }
0x76: {  	s9 =	stileid.u32;
	s17 =	simm.s32 $0x12800;
	[smem:$0x7F0] =	sst s14  }
0x77: {  	s7 =	sshll.u32 s9, $0x1;
	s18 =	simm.s32 $0x12900;
	[smem:$0x7F3] =	sst s17  }
0x78: {  	s10 =	simm.s32 $0x3300;
	s19 =	simm.s32 $0x12A00;
	[smem:$0x7F4] =	sst s18  }
0x79: {  	s20 =	simm.s32 $0x12B00;
	s21 =	simm.s32 $0x12C00;
	[smem:$0x7F5] =	sst s19  }
0x7a: {  	s22 =	simm.s32 $0x12D00;
	s23 =	simm.s32 $0x12E00;
	[smem:$0x7F6] =	sst s20  }
0x7b: {  	s25 =	simm.s32 $0x13000;
	s26 =	simm.s32 $0x13100;
	[smem:$0x7F7] =	sst s21  }
0x7c: {  	s31 =	simm.s32 $0x13200;
	s11 =	simm.s32 $0xA400;
	[smem:$0x7F8] =	sst s22  }
0x7d: {  	s12 =	simm.s32 $0xA500;
	s13 =	simm.s32 $0xA600;
	[smem:$0x7F9] =	sst s23  }
0x7e: {  	s15 =	simm.s32 $0xA800;
	s16 =	simm.s32 $0xA900;
	[smem:$0x7FB] =	sst s25  }
0x7f: {  	v23 =	vlaneseq.u32;
	v20 =	vimm.s32 $0x7;
	v21 =	vimm.s32 $0x1;
	s5 =	ssub.s32 $0x2, s4;
	s7 =	sor.u32 s4, s7;
	[smem:$0x7FC] =	sst s26  }
0x80: {  	v22 =	vimm.s32 $0x0;
	vm0 =	vmmov $0x3;
	v24 =	vimm.s32 $0x2;
	s4 =	smul.u32 $0x190000, s4;
	[smem:$0x7FD] =	sst s31;
	s14 =	simm.s32 $0xA700  }
0x81: {  	v25 =	vimm.s32 $0x3;
	v26 =	vimm.s32 $0x4;
	v27 =	vimm.s32 $0x5;
	s17 =	simm.s32 $0xAA00;
	s18 =	simm.s32 $0xAB00;
	s19 =	simm.s32 $0xAC00  }
0x82: {  	v28 =	vimm.s32 $0x6;
	v29 =	vimm.s32 $0x8;
	v30 =	vimm.s32 $0x9;
	s20 =	simm.s32 $0xAD00;
	s6 =	sshrl.u32 s5, $0x1;
	s7 =	smul.u32 $0x19000, s7  }
0x83: {  	v31 =	vimm.s32 $0xA;
	v32 =	vimm.s32 $0xB;
	v0 =	vmul.u32 $0x2, v23;
	s21 =	simm.s32 $0xAE00;
	s22 =	simm.s32 $0xAF00;
	s5 =	ssub.s32 s5, s6  }
0x84: {  	v33 =	vimm.s32 $0xC;
	v34 =	vimm.s32 $0xD;
	v35 =	vimm.s32 $0xE;
	s23 =	simm.s32 $0xB000;
	[smem:$0x7E0] =	sst s7;
	s5 =	smax.u32 s5, $0x1  }
0x85: {  	v36 =	vimm.s32 $0xF;
	v23 =	vmul.u32 $0x8, v23;
	v1 =	vor.u32 $0x1, v0;
	s24 =	sshrl.u32 s7, $0x3;
	s7 =	simm.s32 $0x11F00;
	[smem:$0x7E7] =	sst s5  }
0x86: {  	v2 =	vor.u32 $0x20, v0;
	v3 =	vor.u32 $0x21, v0;
	v4 =	vor.u32 $0x40, v0;
	s25 =	simm.s32 $0xB200;
	s6 =	sadd.s32 s8, s24;
	[smem:$0x7E9] =	sst s7  }
0x87: {  	v5 =	vor.u32 $0x41, v0;
	v6 =	vor.u32 $0x60, v0;
	v7 =	vor.u32 $0x61, v0;
	s8 =	smul.u32 $0x320000, s9;
	s9 =	simm.s32 $0x12000;
	[smem:$0x7E3] =	sst s6  }
0x88: {  	v8 =	vor.u32 $0x80, v0;
	v9 =	vor.u32 $0xFFFFFF80, v0;
	v10 =	vor.u32 $0x81, v0;
	s26 =	simm.s32 $0x3;
	s24 =	simm.s32 $0x12F00;
	[smem:$0x7EA] =	sst s9  }
0x89: {  	v11 =	vor.u32 $0xA0, v0;
	v12 =	vor.u32 $0xFFFFFFA0, v0;
	v13 =	vor.u32 $0xA1, v0;
	s6 =	simm.s32 $0x11E00;
	[smem:$0x7FA] =	sst s24;
	s0 =	sadd.s32 s8, s0  }
0x8a: {  	v14 =	vor.u32 $0xC0, v0;
	v15 =	vor.u32 $0xFFFFFFC0, v0;
	v16 =	vor.u32 $0xC1, v0;
	s5 =	simm.s32 $0xA300;
	[smem:$0x7E8] =	sst s6;
	s0 =	sadd.s32 s4, s0  }
0x8b: {  	v17 =	vor.u32 $0xE0, v0;
	v18 =	vor.u32 $0xFFFFFFE0, v0;
	v19 =	vor.u32 $0xE1, v0;
	s24 =	simm.s32 $0xB100;
	s4 =	simm.s32 $0x0;
	[smem:$0x7EC] =	sst s0  }
.LBB2_1:
0x8c: {  	s0 =	sld [smem:$0x7E3]  }
0x8d: {  	s9 =	sld [smem:$0x7EC]  }
0x8e: {  	[smem:$0x794] =	sst s4  }
0x8f: {  	[tilespmem:s1], [sflag:$0x1] =	stream.linear.gather [hbm4b:s0+s1], $0x1900, $0x38;
	[tilespmem:$0x13300] =	vst v63  }
0x90: {  	s31 =	simm.s32 $0x0;
	[smem:$0x795] =	sst s9  }
.LBB2_2:
0x91: {  	s0 =	sand.u32 $0x1, s31;
	s3 =	sadd.s32 $0x1, s31  }
0x92: {  	s4 =	sadd.s32 $0x1, s0;
	[smem:$0x793] =	sst s3  }
0x93: {  	_ =	swait.ge [sflag:s4], $0x1900  }
0x94: {  	p0 =	seq.s32 s31, $0xF;
	s7 =	sld [smem:$0x7E0]  }
0x95: {  	s8 =	smul.u32 @!p0 $0x1900, s3  }
0x96: {  	s6 =	sand.u32 @!p0 $0x1, s3;
	s3 =	sld [smem:$0x7E2]  }
0x97: {  	s9 =	smul.u32 @!p0 $0x6400, s6;
	[sflag:s4] =	ssyncset.done $0x0;
	s8 =	sadd.s32 @!p0 s7, s8  }
0x98: {  	s6 =	sadd.s32 @!p0 $0x1, s6;
	[sflag:s4] =	ssyncadd.s32 $0xFFFFE700;
	s8 =	sshrl.u32 @!p0 s8, $0x3  }
0x99: {  	s4 =	sshrl.u32 @!p0 s9, $0x2;
	s9 =	simm.s32 @!p0 $0x0;
	s8 =	sadd.s32 @!p0 s3, s8  }
0x9a: {  	[tilespmem:s4], [sflag:s6] =	stream.linear.gather @!p0 [hbm4b:s8+s9], $0x1900, $0x38;
	[tilespmem:$0x13300] =	vst v63  }
0x9b: {  	s6 =	smul.u32 $0x1900, s0;
	_ =	sdelay $0x1  }
0x9c: {  	p1 =	seq.s32 @!p0 s31, $0x0;
	v37 =	vor.u32 s6, v0  }
0x9d: {  	p0 =	por p0, !p1  }
0x9e: {  	_ =	swait.ge @p0 [sflag:s30], $0x8000;
	v38 =	vor.u32 s6, v1  }
0x9f: {  	[sflag:s30] =	ssyncset.done @p0 $0x0  }
0xa0: {  	s0 =	simm.s32 $0x0;
	[sflag:s30] =	ssyncadd.s32 @p0 $0xFFFF8000  }
0xa1: {  	v37 =	vld.idx.msk [tilespmem:v37+s0+$0x0], $0xffff;
	_ =	sdelay $0x1  }
0xa2: {  	v38 =	vld.idx.msk [tilespmem:v38+s0+$0x0], $0xffff;
	_ =	sdelay $0x1  }
0xa3: {  	v39 =	vor.u32 s6, v2  }
0xa4: {  	v37 =	vmul.u32 $0x58, v37  }
0xa5: {  	v40 =	vor.u32 s6, v3  }
0xa6: {  	v37 =	vadd.s32 v38, v37  }
0xa7: {  	[tilespmem:$0x3200] =	vst v37  }
0xa8: {  	v39 =	vld.idx.msk [tilespmem:v39+s0+$0x0], $0xffff;
	_ =	sdelay $0x1  }
0xa9: {  	v40 =	vld.idx.msk [tilespmem:v40+s0+$0x0], $0xffff;
	_ =	sdelay $0x1  }
0xaa: {  	v41 =	vor.u32 s6, v4  }
0xab: {  	v39 =	vmul.u32 $0x58, v39  }
0xac: {  	v42 =	vor.u32 s6, v5  }
0xad: {  	v39 =	vadd.s32 v40, v39  }
0xae: {  	[tilespmem:$0x3210] =	vst v39  }
0xaf: {  	v39 =	vld.idx.msk [tilespmem:v41+s0+$0x0], $0xffff;
	_ =	sdelay $0x1  }
0xb0: {  	v54 =	vld.idx.msk [tilespmem:v42+s0+$0x0], $0xffff;
	_ =	sdelay $0x1  }
0xb1: {  	v55 =	vor.u32 s6, v6  }
0xb2: {  	v39 =	vmul.u32 $0x58, v39  }
0xb3: {  	v56 =	vor.u32 s6, v7  }
0xb4: {  	v39 =	vadd.s32 v54, v39  }
0xb5: {  	[tilespmem:$0x3220] =	vst v39  }
0xb6: {  	v39 =	vld.idx.msk [tilespmem:v55+s0+$0x0], $0xffff;
	_ =	sdelay $0x1  }
0xb7: {  	v57 =	vld.idx.msk [tilespmem:v56+s0+$0x0], $0xffff  }
0xb8: {  	v58 =	vor.u32 s6, v8  }
0xb9: {  	v41 =	vand.u32 v9, v58  }
0xba: {  	v39 =	vmul.u32 $0x58, v39  }
0xbb: {  	v59 =	vor.u32 s6, v10  }
0xbc: {  	v39 =	vadd.s32 v57, v39  }
0xbd: {  	[tilespmem:$0x3230] =	vst v39  }
0xbe: {  	v39 =	vld.idx.msk [tilespmem:v41+s0+$0x0], $0xffff;
	_ =	sdelay $0x1  }
0xbf: {  	v60 =	vld.idx.msk [tilespmem:v59+s0+$0x0], $0xffff  }
0xc0: {  	v61 =	vor.u32 s6, v11  }
0xc1: {  	v41 =	vand.u32 v12, v61  }
0xc2: {  	v39 =	vmul.u32 $0x58, v39  }
0xc3: {  	v62 =	vor.u32 s6, v13  }
0xc4: {  	v39 =	vadd.s32 v60, v39  }
0xc5: {  	[tilespmem:$0x3240] =	vst v39  }
0xc6: {  	v39 =	vld.idx.msk [tilespmem:v41+s0+$0x0], $0xffff;
	_ =	sdelay $0x1  }
0xc7: {  	v63 =	vld.idx.msk [tilespmem:v62+s0+$0x0], $0xffff  }
0xc8: {  	v45 =	vor.u32 s6, v14  }
0xc9: {  	v41 =	vand.u32 v15, v45  }
0xca: {  	v39 =	vmul.u32 $0x58, v39  }
0xcb: {  	v46 =	vor.u32 s6, v16  }
0xcc: {  	v39 =	vadd.s32 v63, v39  }
0xcd: {  	[tilespmem:$0x3250] =	vst v39  }
0xce: {  	v39 =	vld.idx.msk [tilespmem:v41+s0+$0x0], $0xffff;
	_ =	sdelay $0x1  }
0xcf: {  	v47 =	vld.idx.msk [tilespmem:v46+s0+$0x0], $0xffff  }
0xd0: {  	v48 =	vor.u32 s6, v17  }
0xd1: {  	v41 =	vand.u32 v18, v48  }
0xd2: {  	v39 =	vmul.u32 $0x58, v39  }
0xd3: {  	v49 =	vor.u32 s6, v19  }
0xd4: {  	v39 =	vadd.s32 v47, v39  }
0xd5: {  	v37 =	vshll.u32 v37, $0x1;
	[tilespmem:$0x3260] =	vst v39  }
0xd6: {  	v38 =	vand.u32 $0x7, v38;
	v37 =	vand.u32 $0xFFFFFFF0, v37;
	v39 =	vld.idx.msk [tilespmem:v41+s0+$0x0], $0xffff  }
0xd7: {  	v37 =	vor.u32 v38, v37  }
0xd8: {  	v51 =	vperm.xlane v37, v22;
	v50 =	vld.idx.msk [tilespmem:v49+s0+$0x0], $0xffff;
	_ =	sdelay $0x1  }
0xd9: {  	v52 =	vperm.xlane v37, v21;
	v40 =	vadd.s32 v23, v51  }
0xda: {  	v39 =	vmul.u32 $0x58, v39  }
0xdb: {  	v53 =	vperm.xlane v37, v24;
	v41 =	vadd.s32 v23, v52  }
0xdc: {  	v38 =	vadd.s32 v50, v39  }
0xdd: {  	s8 =	smul.u32 $0x1900, s31;
	v54 =	vadd.s32 v23, v53;
	v55 =	vperm.xlane v37, v25;
	[tilespmem:$0x3270] =	vst v38  }
0xde: {  	[tilespmem:s10], [sflag:$0x3] =	stream.indirect_vreg.gather [hbm4b:s2+s0], $0x80, v40, vm0, $0xb8;
	[tilespmem:$0x13300] =	vst v63  }
0xdf: {  	s4 =	sadd.s32 s7, s8;
	s7 =	simm.s32 $0x3400;
	v56 =	vperm.xlane v37, v26;
	v39 =	vadd.s32 v23, v55  }
0xe0: {  	[tilespmem:s7], [sflag:$0x3] =	stream.indirect_vreg.gather [hbm4b:s2+s0], $0x80, v41, vm0, $0xb8;
	[tilespmem:$0x13300] =	vst v63  }
0xe1: {  	s9 =	simm.s32 $0x3500;
	v57 =	vperm.xlane v37, v27;
	v40 =	vadd.s32 v23, v56  }
0xe2: {  	[tilespmem:s9], [sflag:$0x3] =	stream.indirect_vreg.gather [hbm4b:s2+s0], $0x80, v54, vm0, $0xb8;
	[tilespmem:$0x13300] =	vst v63  }
0xe3: {  	s8 =	simm.s32 $0x3600;
	v58 =	vadd.s32 v23, v57;
	v59 =	vperm.xlane v37, v28  }
0xe4: {  	[tilespmem:s8], [sflag:$0x3] =	stream.indirect_vreg.gather [hbm4b:s2+s0], $0x80, v39, vm0, $0xb8;
	[tilespmem:$0x13300] =	vst v63  }
0xe5: {  	v61 =	vperm.xlane v37, v20;
	v60 =	vadd.s32 v23, v59;
	s9 =	simm.s32 $0x3700  }
0xe6: {  	[tilespmem:s9], [sflag:$0x3] =	stream.indirect_vreg.gather [hbm4b:s2+s0], $0x80, v40, vm0, $0xb8;
	[tilespmem:$0x13300] =	vst v63  }
0xe7: {  	v62 =	vadd.s32 v23, v61;
	v63 =	vperm.xlane v37, v29;
	s8 =	simm.s32 $0x3800  }
0xe8: {  	[tilespmem:s8], [sflag:$0x3] =	stream.indirect_vreg.gather [hbm4b:s2+s0], $0x80, v58, vm0, $0xb8;
	[tilespmem:$0x13300] =	vst v63  }
0xe9: {  	v45 =	vperm.xlane v37, v30;
	v44 =	vadd.s32 v23, v63;
	s9 =	simm.s32 $0x3900  }
0xea: {  	[tilespmem:s9], [sflag:$0x3] =	stream.indirect_vreg.gather [hbm4b:s2+s0], $0x80, v60, vm0, $0xb8;
	[tilespmem:$0x13300] =	vst v63  }
0xeb: {  	v46 =	vadd.s32 v23, v45;
	v47 =	vperm.xlane v37, v31;
	s8 =	simm.s32 $0x3A00  }
0xec: {  	[tilespmem:s8], [sflag:$0x3] =	stream.indirect_vreg.gather [hbm4b:s2+s0], $0x80, v62, vm0, $0xb8;
	[tilespmem:$0x13300] =	vst v63  }
0xed: {  	v48 =	vadd.s32 v23, v47;
	v49 =	vperm.xlane v37, v32;
	s9 =	simm.s32 $0x3B00  }
0xee: {  	[tilespmem:s9], [sflag:$0x3] =	stream.indirect_vreg.gather [hbm4b:s2+s0], $0x80, v44, vm0, $0xb8;
	[tilespmem:$0x13300] =	vst v63  }
0xef: {  	v51 =	vperm.xlane v37, v33;
	v50 =	vadd.s32 v23, v49;
	s8 =	simm.s32 $0x3C00  }
0xf0: {  	[tilespmem:s8], [sflag:$0x3] =	stream.indirect_vreg.gather [hbm4b:s2+s0], $0x80, v46, vm0, $0xb8;
	[tilespmem:$0x13300] =	vst v63  }
0xf1: {  	v53 =	vperm.xlane v37, v34;
	v52 =	vadd.s32 v23, v51;
	s9 =	simm.s32 $0x3D00  }
0xf2: {  	[tilespmem:s9], [sflag:$0x3] =	stream.indirect_vreg.gather [hbm4b:s2+s0], $0x80, v48, vm0, $0xb8;
	[tilespmem:$0x13300] =	vst v63  }
0xf3: {  	v55 =	vperm.xlane v37, v35;
	v54 =	vadd.s32 v23, v53;
	s8 =	simm.s32 $0x3E00  }
0xf4: {  	[tilespmem:s8], [sflag:$0x3] =	stream.indirect_vreg.gather [hbm4b:s2+s0], $0x80, v50, vm0, $0xb8;
	[tilespmem:$0x13300] =	vst v63  }
0xf5: {  	v37 =	vperm.xlane v37, v36;
	v56 =	vadd.s32 v23, v55;
	s9 =	simm.s32 $0x3F00  }
0xf6: {  	[tilespmem:s9], [sflag:$0x3] =	stream.indirect_vreg.gather [hbm4b:s2+s0], $0x80, v52, vm0, $0xb8;
	[tilespmem:$0x13300] =	vst v63  }
0xf7: {  	v37 =	vadd.s32 v23, v37;
	s8 =	simm.s32 $0x4000  }
0xf8: {  	[tilespmem:s8], [sflag:$0x3] =	stream.indirect_vreg.gather [hbm4b:s2+s0], $0x80, v54, vm0, $0xb8;
	[tilespmem:$0x13300] =	vst v63  }
0xf9: {  	s9 =	simm.s32 $0x4100  }
0xfa: {  	[tilespmem:s9], [sflag:$0x3] =	stream.indirect_vreg.gather [hbm4b:s2+s0], $0x80, v56, vm0, $0xb8;
	[tilespmem:$0x13300] =	vst v63  }
0xfb: {  	s8 =	simm.s32 $0x4200  }
0xfc: {  	[tilespmem:s8], [sflag:$0x3] =	stream.indirect_vreg.gather [hbm4b:s2+s0], $0x80, v37, vm0, $0xb8;
	[tilespmem:$0x13300] =	vst v63  }
0xfd: {  	v37 =	vld [tilespmem:$0x3210];
	_ =	sdelay $0x4  }
0xfe: {  	v57 =	vshll.u32 v37, $0x1  }
0xff: {  	v37 =	vand.u32 $0x7, v37;
	v38 =	vand.u32 $0xFFFFFFF0, v57  }
0x100: {  	v37 =	vor.u32 v37, v38  }
0x101: {  	v38 =	vperm.xlane v37, v22;
	_ =	sdelay $0x1  }
0x102: {  	v58 =	vperm.xlane v37, v21;
	v38 =	vadd.s32 v23, v38;
	_ =	sdelay $0x1  }
0x103: {  	v59 =	vperm.xlane v37, v24;
	v39 =	vadd.s32 v23, v58;
	_ =	sdelay $0x1  }
0x104: {  	s9 =	simm.s32 $0x4300;
	v60 =	vperm.xlane v37, v25;
	v40 =	vadd.s32 v23, v59  }
0x105: {  	[tilespmem:s9], [sflag:$0x3] =	stream.indirect_vreg.gather [hbm4b:s2+s0], $0x80, v38, vm0, $0xb8;
	[tilespmem:$0x13300] =	vst v63  }
0x106: {  	s8 =	simm.s32 $0x4400;
	v62 =	vperm.xlane v37, v26;
	v61 =	vadd.s32 v23, v60  }
0x107: {  	[tilespmem:s8], [sflag:$0x3] =	stream.indirect_vreg.gather [hbm4b:s2+s0], $0x80, v39, vm0, $0xb8;
	[tilespmem:$0x13300] =	vst v63  }
0x108: {  	v44 =	vperm.xlane v37, v27;
	v63 =	vadd.s32 v23, v62;
	s9 =	simm.s32 $0x4500  }
0x109: {  	[tilespmem:s9], [sflag:$0x3] =	stream.indirect_vreg.gather [hbm4b:s2+s0], $0x80, v40, vm0, $0xb8;
	[tilespmem:$0x13300] =	vst v63  }
0x10a: {  	v46 =	vperm.xlane v37, v28;
	v45 =	vadd.s32 v23, v44;
	s8 =	simm.s32 $0x4600  }
0x10b: {  	[tilespmem:s8], [sflag:$0x3] =	stream.indirect_vreg.gather [hbm4b:s2+s0], $0x80, v61, vm0, $0xb8;
	[tilespmem:$0x13300] =	vst v63  }
0x10c: {  	v48 =	vperm.xlane v37, v20;
	v47 =	vadd.s32 v23, v46;
	s9 =	simm.s32 $0x4700  }
0x10d: {  	[tilespmem:s9], [sflag:$0x3] =	stream.indirect_vreg.gather [hbm4b:s2+s0], $0x80, v63, vm0, $0xb8;
	[tilespmem:$0x13300] =	vst v63  }
0x10e: {  	v50 =	vperm.xlane v37, v29;
	v49 =	vadd.s32 v23, v48;
	s8 =	simm.s32 $0x4800  }
0x10f: {  	[tilespmem:s8], [sflag:$0x3] =	stream.indirect_vreg.gather [hbm4b:s2+s0], $0x80, v45, vm0, $0xb8;
	[tilespmem:$0x13300] =	vst v63  }
0x110: {  	v52 =	vperm.xlane v37, v30;
	v51 =	vadd.s32 v23, v50;
	s9 =	simm.s32 $0x4900  }
0x111: {  	[tilespmem:s9], [sflag:$0x3] =	stream.indirect_vreg.gather [hbm4b:s2+s0], $0x80, v47, vm0, $0xb8;
	[tilespmem:$0x13300] =	vst v63  }
0x112: {  	v54 =	vperm.xlane v37, v31;
	v53 =	vadd.s32 v23, v52;
	s8 =	simm.s32 $0x4A00  }
0x113: {  	[tilespmem:s8], [sflag:$0x3] =	stream.indirect_vreg.gather [hbm4b:s2+s0], $0x80, v49, vm0, $0xb8;
	[tilespmem:$0x13300] =	vst v63  }
0x114: {  	v56 =	vperm.xlane v37, v32;
	v55 =	vadd.s32 v23, v54;
	s9 =	simm.s32 $0x4B00  }
0x115: {  	[tilespmem:s9], [sflag:$0x3] =	stream.indirect_vreg.gather [hbm4b:s2+s0], $0x80, v51, vm0, $0xb8;
	[tilespmem:$0x13300] =	vst v63  }
0x116: {  	v57 =	vadd.s32 v23, v56;
	v58 =	vperm.xlane v37, v33;
	s8 =	simm.s32 $0x4C00  }
0x117: {  	[tilespmem:s8], [sflag:$0x3] =	stream.indirect_vreg.gather [hbm4b:s2+s0], $0x80, v53, vm0, $0xb8;
	[tilespmem:$0x13300] =	vst v63  }
0x118: {  	v60 =	vperm.xlane v37, v34;
	v59 =	vadd.s32 v23, v58;
	s9 =	simm.s32 $0x4D00  }
0x119: {  	[tilespmem:s9], [sflag:$0x3] =	stream.indirect_vreg.gather [hbm4b:s2+s0], $0x80, v55, vm0, $0xb8;
	[tilespmem:$0x13300] =	vst v63  }
0x11a: {  	v62 =	vperm.xlane v37, v35;
	v61 =	vadd.s32 v23, v60;
	s8 =	simm.s32 $0x4E00  }
0x11b: {  	[tilespmem:s8], [sflag:$0x3] =	stream.indirect_vreg.gather [hbm4b:s2+s0], $0x80, v57, vm0, $0xb8;
	[tilespmem:$0x13300] =	vst v63  }
0x11c: {  	v37 =	vperm.xlane v37, v36;
	v63 =	vadd.s32 v23, v62;
	s9 =	simm.s32 $0x4F00  }
0x11d: {  	[tilespmem:s9], [sflag:$0x3] =	stream.indirect_vreg.gather [hbm4b:s2+s0], $0x80, v59, vm0, $0xb8;
	[tilespmem:$0x13300] =	vst v63  }
0x11e: {  	v37 =	vadd.s32 v23, v37;
	s8 =	simm.s32 $0x5000  }
0x11f: {  	[tilespmem:s8], [sflag:$0x3] =	stream.indirect_vreg.gather [hbm4b:s2+s0], $0x80, v61, vm0, $0xb8;
	[tilespmem:$0x13300] =	vst v63  }
0x120: {  	s9 =	simm.s32 $0x5100  }
0x121: {  	[tilespmem:s9], [sflag:$0x3] =	stream.indirect_vreg.gather [hbm4b:s2+s0], $0x80, v63, vm0, $0xb8;
	[tilespmem:$0x13300] =	vst v63  }
0x122: {  	s8 =	simm.s32 $0x5200  }
0x123: {  	[tilespmem:s8], [sflag:$0x3] =	stream.indirect_vreg.gather [hbm4b:s2+s0], $0x80, v37, vm0, $0xb8;
	[tilespmem:$0x13300] =	vst v63  }
0x124: {  	v37 =	vld [tilespmem:$0x3220];
	_ =	sdelay $0x4  }
0x125: {  	v43 =	vshll.u32 v37, $0x1  }
0x126: {  	v37 =	vand.u32 $0x7, v37;
	v38 =	vand.u32 $0xFFFFFFF0, v43  }
0x127: {  	v37 =	vor.u32 v37, v38  }
0x128: {  	v38 =	vperm.xlane v37, v22;
	_ =	sdelay $0x1  }
0x129: {  	v44 =	vperm.xlane v37, v21;
	v38 =	vadd.s32 v23, v38;
	_ =	sdelay $0x1  }
0x12a: {  	v45 =	vperm.xlane v37, v24;
	v39 =	vadd.s32 v23, v44;
	_ =	sdelay $0x1  }
0x12b: {  	s9 =	simm.s32 $0x5300;
	v46 =	vperm.xlane v37, v25;
	v40 =	vadd.s32 v23, v45  }
0x12c: {  	[tilespmem:s9], [sflag:$0x3] =	stream.indirect_vreg.gather [hbm4b:s2+s0], $0x80, v38, vm0, $0xb8;
	[tilespmem:$0x13300] =	vst v63  }
0x12d: {  	s8 =	simm.s32 $0x5400;
	v48 =	vperm.xlane v37, v26;
	v47 =	vadd.s32 v23, v46  }
0x12e: {  	[tilespmem:s8], [sflag:$0x3] =	stream.indirect_vreg.gather [hbm4b:s2+s0], $0x80, v39, vm0, $0xb8;
	[tilespmem:$0x13300] =	vst v63  }
0x12f: {  	v50 =	vperm.xlane v37, v27;
	v49 =	vadd.s32 v23, v48;
	s9 =	simm.s32 $0x5500  }
0x130: {  	[tilespmem:s9], [sflag:$0x3] =	stream.indirect_vreg.gather [hbm4b:s2+s0], $0x80, v40, vm0, $0xb8;
	[tilespmem:$0x13300] =	vst v63  }
0x131: {  	v52 =	vperm.xlane v37, v28;
	v51 =	vadd.s32 v23, v50;
	s8 =	simm.s32 $0x5600  }
0x132: {  	[tilespmem:s8], [sflag:$0x3] =	stream.indirect_vreg.gather [hbm4b:s2+s0], $0x80, v47, vm0, $0xb8;
	[tilespmem:$0x13300] =	vst v63  }
0x133: {  	v54 =	vperm.xlane v37, v20;
	v53 =	vadd.s32 v23, v52;
	s9 =	simm.s32 $0x5700  }
0x134: {  	[tilespmem:s9], [sflag:$0x3] =	stream.indirect_vreg.gather [hbm4b:s2+s0], $0x80, v49, vm0, $0xb8;
	[tilespmem:$0x13300] =	vst v63  }
0x135: {  	v56 =	vperm.xlane v37, v29;
	v55 =	vadd.s32 v23, v54;
	s8 =	simm.s32 $0x5800  }
0x136: {  	[tilespmem:s8], [sflag:$0x3] =	stream.indirect_vreg.gather [hbm4b:s2+s0], $0x80, v51, vm0, $0xb8;
	[tilespmem:$0x13300] =	vst v63  }
0x137: {  	v58 =	vperm.xlane v37, v30;
	v57 =	vadd.s32 v23, v56;
	s9 =	simm.s32 $0x5900  }
0x138: {  	[tilespmem:s9], [sflag:$0x3] =	stream.indirect_vreg.gather [hbm4b:s2+s0], $0x80, v53, vm0, $0xb8;
	[tilespmem:$0x13300] =	vst v63  }
0x139: {  	v60 =	vperm.xlane v37, v31;
	v59 =	vadd.s32 v23, v58;
	s8 =	simm.s32 $0x5A00  }
0x13a: {  	[tilespmem:s8], [sflag:$0x3] =	stream.indirect_vreg.gather [hbm4b:s2+s0], $0x80, v55, vm0, $0xb8;
	[tilespmem:$0x13300] =	vst v63  }
0x13b: {  	v62 =	vperm.xlane v37, v32;
	v61 =	vadd.s32 v23, v60;
	s9 =	simm.s32 $0x5B00  }
0x13c: {  	[tilespmem:s9], [sflag:$0x3] =	stream.indirect_vreg.gather [hbm4b:s2+s0], $0x80, v57, vm0, $0xb8;
	[tilespmem:$0x13300] =	vst v63  }
0x13d: {  	v63 =	vadd.s32 v23, v62;
	v44 =	vperm.xlane v37, v33;
	s8 =	simm.s32 $0x5C00  }
0x13e: {  	[tilespmem:s8], [sflag:$0x3] =	stream.indirect_vreg.gather [hbm4b:s2+s0], $0x80, v59, vm0, $0xb8;
	[tilespmem:$0x13300] =	vst v63  }
0x13f: {  	v46 =	vperm.xlane v37, v34;
	v45 =	vadd.s32 v23, v44;
	s9 =	simm.s32 $0x5D00  }
0x140: {  	[tilespmem:s9], [sflag:$0x3] =	stream.indirect_vreg.gather [hbm4b:s2+s0], $0x80, v61, vm0, $0xb8;
	[tilespmem:$0x13300] =	vst v63  }
0x141: {  	v48 =	vperm.xlane v37, v35;
	v47 =	vadd.s32 v23, v46;
	s8 =	simm.s32 $0x5E00  }
0x142: {  	[tilespmem:s8], [sflag:$0x3] =	stream.indirect_vreg.gather [hbm4b:s2+s0], $0x80, v63, vm0, $0xb8;
	[tilespmem:$0x13300] =	vst v63  }
0x143: {  	v37 =	vperm.xlane v37, v36;
	v49 =	vadd.s32 v23, v48;
	s9 =	simm.s32 $0x5F00  }
0x144: {  	[tilespmem:s9], [sflag:$0x3] =	stream.indirect_vreg.gather [hbm4b:s2+s0], $0x80, v45, vm0, $0xb8;
	[tilespmem:$0x13300] =	vst v63  }
0x145: {  	v37 =	vadd.s32 v23, v37;
	s8 =	simm.s32 $0x6000  }
0x146: {  	[tilespmem:s8], [sflag:$0x3] =	stream.indirect_vreg.gather [hbm4b:s2+s0], $0x80, v47, vm0, $0xb8;
	[tilespmem:$0x13300] =	vst v63  }
0x147: {  	s9 =	simm.s32 $0x6100  }
0x148: {  	[tilespmem:s9], [sflag:$0x3] =	stream.indirect_vreg.gather [hbm4b:s2+s0], $0x80, v49, vm0, $0xb8;
	[tilespmem:$0x13300] =	vst v63  }
0x149: {  	s8 =	simm.s32 $0x6200  }
0x14a: {  	[tilespmem:s8], [sflag:$0x3] =	stream.indirect_vreg.gather [hbm4b:s2+s0], $0x80, v37, vm0, $0xb8;
	[tilespmem:$0x13300] =	vst v63  }
0x14b: {  	v37 =	vld [tilespmem:$0x3230];
	_ =	sdelay $0x4  }
0x14c: {  	v50 =	vshll.u32 v37, $0x1  }
0x14d: {  	v37 =	vand.u32 $0x7, v37;
	v38 =	vand.u32 $0xFFFFFFF0, v50  }
0x14e: {  	v37 =	vor.u32 v37, v38  }
0x14f: {  	v38 =	vperm.xlane v37, v22;
	_ =	sdelay $0x1  }
0x150: {  	v51 =	vperm.xlane v37, v21;
	v38 =	vadd.s32 v23, v38;
	_ =	sdelay $0x1  }
0x151: {  	v52 =	vperm.xlane v37, v24;
	v39 =	vadd.s32 v23, v51;
	_ =	sdelay $0x1  }
0x152: {  	s9 =	simm.s32 $0x6300;
	v53 =	vperm.xlane v37, v25;
	v40 =	vadd.s32 v23, v52  }
0x153: {  	[tilespmem:s9], [sflag:$0x3] =	stream.indirect_vreg.gather [hbm4b:s2+s0], $0x80, v38, vm0, $0xb8;
	[tilespmem:$0x13300] =	vst v63  }
0x154: {  	s8 =	simm.s32 $0x6400;
	v55 =	vperm.xlane v37, v26;
	v54 =	vadd.s32 v23, v53  }
0x155: {  	[tilespmem:s8], [sflag:$0x3] =	stream.indirect_vreg.gather [hbm4b:s2+s0], $0x80, v39, vm0, $0xb8;
	[tilespmem:$0x13300] =	vst v63  }
0x156: {  	v57 =	vperm.xlane v37, v27;
	v56 =	vadd.s32 v23, v55;
	s9 =	simm.s32 $0x6500  }
0x157: {  	[tilespmem:s9], [sflag:$0x3] =	stream.indirect_vreg.gather [hbm4b:s2+s0], $0x80, v40, vm0, $0xb8;
	[tilespmem:$0x13300] =	vst v63  }
0x158: {  	v59 =	vperm.xlane v37, v28;
	v58 =	vadd.s32 v23, v57;
	s8 =	simm.s32 $0x6600  }
0x159: {  	[tilespmem:s8], [sflag:$0x3] =	stream.indirect_vreg.gather [hbm4b:s2+s0], $0x80, v54, vm0, $0xb8;
	[tilespmem:$0x13300] =	vst v63  }
0x15a: {  	v61 =	vperm.xlane v37, v20;
	v60 =	vadd.s32 v23, v59;
	s9 =	simm.s32 $0x6700  }
0x15b: {  	[tilespmem:s9], [sflag:$0x3] =	stream.indirect_vreg.gather [hbm4b:s2+s0], $0x80, v56, vm0, $0xb8;
	[tilespmem:$0x13300] =	vst v63  }
0x15c: {  	v63 =	vperm.xlane v37, v29;
	v62 =	vadd.s32 v23, v61;
	s8 =	simm.s32 $0x6800  }
0x15d: {  	[tilespmem:s8], [sflag:$0x3] =	stream.indirect_vreg.gather [hbm4b:s2+s0], $0x80, v58, vm0, $0xb8;
	[tilespmem:$0x13300] =	vst v63  }
0x15e: {  	v45 =	vperm.xlane v37, v30;
	v44 =	vadd.s32 v23, v63;
	s9 =	simm.s32 $0x6900  }
0x15f: {  	[tilespmem:s9], [sflag:$0x3] =	stream.indirect_vreg.gather [hbm4b:s2+s0], $0x80, v60, vm0, $0xb8;
	[tilespmem:$0x13300] =	vst v63  }
0x160: {  	v47 =	vperm.xlane v37, v31;
	v46 =	vadd.s32 v23, v45;
	s8 =	simm.s32 $0x6A00  }
0x161: {  	[tilespmem:s8], [sflag:$0x3] =	stream.indirect_vreg.gather [hbm4b:s2+s0], $0x80, v62, vm0, $0xb8;
	[tilespmem:$0x13300] =	vst v63  }
0x162: {  	v49 =	vperm.xlane v37, v32;
	v48 =	vadd.s32 v23, v47;
	s9 =	simm.s32 $0x6B00  }
0x163: {  	[tilespmem:s9], [sflag:$0x3] =	stream.indirect_vreg.gather [hbm4b:s2+s0], $0x80, v44, vm0, $0xb8;
	[tilespmem:$0x13300] =	vst v63  }
0x164: {  	v50 =	vadd.s32 v23, v49;
	v51 =	vperm.xlane v37, v33;
	s8 =	simm.s32 $0x6C00  }
0x165: {  	[tilespmem:s8], [sflag:$0x3] =	stream.indirect_vreg.gather [hbm4b:s2+s0], $0x80, v46, vm0, $0xb8;
	[tilespmem:$0x13300] =	vst v63  }
0x166: {  	v53 =	vperm.xlane v37, v34;
	v52 =	vadd.s32 v23, v51;
	s9 =	simm.s32 $0x6D00  }
0x167: {  	[tilespmem:s9], [sflag:$0x3] =	stream.indirect_vreg.gather [hbm4b:s2+s0], $0x80, v48, vm0, $0xb8;
	[tilespmem:$0x13300] =	vst v63  }
0x168: {  	v55 =	vperm.xlane v37, v35;
	v54 =	vadd.s32 v23, v53;
	s8 =	simm.s32 $0x6E00  }
0x169: {  	[tilespmem:s8], [sflag:$0x3] =	stream.indirect_vreg.gather [hbm4b:s2+s0], $0x80, v50, vm0, $0xb8;
	[tilespmem:$0x13300] =	vst v63  }
0x16a: {  	v37 =	vperm.xlane v37, v36;
	v56 =	vadd.s32 v23, v55;
	s9 =	simm.s32 $0x6F00  }
0x16b: {  	[tilespmem:s9], [sflag:$0x3] =	stream.indirect_vreg.gather [hbm4b:s2+s0], $0x80, v52, vm0, $0xb8;
	[tilespmem:$0x13300] =	vst v63  }
0x16c: {  	v37 =	vadd.s32 v23, v37;
	s8 =	simm.s32 $0x7000  }
0x16d: {  	[tilespmem:s8], [sflag:$0x3] =	stream.indirect_vreg.gather [hbm4b:s2+s0], $0x80, v54, vm0, $0xb8;
	[tilespmem:$0x13300] =	vst v63  }
0x16e: {  	s9 =	simm.s32 $0x7100  }
0x16f: {  	[tilespmem:s9], [sflag:$0x3] =	stream.indirect_vreg.gather [hbm4b:s2+s0], $0x80, v56, vm0, $0xb8;
	[tilespmem:$0x13300] =	vst v63  }
0x170: {  	s8 =	simm.s32 $0x7200  }
0x171: {  	[tilespmem:s8], [sflag:$0x3] =	stream.indirect_vreg.gather [hbm4b:s2+s0], $0x80, v37, vm0, $0xb8;
	[tilespmem:$0x13300] =	vst v63  }
0x172: {  	v37 =	vld [tilespmem:$0x3240];
	_ =	sdelay $0x4  }
0x173: {  	v57 =	vshll.u32 v37, $0x1  }
0x174: {  	v37 =	vand.u32 $0x7, v37;
	v38 =	vand.u32 $0xFFFFFFF0, v57  }
0x175: {  	v37 =	vor.u32 v37, v38  }
0x176: {  	v38 =	vperm.xlane v37, v22;
	_ =	sdelay $0x1  }
0x177: {  	v58 =	vperm.xlane v37, v21;
	v38 =	vadd.s32 v23, v38;
	_ =	sdelay $0x1  }
0x178: {  	v59 =	vperm.xlane v37, v24;
	v39 =	vadd.s32 v23, v58;
	_ =	sdelay $0x1  }
0x179: {  	s9 =	simm.s32 $0x7300;
	v60 =	vperm.xlane v37, v25;
	v40 =	vadd.s32 v23, v59  }
0x17a: {  	[tilespmem:s9], [sflag:$0x3] =	stream.indirect_vreg.gather [hbm4b:s2+s0], $0x80, v38, vm0, $0xb8;
	[tilespmem:$0x13300] =	vst v63  }
0x17b: {  	s8 =	simm.s32 $0x7400;
	v62 =	vperm.xlane v37, v26;
	v61 =	vadd.s32 v23, v60  }
0x17c: {  	[tilespmem:s8], [sflag:$0x3] =	stream.indirect_vreg.gather [hbm4b:s2+s0], $0x80, v39, vm0, $0xb8;
	[tilespmem:$0x13300] =	vst v63  }
0x17d: {  	v44 =	vperm.xlane v37, v27;
	v63 =	vadd.s32 v23, v62;
	s9 =	simm.s32 $0x7500  }
0x17e: {  	[tilespmem:s9], [sflag:$0x3] =	stream.indirect_vreg.gather [hbm4b:s2+s0], $0x80, v40, vm0, $0xb8;
	[tilespmem:$0x13300] =	vst v63  }
0x17f: {  	v46 =	vperm.xlane v37, v28;
	v45 =	vadd.s32 v23, v44;
	s8 =	simm.s32 $0x7600  }
0x180: {  	[tilespmem:s8], [sflag:$0x3] =	stream.indirect_vreg.gather [hbm4b:s2+s0], $0x80, v61, vm0, $0xb8;
	[tilespmem:$0x13300] =	vst v63  }
0x181: {  	v48 =	vperm.xlane v37, v20;
	v47 =	vadd.s32 v23, v46;
	s9 =	simm.s32 $0x7700  }
0x182: {  	[tilespmem:s9], [sflag:$0x3] =	stream.indirect_vreg.gather [hbm4b:s2+s0], $0x80, v63, vm0, $0xb8;
	[tilespmem:$0x13300] =	vst v63  }
0x183: {  	v50 =	vperm.xlane v37, v29;
	v49 =	vadd.s32 v23, v48;
	s8 =	simm.s32 $0x7800  }
0x184: {  	[tilespmem:s8], [sflag:$0x3] =	stream.indirect_vreg.gather [hbm4b:s2+s0], $0x80, v45, vm0, $0xb8;
	[tilespmem:$0x13300] =	vst v63  }
0x185: {  	v52 =	vperm.xlane v37, v30;
	v51 =	vadd.s32 v23, v50;
	s9 =	simm.s32 $0x7900  }
0x186: {  	[tilespmem:s9], [sflag:$0x3] =	stream.indirect_vreg.gather [hbm4b:s2+s0], $0x80, v47, vm0, $0xb8;
	[tilespmem:$0x13300] =	vst v63  }
0x187: {  	v54 =	vperm.xlane v37, v31;
	v53 =	vadd.s32 v23, v52;
	s8 =	simm.s32 $0x7A00  }
0x188: {  	[tilespmem:s8], [sflag:$0x3] =	stream.indirect_vreg.gather [hbm4b:s2+s0], $0x80, v49, vm0, $0xb8;
	[tilespmem:$0x13300] =	vst v63  }
0x189: {  	v56 =	vperm.xlane v37, v32;
	v55 =	vadd.s32 v23, v54;
	s9 =	simm.s32 $0x7B00  }
0x18a: {  	[tilespmem:s9], [sflag:$0x3] =	stream.indirect_vreg.gather [hbm4b:s2+s0], $0x80, v51, vm0, $0xb8;
	[tilespmem:$0x13300] =	vst v63  }
0x18b: {  	v57 =	vadd.s32 v23, v56;
	v58 =	vperm.xlane v37, v33;
	s8 =	simm.s32 $0x7C00  }
0x18c: {  	[tilespmem:s8], [sflag:$0x3] =	stream.indirect_vreg.gather [hbm4b:s2+s0], $0x80, v53, vm0, $0xb8;
	[tilespmem:$0x13300] =	vst v63  }
0x18d: {  	v60 =	vperm.xlane v37, v34;
	v59 =	vadd.s32 v23, v58;
	s9 =	simm.s32 $0x7D00  }
0x18e: {  	[tilespmem:s9], [sflag:$0x3] =	stream.indirect_vreg.gather [hbm4b:s2+s0], $0x80, v55, vm0, $0xb8;
	[tilespmem:$0x13300] =	vst v63  }
0x18f: {  	v62 =	vperm.xlane v37, v35;
	v61 =	vadd.s32 v23, v60;
	s8 =	simm.s32 $0x7E00  }
0x190: {  	[tilespmem:s8], [sflag:$0x3] =	stream.indirect_vreg.gather [hbm4b:s2+s0], $0x80, v57, vm0, $0xb8;
	[tilespmem:$0x13300] =	vst v63  }
0x191: {  	v37 =	vperm.xlane v37, v36;
	v63 =	vadd.s32 v23, v62;
	s9 =	simm.s32 $0x7F00  }
0x192: {  	[tilespmem:s9], [sflag:$0x3] =	stream.indirect_vreg.gather [hbm4b:s2+s0], $0x80, v59, vm0, $0xb8;
	[tilespmem:$0x13300] =	vst v63  }
0x193: {  	v37 =	vadd.s32 v23, v37;
	s8 =	simm.s32 $0x8000  }
0x194: {  	[tilespmem:s8], [sflag:$0x3] =	stream.indirect_vreg.gather [hbm4b:s2+s0], $0x80, v61, vm0, $0xb8;
	[tilespmem:$0x13300] =	vst v63  }
0x195: {  	s9 =	simm.s32 $0x8100  }
0x196: {  	[tilespmem:s9], [sflag:$0x3] =	stream.indirect_vreg.gather [hbm4b:s2+s0], $0x80, v63, vm0, $0xb8;
	[tilespmem:$0x13300] =	vst v63  }
0x197: {  	s8 =	simm.s32 $0x8200  }
0x198: {  	[tilespmem:s8], [sflag:$0x3] =	stream.indirect_vreg.gather [hbm4b:s2+s0], $0x80, v37, vm0, $0xb8;
	[tilespmem:$0x13300] =	vst v63  }
0x199: {  	v37 =	vld [tilespmem:$0x3250];
	_ =	sdelay $0x4  }
0x19a: {  	v43 =	vshll.u32 v37, $0x1  }
0x19b: {  	v37 =	vand.u32 $0x7, v37;
	v38 =	vand.u32 $0xFFFFFFF0, v43  }
0x19c: {  	v37 =	vor.u32 v37, v38  }
0x19d: {  	v38 =	vperm.xlane v37, v22;
	_ =	sdelay $0x1  }
0x19e: {  	v44 =	vperm.xlane v37, v21;
	v38 =	vadd.s32 v23, v38;
	_ =	sdelay $0x1  }
0x19f: {  	v45 =	vperm.xlane v37, v24;
	v39 =	vadd.s32 v23, v44;
	_ =	sdelay $0x1  }
0x1a0: {  	s9 =	simm.s32 $0x8300;
	v46 =	vperm.xlane v37, v25;
	v40 =	vadd.s32 v23, v45  }
0x1a1: {  	[tilespmem:s9], [sflag:$0x3] =	stream.indirect_vreg.gather [hbm4b:s2+s0], $0x80, v38, vm0, $0xb8;
	[tilespmem:$0x13300] =	vst v63  }
0x1a2: {  	s8 =	simm.s32 $0x8400;
	v48 =	vperm.xlane v37, v26;
	v47 =	vadd.s32 v23, v46  }
0x1a3: {  	[tilespmem:s8], [sflag:$0x3] =	stream.indirect_vreg.gather [hbm4b:s2+s0], $0x80, v39, vm0, $0xb8;
	[tilespmem:$0x13300] =	vst v63  }
0x1a4: {  	v50 =	vperm.xlane v37, v27;
	v49 =	vadd.s32 v23, v48;
	s9 =	simm.s32 $0x8500  }
0x1a5: {  	[tilespmem:s9], [sflag:$0x3] =	stream.indirect_vreg.gather [hbm4b:s2+s0], $0x80, v40, vm0, $0xb8;
	[tilespmem:$0x13300] =	vst v63  }
0x1a6: {  	v52 =	vperm.xlane v37, v28;
	v51 =	vadd.s32 v23, v50;
	s8 =	simm.s32 $0x8600  }
0x1a7: {  	[tilespmem:s8], [sflag:$0x3] =	stream.indirect_vreg.gather [hbm4b:s2+s0], $0x80, v47, vm0, $0xb8;
	[tilespmem:$0x13300] =	vst v63  }
0x1a8: {  	v54 =	vperm.xlane v37, v20;
	v53 =	vadd.s32 v23, v52;
	s9 =	simm.s32 $0x8700  }
0x1a9: {  	[tilespmem:s9], [sflag:$0x3] =	stream.indirect_vreg.gather [hbm4b:s2+s0], $0x80, v49, vm0, $0xb8;
	[tilespmem:$0x13300] =	vst v63  }
0x1aa: {  	v56 =	vperm.xlane v37, v29;
	v55 =	vadd.s32 v23, v54;
	s8 =	simm.s32 $0x8800  }
0x1ab: {  	[tilespmem:s8], [sflag:$0x3] =	stream.indirect_vreg.gather [hbm4b:s2+s0], $0x80, v51, vm0, $0xb8;
	[tilespmem:$0x13300] =	vst v63  }
0x1ac: {  	v58 =	vperm.xlane v37, v30;
	v57 =	vadd.s32 v23, v56;
	s9 =	simm.s32 $0x8900  }
0x1ad: {  	[tilespmem:s9], [sflag:$0x3] =	stream.indirect_vreg.gather [hbm4b:s2+s0], $0x80, v53, vm0, $0xb8;
	[tilespmem:$0x13300] =	vst v63  }
0x1ae: {  	v60 =	vperm.xlane v37, v31;
	v59 =	vadd.s32 v23, v58;
	s8 =	simm.s32 $0x8A00  }
0x1af: {  	[tilespmem:s8], [sflag:$0x3] =	stream.indirect_vreg.gather [hbm4b:s2+s0], $0x80, v55, vm0, $0xb8;
	[tilespmem:$0x13300] =	vst v63  }
0x1b0: {  	v62 =	vperm.xlane v37, v32;
	v61 =	vadd.s32 v23, v60;
	s9 =	simm.s32 $0x8B00  }
0x1b1: {  	[tilespmem:s9], [sflag:$0x3] =	stream.indirect_vreg.gather [hbm4b:s2+s0], $0x80, v57, vm0, $0xb8;
	[tilespmem:$0x13300] =	vst v63  }
0x1b2: {  	v63 =	vadd.s32 v23, v62;
	v44 =	vperm.xlane v37, v33;
	s8 =	simm.s32 $0x8C00  }
0x1b3: {  	[tilespmem:s8], [sflag:$0x3] =	stream.indirect_vreg.gather [hbm4b:s2+s0], $0x80, v59, vm0, $0xb8;
	[tilespmem:$0x13300] =	vst v63  }
0x1b4: {  	v46 =	vperm.xlane v37, v34;
	v45 =	vadd.s32 v23, v44;
	s9 =	simm.s32 $0x8D00  }
0x1b5: {  	[tilespmem:s9], [sflag:$0x3] =	stream.indirect_vreg.gather [hbm4b:s2+s0], $0x80, v61, vm0, $0xb8;
	[tilespmem:$0x13300] =	vst v63  }
0x1b6: {  	v48 =	vperm.xlane v37, v35;
	v47 =	vadd.s32 v23, v46;
	s8 =	simm.s32 $0x8E00  }
0x1b7: {  	[tilespmem:s8], [sflag:$0x3] =	stream.indirect_vreg.gather [hbm4b:s2+s0], $0x80, v63, vm0, $0xb8;
	[tilespmem:$0x13300] =	vst v63  }
0x1b8: {  	v37 =	vperm.xlane v37, v36;
	v49 =	vadd.s32 v23, v48;
	s9 =	simm.s32 $0x8F00  }
0x1b9: {  	[tilespmem:s9], [sflag:$0x3] =	stream.indirect_vreg.gather [hbm4b:s2+s0], $0x80, v45, vm0, $0xb8;
	[tilespmem:$0x13300] =	vst v63  }
0x1ba: {  	v37 =	vadd.s32 v23, v37;
	s8 =	simm.s32 $0x9000  }
0x1bb: {  	[tilespmem:s8], [sflag:$0x3] =	stream.indirect_vreg.gather [hbm4b:s2+s0], $0x80, v47, vm0, $0xb8;
	[tilespmem:$0x13300] =	vst v63  }
0x1bc: {  	s9 =	simm.s32 $0x9100  }
0x1bd: {  	[tilespmem:s9], [sflag:$0x3] =	stream.indirect_vreg.gather [hbm4b:s2+s0], $0x80, v49, vm0, $0xb8;
	[tilespmem:$0x13300] =	vst v63  }
0x1be: {  	s8 =	simm.s32 $0x9200  }
0x1bf: {  	[tilespmem:s8], [sflag:$0x3] =	stream.indirect_vreg.gather [hbm4b:s2+s0], $0x80, v37, vm0, $0xb8;
	[tilespmem:$0x13300] =	vst v63  }
0x1c0: {  	v37 =	vld [tilespmem:$0x3260];
	_ =	sdelay $0x4  }
0x1c1: {  	v50 =	vshll.u32 v37, $0x1  }
0x1c2: {  	v37 =	vand.u32 $0x7, v37;
	v38 =	vand.u32 $0xFFFFFFF0, v50  }
0x1c3: {  	v37 =	vor.u32 v37, v38  }
0x1c4: {  	v38 =	vperm.xlane v37, v22;
	_ =	sdelay $0x1  }
0x1c5: {  	v51 =	vperm.xlane v37, v21;
	v38 =	vadd.s32 v23, v38;
	_ =	sdelay $0x1  }
0x1c6: {  	v52 =	vperm.xlane v37, v24;
	v39 =	vadd.s32 v23, v51;
	_ =	sdelay $0x1  }
0x1c7: {  	s9 =	simm.s32 $0x9300;
	v53 =	vperm.xlane v37, v25;
	v40 =	vadd.s32 v23, v52  }
0x1c8: {  	[tilespmem:s9], [sflag:$0x3] =	stream.indirect_vreg.gather [hbm4b:s2+s0], $0x80, v38, vm0, $0xb8;
	[tilespmem:$0x13300] =	vst v63  }
0x1c9: {  	s8 =	simm.s32 $0x9400;
	v55 =	vperm.xlane v37, v26;
	v54 =	vadd.s32 v23, v53  }
0x1ca: {  	[tilespmem:s8], [sflag:$0x3] =	stream.indirect_vreg.gather [hbm4b:s2+s0], $0x80, v39, vm0, $0xb8;
	[tilespmem:$0x13300] =	vst v63  }
0x1cb: {  	v57 =	vperm.xlane v37, v27;
	v56 =	vadd.s32 v23, v55;
	s9 =	simm.s32 $0x9500  }
0x1cc: {  	[tilespmem:s9], [sflag:$0x3] =	stream.indirect_vreg.gather [hbm4b:s2+s0], $0x80, v40, vm0, $0xb8;
	[tilespmem:$0x13300] =	vst v63  }
0x1cd: {  	v59 =	vperm.xlane v37, v28;
	v58 =	vadd.s32 v23, v57;
	s8 =	simm.s32 $0x9600  }
0x1ce: {  	[tilespmem:s8], [sflag:$0x3] =	stream.indirect_vreg.gather [hbm4b:s2+s0], $0x80, v54, vm0, $0xb8;
	[tilespmem:$0x13300] =	vst v63  }
0x1cf: {  	v61 =	vperm.xlane v37, v20;
	v60 =	vadd.s32 v23, v59;
	s9 =	simm.s32 $0x9700  }
0x1d0: {  	[tilespmem:s9], [sflag:$0x3] =	stream.indirect_vreg.gather [hbm4b:s2+s0], $0x80, v56, vm0, $0xb8;
	[tilespmem:$0x13300] =	vst v63  }
0x1d1: {  	v63 =	vperm.xlane v37, v29;
	v62 =	vadd.s32 v23, v61;
	s8 =	simm.s32 $0x9800  }
0x1d2: {  	[tilespmem:s8], [sflag:$0x3] =	stream.indirect_vreg.gather [hbm4b:s2+s0], $0x80, v58, vm0, $0xb8;
	[tilespmem:$0x13300] =	vst v63  }
0x1d3: {  	v45 =	vperm.xlane v37, v30;
	v44 =	vadd.s32 v23, v63;
	s9 =	simm.s32 $0x9900  }
0x1d4: {  	[tilespmem:s9], [sflag:$0x3] =	stream.indirect_vreg.gather [hbm4b:s2+s0], $0x80, v60, vm0, $0xb8;
	[tilespmem:$0x13300] =	vst v63  }
0x1d5: {  	v47 =	vperm.xlane v37, v31;
	v46 =	vadd.s32 v23, v45;
	s8 =	simm.s32 $0x9A00  }
0x1d6: {  	[tilespmem:s8], [sflag:$0x3] =	stream.indirect_vreg.gather [hbm4b:s2+s0], $0x80, v62, vm0, $0xb8;
	[tilespmem:$0x13300] =	vst v63  }
0x1d7: {  	v49 =	vperm.xlane v37, v32;
	v48 =	vadd.s32 v23, v47;
	s9 =	simm.s32 $0x9B00  }
0x1d8: {  	[tilespmem:s9], [sflag:$0x3] =	stream.indirect_vreg.gather [hbm4b:s2+s0], $0x80, v44, vm0, $0xb8;
	[tilespmem:$0x13300] =	vst v63  }
0x1d9: {  	v50 =	vadd.s32 v23, v49;
	v51 =	vperm.xlane v37, v33;
	s8 =	simm.s32 $0x9C00  }
0x1da: {  	[tilespmem:s8], [sflag:$0x3] =	stream.indirect_vreg.gather [hbm4b:s2+s0], $0x80, v46, vm0, $0xb8;
	[tilespmem:$0x13300] =	vst v63  }
0x1db: {  	v53 =	vperm.xlane v37, v34;
	v52 =	vadd.s32 v23, v51;
	s9 =	simm.s32 $0x9D00  }
0x1dc: {  	[tilespmem:s9], [sflag:$0x3] =	stream.indirect_vreg.gather [hbm4b:s2+s0], $0x80, v48, vm0, $0xb8;
	[tilespmem:$0x13300] =	vst v63  }
0x1dd: {  	v55 =	vperm.xlane v37, v35;
	v54 =	vadd.s32 v23, v53;
	s8 =	simm.s32 $0x9E00  }
0x1de: {  	[tilespmem:s8], [sflag:$0x3] =	stream.indirect_vreg.gather [hbm4b:s2+s0], $0x80, v50, vm0, $0xb8;
	[tilespmem:$0x13300] =	vst v63  }
0x1df: {  	v37 =	vperm.xlane v37, v36;
	v56 =	vadd.s32 v23, v55;
	s9 =	simm.s32 $0x9F00  }
0x1e0: {  	[tilespmem:s9], [sflag:$0x3] =	stream.indirect_vreg.gather [hbm4b:s2+s0], $0x80, v52, vm0, $0xb8;
	[tilespmem:$0x13300] =	vst v63  }
0x1e1: {  	v37 =	vadd.s32 v23, v37;
	s8 =	simm.s32 $0xA000  }
0x1e2: {  	[tilespmem:s8], [sflag:$0x3] =	stream.indirect_vreg.gather [hbm4b:s2+s0], $0x80, v54, vm0, $0xb8;
	[tilespmem:$0x13300] =	vst v63  }
0x1e3: {  	s9 =	simm.s32 $0xA100  }
0x1e4: {  	[tilespmem:s9], [sflag:$0x3] =	stream.indirect_vreg.gather [hbm4b:s2+s0], $0x80, v56, vm0, $0xb8;
	[tilespmem:$0x13300] =	vst v63  }
0x1e5: {  	s8 =	simm.s32 $0xA200  }
0x1e6: {  	[tilespmem:s8], [sflag:$0x3] =	stream.indirect_vreg.gather [hbm4b:s2+s0], $0x80, v37, vm0, $0xb8;
	[tilespmem:$0x13300] =	vst v63  }
0x1e7: {  	v37 =	vld [tilespmem:$0x3270];
	_ =	sdelay $0x4  }
0x1e8: {  	v57 =	vshll.u32 v37, $0x1  }
0x1e9: {  	v37 =	vand.u32 $0x7, v37;
	v38 =	vand.u32 $0xFFFFFFF0, v57  }
0x1ea: {  	v37 =	vor.u32 v37, v38  }
0x1eb: {  	v38 =	vperm.xlane v37, v22;
	_ =	sdelay $0x1  }
0x1ec: {  	v58 =	vperm.xlane v37, v21;
	v38 =	vadd.s32 v23, v38;
	_ =	sdelay $0x1  }
0x1ed: {  	v59 =	vperm.xlane v37, v24;
	v39 =	vadd.s32 v23, v58;
	_ =	sdelay $0x1  }
0x1ee: {  	v60 =	vperm.xlane v37, v25;
	v40 =	vadd.s32 v23, v59  }
0x1ef: {  	[tilespmem:s5], [sflag:$0x3] =	stream.indirect_vreg.gather [hbm4b:s2+s0], $0x80, v38, vm0, $0xb8;
	[tilespmem:$0x13300] =	vst v63  }
0x1f0: {  	v62 =	vperm.xlane v37, v26;
	v61 =	vadd.s32 v23, v60  }
0x1f1: {  	[tilespmem:s11], [sflag:$0x3] =	stream.indirect_vreg.gather [hbm4b:s2+s0], $0x80, v39, vm0, $0xb8;
	[tilespmem:$0x13300] =	vst v63  }
0x1f2: {  	v44 =	vperm.xlane v37, v27;
	v63 =	vadd.s32 v23, v62  }
0x1f3: {  	[tilespmem:s12], [sflag:$0x3] =	stream.indirect_vreg.gather [hbm4b:s2+s0], $0x80, v40, vm0, $0xb8;
	[tilespmem:$0x13300] =	vst v63  }
0x1f4: {  	v46 =	vperm.xlane v37, v28;
	v45 =	vadd.s32 v23, v44  }
0x1f5: {  	[tilespmem:s13], [sflag:$0x3] =	stream.indirect_vreg.gather [hbm4b:s2+s0], $0x80, v61, vm0, $0xb8;
	[tilespmem:$0x13300] =	vst v63  }
0x1f6: {  	v48 =	vperm.xlane v37, v20;
	v47 =	vadd.s32 v23, v46  }
0x1f7: {  	[tilespmem:s14], [sflag:$0x3] =	stream.indirect_vreg.gather [hbm4b:s2+s0], $0x80, v63, vm0, $0xb8;
	[tilespmem:$0x13300] =	vst v63  }
0x1f8: {  	v50 =	vperm.xlane v37, v29;
	v49 =	vadd.s32 v23, v48  }
0x1f9: {  	[tilespmem:s15], [sflag:$0x3] =	stream.indirect_vreg.gather [hbm4b:s2+s0], $0x80, v45, vm0, $0xb8;
	[tilespmem:$0x13300] =	vst v63  }
0x1fa: {  	v52 =	vperm.xlane v37, v30;
	v51 =	vadd.s32 v23, v50  }
0x1fb: {  	[tilespmem:s16], [sflag:$0x3] =	stream.indirect_vreg.gather [hbm4b:s2+s0], $0x80, v47, vm0, $0xb8;
	[tilespmem:$0x13300] =	vst v63  }
0x1fc: {  	v54 =	vperm.xlane v37, v31;
	v53 =	vadd.s32 v23, v52  }
0x1fd: {  	[tilespmem:s17], [sflag:$0x3] =	stream.indirect_vreg.gather [hbm4b:s2+s0], $0x80, v49, vm0, $0xb8;
	[tilespmem:$0x13300] =	vst v63  }
0x1fe: {  	v56 =	vperm.xlane v37, v32;
	v55 =	vadd.s32 v23, v54  }
0x1ff: {  	[tilespmem:s18], [sflag:$0x3] =	stream.indirect_vreg.gather [hbm4b:s2+s0], $0x80, v51, vm0, $0xb8;
	[tilespmem:$0x13300] =	vst v63  }
0x200: {  	v57 =	vadd.s32 v23, v56;
	v58 =	vperm.xlane v37, v33  }
0x201: {  	[tilespmem:s19], [sflag:$0x3] =	stream.indirect_vreg.gather [hbm4b:s2+s0], $0x80, v53, vm0, $0xb8;
	[tilespmem:$0x13300] =	vst v63  }
0x202: {  	v60 =	vperm.xlane v37, v34;
	v59 =	vadd.s32 v23, v58  }
0x203: {  	[tilespmem:s20], [sflag:$0x3] =	stream.indirect_vreg.gather [hbm4b:s2+s0], $0x80, v55, vm0, $0xb8;
	[tilespmem:$0x13300] =	vst v63  }
0x204: {  	v62 =	vperm.xlane v37, v35;
	v61 =	vadd.s32 v23, v60  }
0x205: {  	[tilespmem:s21], [sflag:$0x3] =	stream.indirect_vreg.gather [hbm4b:s2+s0], $0x80, v57, vm0, $0xb8;
	[tilespmem:$0x13300] =	vst v63  }
0x206: {  	v37 =	vperm.xlane v37, v36;
	v63 =	vadd.s32 v23, v62  }
0x207: {  	[tilespmem:s22], [sflag:$0x3] =	stream.indirect_vreg.gather [hbm4b:s2+s0], $0x80, v59, vm0, $0xb8;
	[tilespmem:$0x13300] =	vst v63  }
0x208: {  	v37 =	vadd.s32 v23, v37  }
0x209: {  	[tilespmem:s23], [sflag:$0x3] =	stream.indirect_vreg.gather [hbm4b:s2+s0], $0x80, v61, vm0, $0xb8;
	[tilespmem:$0x13300] =	vst v63  }
0x20a: {  	s9 =	sshll.u32 s4, $0x4  }
0x20b: {  	[tilespmem:s24], [sflag:$0x3] =	stream.indirect_vreg.gather [hbm4b:s2+s0], $0x80, v63, vm0, $0xb8;
	[tilespmem:$0x13300] =	vst v63  }
0x20c: {  	[smem:$0x792] =	sst s9  }
0x20d: {  	[tilespmem:s25], [sflag:$0x3] =	stream.indirect_vreg.gather [hbm4b:s2+s0], $0x80, v37, vm0, $0xb8;
	[tilespmem:$0x13300] =	vst v63  }
0x20e: {  	s4 =	simm.s32 $0x170;
	v37 =	vmov s6;
	s6 =	sld [smem:$0x795]  }
.LBB2_3:
0x20f: {  	s8 =	sadd.s32 $0xFFFFFF10, s4  }
0x210: {  	v38 =	vmov s8  }
0x211: {  	v38 =	vshll.u32 v38, $0x1  }
0x212: {  	v38 =	vor.u32 v0, v38  }
0x213: {  	_ =	swait.ge [sflag:s26], $0x8000;
	s9 =	sor.u32 s31, s0;
	v39 =	vadd.s32 v37, v38  }
0x214: {  	[sflag:s26] =	ssyncset.done $0x0;
	p0 =	seq.s32 s9, $0x0;
	v38 =	vand.u32 $0x1E, v38;
	v39 =	vand.u32 $0xFFFFFF00, v39  }
0x215: {  	[sflag:s26] =	ssyncadd.s32 $0xFFFF8000;
	s8 =	simm.s32 @!p0 $0x6;
	v38 =	vor.u32 v38, v39  }
0x216: {  	[hbm4b:s6+s1] =	stream.linear.scatter [tilespmem:s10], [sflag:$0x5], $0x8000, $0x38;
	[tilespmem:$0x13300] =	vst v63  }
0x217: {  	_ =	swait.ge @!p0 [sflag:s8], $0x8000;
	v39 =	vor.u32 $0x1, v38  }
0x218: {  	s9 =	sadd.s32 $0xFFFFFF20, s4;
	[sflag:s8] =	ssyncset.done @!p0 $0x0  }
0x219: {  	v40 =	vmov s9;
	[sflag:s8] =	ssyncadd.s32 @!p0 $0xFFFF8000  }
0x21a: {  	v40 =	vshll.u32 v40, $0x1;
	v38 =	vld.idx.msk [tilespmem:v38+s1+$0x0], $0xffff  }
0x21b: {  	v40 =	vor.u32 v0, v40  }
0x21c: {  	v41 =	vadd.s32 v37, v40;
	v39 =	vld.idx.msk [tilespmem:v39+s1+$0x0], $0xffff  }
0x21d: {  	v40 =	vand.u32 $0x3E, v40;
	v41 =	vand.u32 $0xFFFFFF80, v41  }
0x21e: {  	v40 =	vor.u32 v40, v41  }
0x21f: {  	v38 =	vmul.u32 $0x58, v38  }
0x220: {  	v41 =	vor.u32 $0x1, v40  }
0x221: {  	s3 =	sadd.s32 $0xFFFFFF30, s4;
	v38 =	vadd.s32 v39, v38  }
0x222: {  	v42 =	vmov s3;
	[tilespmem:$0x3280] =	vst v38  }
0x223: {  	v42 =	vshll.u32 v42, $0x1;
	v40 =	vld.idx.msk [tilespmem:v40+s1+$0x0], $0xffff  }
0x224: {  	v42 =	vor.u32 v0, v42  }
0x225: {  	v43 =	vadd.s32 v37, v42;
	v41 =	vld.idx.msk [tilespmem:v41+s1+$0x0], $0xffff  }
0x226: {  	v42 =	vand.u32 $0x5E, v42;
	v43 =	vand.u32 $0xFFFFFF80, v43  }
0x227: {  	v42 =	vor.u32 v42, v43  }
0x228: {  	v40 =	vmul.u32 $0x58, v40  }
0x229: {  	v43 =	vor.u32 $0x1, v42  }
0x22a: {  	s9 =	sadd.s32 $0xFFFFFF40, s4;
	v40 =	vadd.s32 v41, v40  }
0x22b: {  	v52 =	vmov s9;
	[tilespmem:$0x3290] =	vst v40  }
0x22c: {  	v40 =	vshll.u32 v52, $0x1;
	v53 =	vld.idx.msk [tilespmem:v42+s1+$0x0], $0xffff  }
0x22d: {  	v40 =	vor.u32 v0, v40  }
0x22e: {  	v54 =	vld.idx.msk [tilespmem:v43+s1+$0x0], $0xffff;
	v55 =	vadd.s32 v37, v40  }
0x22f: {  	v40 =	vand.u32 $0x7E, v40;
	v43 =	vand.u32 $0xFFFFFF80, v55  }
0x230: {  	v40 =	vor.u32 v40, v43  }
0x231: {  	v41 =	vmul.u32 $0x58, v53  }
0x232: {  	v43 =	vor.u32 $0x1, v40  }
0x233: {  	s3 =	sadd.s32 $0xFFFFFF50, s4;
	v41 =	vadd.s32 v54, v41  }
0x234: {  	v56 =	vmov s3;
	[tilespmem:$0x32A0] =	vst v41  }
0x235: {  	v41 =	vshll.u32 v56, $0x1;
	v40 =	vld.idx.msk [tilespmem:v40+s1+$0x0], $0xffff  }
0x236: {  	v41 =	vor.u32 v0, v41  }
0x237: {  	v57 =	vld.idx.msk [tilespmem:v43+s1+$0x0], $0xffff;
	v58 =	vadd.s32 v37, v41  }
0x238: {  	v41 =	vand.u32 $0x1E, v41;
	v43 =	vand.u32 $0xFFFFFF80, v58  }
0x239: {  	v41 =	vor.u32 v41, v43  }
0x23a: {  	v40 =	vmul.u32 $0x58, v40  }
0x23b: {  	v43 =	vor.u32 $0x1, v41  }
0x23c: {  	s9 =	sadd.s32 $0xFFFFFF60, s4;
	v40 =	vadd.s32 v57, v40  }
0x23d: {  	v59 =	vmov s9;
	[tilespmem:$0x32B0] =	vst v40  }
0x23e: {  	v40 =	vshll.u32 v59, $0x1;
	v41 =	vld.idx.msk [tilespmem:v41+s1+$0x0], $0xffff  }
0x23f: {  	v40 =	vor.u32 v0, v40  }
0x240: {  	v60 =	vld.idx.msk [tilespmem:v43+s1+$0x0], $0xffff;
	v61 =	vadd.s32 v37, v40  }
0x241: {  	v40 =	vand.u32 $0x3E, v40;
	v43 =	vand.u32 $0xFFFFFF80, v61  }
0x242: {  	v40 =	vor.u32 v40, v43  }
0x243: {  	v41 =	vmul.u32 $0x58, v41  }
0x244: {  	v43 =	vor.u32 $0x1, v40  }
0x245: {  	s3 =	sadd.s32 $0xFFFFFF70, s4;
	v41 =	vadd.s32 v60, v41  }
0x246: {  	v62 =	vmov s3;
	[tilespmem:$0x32C0] =	vst v41  }
0x247: {  	v41 =	vshll.u32 v62, $0x1;
	v40 =	vld.idx.msk [tilespmem:v40+s1+$0x0], $0xffff  }
0x248: {  	v41 =	vor.u32 v0, v41  }
0x249: {  	v63 =	vld.idx.msk [tilespmem:v43+s1+$0x0], $0xffff;
	v45 =	vadd.s32 v37, v41  }
0x24a: {  	v41 =	vand.u32 $0x5E, v41;
	v43 =	vand.u32 $0xFFFFFF80, v45  }
0x24b: {  	v41 =	vor.u32 v41, v43  }
0x24c: {  	v40 =	vmul.u32 $0x58, v40  }
0x24d: {  	v43 =	vor.u32 $0x1, v41  }
0x24e: {  	s9 =	sadd.s32 $0xFFFFFF80, s4;
	v40 =	vadd.s32 v63, v40  }
0x24f: {  	v46 =	vmov s9;
	[tilespmem:$0x32D0] =	vst v40  }
0x250: {  	v40 =	vshll.u32 v46, $0x1;
	v41 =	vld.idx.msk [tilespmem:v41+s1+$0x0], $0xffff  }
0x251: {  	v40 =	vor.u32 v0, v40  }
0x252: {  	v47 =	vld.idx.msk [tilespmem:v43+s1+$0x0], $0xffff;
	v48 =	vadd.s32 v37, v40  }
0x253: {  	v40 =	vand.u32 $0x7E, v40;
	v43 =	vand.u32 $0xFFFFFF80, v48  }
0x254: {  	v40 =	vor.u32 v40, v43  }
0x255: {  	v41 =	vmul.u32 $0x58, v41  }
0x256: {  	v43 =	vor.u32 $0x1, v40  }
0x257: {  	v41 =	vadd.s32 v47, v41  }
0x258: {  	v38 =	vshll.u32 v38, $0x1;
	[tilespmem:$0x32E0] =	vst v41  }
0x259: {  	v39 =	vand.u32 $0x7, v39;
	v38 =	vand.u32 $0xFFFFFFF0, v38;
	v40 =	vld.idx.msk [tilespmem:v40+s1+$0x0], $0xffff  }
0x25a: {  	v38 =	vor.u32 v39, v38  }
0x25b: {  	v50 =	vperm.xlane v38, v22;
	v49 =	vld.idx.msk [tilespmem:v43+s1+$0x0], $0xffff;
	_ =	sdelay $0x1  }
0x25c: {  	v51 =	vperm.xlane v38, v21;
	v41 =	vadd.s32 v23, v50  }
0x25d: {  	v40 =	vmul.u32 $0x58, v40  }
0x25e: {  	v52 =	vperm.xlane v38, v24;
	v42 =	vadd.s32 v23, v51  }
0x25f: {  	v39 =	vadd.s32 v49, v40  }
0x260: {  	v53 =	vadd.s32 v23, v52;
	v54 =	vperm.xlane v38, v25;
	[tilespmem:$0x32F0] =	vst v39  }
0x261: {  	[tilespmem:s28], [sflag:$0x4] =	stream.indirect_vreg.gather [hbm4b:s2+s1], $0x80, v41, vm0, $0xb8;
	[tilespmem:$0x13300] =	vst v63  }
0x262: {  	s3 =	rddreg [dreg:$0x3];
	v55 =	vperm.xlane v38, v26;
	v40 =	vadd.s32 v23, v54  }
0x263: {  	[tilespmem:s3], [sflag:$0x4] =	stream.indirect_vreg.gather [hbm4b:s2+s1], $0x80, v42, vm0, $0xb8;
	[tilespmem:$0x13300] =	vst v63  }
0x264: {  	s9 =	rddreg [dreg:$0x4];
	v56 =	vperm.xlane v38, v27;
	v41 =	vadd.s32 v23, v55  }
0x265: {  	[tilespmem:s9], [sflag:$0x4] =	stream.indirect_vreg.gather [hbm4b:s2+s1], $0x80, v53, vm0, $0xb8;
	[tilespmem:$0x13300] =	vst v63  }
0x266: {  	v58 =	vperm.xlane v38, v28;
	v57 =	vadd.s32 v23, v56;
	s3 =	rddreg [dreg:$0x5]  }
0x267: {  	[tilespmem:s3], [sflag:$0x4] =	stream.indirect_vreg.gather [hbm4b:s2+s1], $0x80, v40, vm0, $0xb8;
	[tilespmem:$0x13300] =	vst v63  }
0x268: {  	v59 =	vadd.s32 v23, v58;
	v60 =	vperm.xlane v38, v20;
	s9 =	rddreg [dreg:$0x6]  }
0x269: {  	[tilespmem:s9], [sflag:$0x4] =	stream.indirect_vreg.gather [hbm4b:s2+s1], $0x80, v41, vm0, $0xb8;
	[tilespmem:$0x13300] =	vst v63  }
0x26a: {  	v62 =	vperm.xlane v38, v29;
	v61 =	vadd.s32 v23, v60;
	s3 =	rddreg [dreg:$0x7]  }
0x26b: {  	[tilespmem:s3], [sflag:$0x4] =	stream.indirect_vreg.gather [hbm4b:s2+s1], $0x80, v57, vm0, $0xb8;
	[tilespmem:$0x13300] =	vst v63  }
0x26c: {  	v45 =	vperm.xlane v38, v30;
	v63 =	vadd.s32 v23, v62;
	s9 =	rddreg [dreg:$0x8]  }
0x26d: {  	[tilespmem:s9], [sflag:$0x4] =	stream.indirect_vreg.gather [hbm4b:s2+s1], $0x80, v59, vm0, $0xb8;
	[tilespmem:$0x13300] =	vst v63  }
0x26e: {  	v46 =	vadd.s32 v23, v45;
	v47 =	vperm.xlane v38, v31;
	s3 =	rddreg [dreg:$0x9]  }
0x26f: {  	[tilespmem:s3], [sflag:$0x4] =	stream.indirect_vreg.gather [hbm4b:s2+s1], $0x80, v61, vm0, $0xb8;
	[tilespmem:$0x13300] =	vst v63  }
0x270: {  	v48 =	vadd.s32 v23, v47;
	v49 =	vperm.xlane v38, v32;
	s9 =	rddreg [dreg:$0xa]  }
0x271: {  	[tilespmem:s9], [sflag:$0x4] =	stream.indirect_vreg.gather [hbm4b:s2+s1], $0x80, v63, vm0, $0xb8;
	[tilespmem:$0x13300] =	vst v63  }
0x272: {  	v51 =	vperm.xlane v38, v33;
	v50 =	vadd.s32 v23, v49;
	s3 =	rddreg [dreg:$0xb]  }
0x273: {  	[tilespmem:s3], [sflag:$0x4] =	stream.indirect_vreg.gather [hbm4b:s2+s1], $0x80, v46, vm0, $0xb8;
	[tilespmem:$0x13300] =	vst v63  }
0x274: {  	v52 =	vadd.s32 v23, v51;
	v53 =	vperm.xlane v38, v34;
	s9 =	rddreg [dreg:$0xc]  }
0x275: {  	[tilespmem:s9], [sflag:$0x4] =	stream.indirect_vreg.gather [hbm4b:s2+s1], $0x80, v48, vm0, $0xb8;
	[tilespmem:$0x13300] =	vst v63  }
0x276: {  	v55 =	vperm.xlane v38, v35;
	v54 =	vadd.s32 v23, v53;
	s3 =	rddreg [dreg:$0xd]  }
0x277: {  	[tilespmem:s3], [sflag:$0x4] =	stream.indirect_vreg.gather [hbm4b:s2+s1], $0x80, v50, vm0, $0xb8;
	[tilespmem:$0x13300] =	vst v63  }
0x278: {  	v56 =	vadd.s32 v23, v55;
	v38 =	vperm.xlane v38, v36;
	s9 =	rddreg [dreg:$0xe]  }
0x279: {  	[tilespmem:s9], [sflag:$0x4] =	stream.indirect_vreg.gather [hbm4b:s2+s1], $0x80, v52, vm0, $0xb8;
	[tilespmem:$0x13300] =	vst v63  }
0x27a: {  	v38 =	vadd.s32 v23, v38;
	s3 =	rddreg [dreg:$0xf]  }
0x27b: {  	[tilespmem:s3], [sflag:$0x4] =	stream.indirect_vreg.gather [hbm4b:s2+s1], $0x80, v54, vm0, $0xb8;
	[tilespmem:$0x13300] =	vst v63  }
0x27c: {  	s9 =	rddreg [dreg:$0x10]  }
0x27d: {  	[tilespmem:s9], [sflag:$0x4] =	stream.indirect_vreg.gather [hbm4b:s2+s1], $0x80, v56, vm0, $0xb8;
	[tilespmem:$0x13300] =	vst v63  }
0x27e: {  	s3 =	rddreg [dreg:$0x11]  }
0x27f: {  	[tilespmem:s3], [sflag:$0x4] =	stream.indirect_vreg.gather [hbm4b:s2+s1], $0x80, v38, vm0, $0xb8;
	[tilespmem:$0x13300] =	vst v63  }
0x280: {  	v38 =	vld [tilespmem:$0x3290];
	_ =	sdelay $0x4  }
0x281: {  	v57 =	vshll.u32 v38, $0x1  }
0x282: {  	v38 =	vand.u32 $0x7, v38;
	v39 =	vand.u32 $0xFFFFFFF0, v57  }
0x283: {  	v38 =	vor.u32 v38, v39  }
0x284: {  	v39 =	vperm.xlane v38, v22;
	_ =	sdelay $0x1  }
0x285: {  	v58 =	vperm.xlane v38, v21;
	v39 =	vadd.s32 v23, v39;
	_ =	sdelay $0x1  }
0x286: {  	v59 =	vperm.xlane v38, v24;
	v40 =	vadd.s32 v23, v58  }
0x287: {  	s8 =	rddreg [dreg:$0x14]  }
0x288: {  	s9 =	rddreg [dreg:$0x12];
	v60 =	vperm.xlane v38, v25;
	v41 =	vadd.s32 v23, v59  }
0x289: {  	[tilespmem:s9], [sflag:$0x4] =	stream.indirect_vreg.gather [hbm4b:s2+s1], $0x80, v39, vm0, $0xb8;
	[tilespmem:$0x13300] =	vst v63  }
0x28a: {  	s3 =	rddreg [dreg:$0x13];
	v62 =	vperm.xlane v38, v26;
	v61 =	vadd.s32 v23, v60  }
0x28b: {  	[tilespmem:s3], [sflag:$0x4] =	stream.indirect_vreg.gather [hbm4b:s2+s1], $0x80, v40, vm0, $0xb8;
	[tilespmem:$0x13300] =	vst v63  }
0x28c: {  	v45 =	vperm.xlane v38, v27;
	v63 =	vadd.s32 v23, v62;
	s3 =	rddreg [dreg:$0x15]  }
0x28d: {  	[tilespmem:s8], [sflag:$0x4] =	stream.indirect_vreg.gather [hbm4b:s2+s1], $0x80, v41, vm0, $0xb8;
	[tilespmem:$0x13300] =	vst v63  }
0x28e: {  	v47 =	vperm.xlane v38, v28;
	v46 =	vadd.s32 v23, v45;
	s8 =	rddreg [dreg:$0x16]  }
0x28f: {  	[tilespmem:s3], [sflag:$0x4] =	stream.indirect_vreg.gather [hbm4b:s2+s1], $0x80, v61, vm0, $0xb8;
	[tilespmem:$0x13300] =	vst v63  }
0x290: {  	v49 =	vperm.xlane v38, v20;
	v48 =	vadd.s32 v23, v47;
	s3 =	rddreg [dreg:$0x17]  }
0x291: {  	[tilespmem:s8], [sflag:$0x4] =	stream.indirect_vreg.gather [hbm4b:s2+s1], $0x80, v63, vm0, $0xb8;
	[tilespmem:$0x13300] =	vst v63  }
0x292: {  	v51 =	vperm.xlane v38, v29;
	v50 =	vadd.s32 v23, v49;
	s8 =	rddreg [dreg:$0x18]  }
0x293: {  	[tilespmem:s3], [sflag:$0x4] =	stream.indirect_vreg.gather [hbm4b:s2+s1], $0x80, v46, vm0, $0xb8;
	[tilespmem:$0x13300] =	vst v63  }
0x294: {  	v53 =	vperm.xlane v38, v30;
	v52 =	vadd.s32 v23, v51;
	s3 =	rddreg [dreg:$0x19]  }
0x295: {  	[tilespmem:s8], [sflag:$0x4] =	stream.indirect_vreg.gather [hbm4b:s2+s1], $0x80, v48, vm0, $0xb8;
	[tilespmem:$0x13300] =	vst v63  }
0x296: {  	v55 =	vperm.xlane v38, v31;
	v54 =	vadd.s32 v23, v53;
	s8 =	rddreg [dreg:$0x1a]  }
0x297: {  	[tilespmem:s3], [sflag:$0x4] =	stream.indirect_vreg.gather [hbm4b:s2+s1], $0x80, v50, vm0, $0xb8;
	[tilespmem:$0x13300] =	vst v63  }
0x298: {  	v57 =	vperm.xlane v38, v32;
	v56 =	vadd.s32 v23, v55;
	s3 =	rddreg [dreg:$0x1b]  }
0x299: {  	[tilespmem:s8], [sflag:$0x4] =	stream.indirect_vreg.gather [hbm4b:s2+s1], $0x80, v52, vm0, $0xb8;
	[tilespmem:$0x13300] =	vst v63  }
0x29a: {  	v58 =	vadd.s32 v23, v57;
	v59 =	vperm.xlane v38, v33;
	s8 =	rddreg [dreg:$0x1c]  }
0x29b: {  	[tilespmem:s3], [sflag:$0x4] =	stream.indirect_vreg.gather [hbm4b:s2+s1], $0x80, v54, vm0, $0xb8;
	[tilespmem:$0x13300] =	vst v63  }
0x29c: {  	v60 =	vadd.s32 v23, v59;
	v61 =	vperm.xlane v38, v34;
	s3 =	rddreg [dreg:$0x1d]  }
0x29d: {  	[tilespmem:s8], [sflag:$0x4] =	stream.indirect_vreg.gather [hbm4b:s2+s1], $0x80, v56, vm0, $0xb8;
	[tilespmem:$0x13300] =	vst v63  }
0x29e: {  	v62 =	vadd.s32 v23, v61;
	v63 =	vperm.xlane v38, v35;
	s8 =	rddreg [dreg:$0x1e]  }
0x29f: {  	[tilespmem:s3], [sflag:$0x4] =	stream.indirect_vreg.gather [hbm4b:s2+s1], $0x80, v58, vm0, $0xb8;
	[tilespmem:$0x13300] =	vst v63  }
0x2a0: {  	v38 =	vperm.xlane v38, v36;
	v45 =	vadd.s32 v23, v63;
	s3 =	rddreg [dreg:$0x1f]  }
0x2a1: {  	[tilespmem:s8], [sflag:$0x4] =	stream.indirect_vreg.gather [hbm4b:s2+s1], $0x80, v60, vm0, $0xb8;
	[tilespmem:$0x13300] =	vst v63  }
0x2a2: {  	v38 =	vadd.s32 v23, v38;
	s8 =	sld [smem:$0x796]  }
0x2a3: {  	[tilespmem:s3], [sflag:$0x4] =	stream.indirect_vreg.gather [hbm4b:s2+s1], $0x80, v62, vm0, $0xb8;
	[tilespmem:$0x13300] =	vst v63  }
0x2a4: {  	s3 =	sld [smem:$0x797]  }
0x2a5: {  	[tilespmem:s8], [sflag:$0x4] =	stream.indirect_vreg.gather [hbm4b:s2+s1], $0x80, v45, vm0, $0xb8;
	[tilespmem:$0x13300] =	vst v63  }
0x2a6: {  	_ = 	snop  }
0x2a7: {  	[tilespmem:s3], [sflag:$0x4] =	stream.indirect_vreg.gather [hbm4b:s2+s1], $0x80, v38, vm0, $0xb8;
	[tilespmem:$0x13300] =	vst v63  }
0x2a8: {  	v38 =	vld [tilespmem:$0x32A0];
	_ =	sdelay $0x4  }
0x2a9: {  	v46 =	vshll.u32 v38, $0x1  }
0x2aa: {  	v38 =	vand.u32 $0x7, v38;
	v39 =	vand.u32 $0xFFFFFFF0, v46  }
0x2ab: {  	v38 =	vor.u32 v38, v39  }
0x2ac: {  	v39 =	vperm.xlane v38, v22;
	_ =	sdelay $0x1  }
0x2ad: {  	v47 =	vperm.xlane v38, v21;
	v39 =	vadd.s32 v23, v39;
	_ =	sdelay $0x1  }
0x2ae: {  	s9 =	sld [smem:$0x798];
	v48 =	vperm.xlane v38, v24;
	v40 =	vadd.s32 v23, v47;
	_ =	sdelay $0x1  }
0x2af: {  	s3 =	sld [smem:$0x799];
	v49 =	vperm.xlane v38, v25;
	v41 =	vadd.s32 v23, v48  }
0x2b0: {  	[tilespmem:s9], [sflag:$0x4] =	stream.indirect_vreg.gather [hbm4b:s2+s1], $0x80, v39, vm0, $0xb8;
	[tilespmem:$0x13300] =	vst v63  }
0x2b1: {  	s8 =	sld [smem:$0x79A];
	v51 =	vperm.xlane v38, v26;
	v50 =	vadd.s32 v23, v49  }
0x2b2: {  	[tilespmem:s3], [sflag:$0x4] =	stream.indirect_vreg.gather [hbm4b:s2+s1], $0x80, v40, vm0, $0xb8;
	[tilespmem:$0x13300] =	vst v63  }
0x2b3: {  	v53 =	vperm.xlane v38, v27;
	v52 =	vadd.s32 v23, v51;
	s3 =	sld [smem:$0x79B]  }
0x2b4: {  	[tilespmem:s8], [sflag:$0x4] =	stream.indirect_vreg.gather [hbm4b:s2+s1], $0x80, v41, vm0, $0xb8;
	[tilespmem:$0x13300] =	vst v63  }
0x2b5: {  	v55 =	vperm.xlane v38, v28;
	v54 =	vadd.s32 v23, v53;
	s8 =	sld [smem:$0x79C]  }
0x2b6: {  	[tilespmem:s3], [sflag:$0x4] =	stream.indirect_vreg.gather [hbm4b:s2+s1], $0x80, v50, vm0, $0xb8;
	[tilespmem:$0x13300] =	vst v63  }
0x2b7: {  	v57 =	vperm.xlane v38, v20;
	v56 =	vadd.s32 v23, v55;
	s3 =	sld [smem:$0x79D]  }
0x2b8: {  	[tilespmem:s8], [sflag:$0x4] =	stream.indirect_vreg.gather [hbm4b:s2+s1], $0x80, v52, vm0, $0xb8;
	[tilespmem:$0x13300] =	vst v63  }
0x2b9: {  	v59 =	vperm.xlane v38, v29;
	v58 =	vadd.s32 v23, v57;
	s8 =	sld [smem:$0x79E]  }
0x2ba: {  	[tilespmem:s3], [sflag:$0x4] =	stream.indirect_vreg.gather [hbm4b:s2+s1], $0x80, v54, vm0, $0xb8;
	[tilespmem:$0x13300] =	vst v63  }
0x2bb: {  	v61 =	vperm.xlane v38, v30;
	v60 =	vadd.s32 v23, v59;
	s3 =	sld [smem:$0x79F]  }
0x2bc: {  	[tilespmem:s8], [sflag:$0x4] =	stream.indirect_vreg.gather [hbm4b:s2+s1], $0x80, v56, vm0, $0xb8;
	[tilespmem:$0x13300] =	vst v63  }
0x2bd: {  	v63 =	vperm.xlane v38, v31;
	v62 =	vadd.s32 v23, v61;
	s8 =	sld [smem:$0x7A0]  }
0x2be: {  	[tilespmem:s3], [sflag:$0x4] =	stream.indirect_vreg.gather [hbm4b:s2+s1], $0x80, v58, vm0, $0xb8;
	[tilespmem:$0x13300] =	vst v63  }
0x2bf: {  	v46 =	vperm.xlane v38, v32;
	v45 =	vadd.s32 v23, v63;
	s3 =	sld [smem:$0x7A1]  }
0x2c0: {  	[tilespmem:s8], [sflag:$0x4] =	stream.indirect_vreg.gather [hbm4b:s2+s1], $0x80, v60, vm0, $0xb8;
	[tilespmem:$0x13300] =	vst v63  }
0x2c1: {  	v47 =	vadd.s32 v23, v46;
	v48 =	vperm.xlane v38, v33;
	s8 =	sld [smem:$0x7A2]  }
0x2c2: {  	[tilespmem:s3], [sflag:$0x4] =	stream.indirect_vreg.gather [hbm4b:s2+s1], $0x80, v62, vm0, $0xb8;
	[tilespmem:$0x13300] =	vst v63  }
0x2c3: {  	v49 =	vadd.s32 v23, v48;
	v50 =	vperm.xlane v38, v34;
	s3 =	sld [smem:$0x7A3]  }
0x2c4: {  	[tilespmem:s8], [sflag:$0x4] =	stream.indirect_vreg.gather [hbm4b:s2+s1], $0x80, v45, vm0, $0xb8;
	[tilespmem:$0x13300] =	vst v63  }
0x2c5: {  	v51 =	vadd.s32 v23, v50;
	v52 =	vperm.xlane v38, v35;
	s8 =	sld [smem:$0x7A4]  }
0x2c6: {  	[tilespmem:s3], [sflag:$0x4] =	stream.indirect_vreg.gather [hbm4b:s2+s1], $0x80, v47, vm0, $0xb8;
	[tilespmem:$0x13300] =	vst v63  }
0x2c7: {  	v38 =	vperm.xlane v38, v36;
	v53 =	vadd.s32 v23, v52;
	s3 =	sld [smem:$0x7A5]  }
0x2c8: {  	[tilespmem:s8], [sflag:$0x4] =	stream.indirect_vreg.gather [hbm4b:s2+s1], $0x80, v49, vm0, $0xb8;
	[tilespmem:$0x13300] =	vst v63  }
0x2c9: {  	v38 =	vadd.s32 v23, v38;
	s8 =	sld [smem:$0x7A6]  }
0x2ca: {  	[tilespmem:s3], [sflag:$0x4] =	stream.indirect_vreg.gather [hbm4b:s2+s1], $0x80, v51, vm0, $0xb8;
	[tilespmem:$0x13300] =	vst v63  }
0x2cb: {  	s3 =	sld [smem:$0x7A7]  }
0x2cc: {  	[tilespmem:s8], [sflag:$0x4] =	stream.indirect_vreg.gather [hbm4b:s2+s1], $0x80, v53, vm0, $0xb8;
	[tilespmem:$0x13300] =	vst v63  }
0x2cd: {  	_ = 	snop  }
0x2ce: {  	[tilespmem:s3], [sflag:$0x4] =	stream.indirect_vreg.gather [hbm4b:s2+s1], $0x80, v38, vm0, $0xb8;
	[tilespmem:$0x13300] =	vst v63  }
0x2cf: {  	v38 =	vld [tilespmem:$0x32B0];
	_ =	sdelay $0x4  }
0x2d0: {  	v54 =	vshll.u32 v38, $0x1  }
0x2d1: {  	v38 =	vand.u32 $0x7, v38;
	v39 =	vand.u32 $0xFFFFFFF0, v54  }
0x2d2: {  	v38 =	vor.u32 v38, v39  }
0x2d3: {  	v39 =	vperm.xlane v38, v22;
	_ =	sdelay $0x1  }
0x2d4: {  	v55 =	vperm.xlane v38, v21;
	v39 =	vadd.s32 v23, v39;
	_ =	sdelay $0x1  }
0x2d5: {  	s9 =	sld [smem:$0x7A8];
	v56 =	vperm.xlane v38, v24;
	v40 =	vadd.s32 v23, v55;
	_ =	sdelay $0x1  }
0x2d6: {  	s3 =	sld [smem:$0x7A9];
	v57 =	vperm.xlane v38, v25;
	v41 =	vadd.s32 v23, v56  }
0x2d7: {  	[tilespmem:s9], [sflag:$0x4] =	stream.indirect_vreg.gather [hbm4b:s2+s1], $0x80, v39, vm0, $0xb8;
	[tilespmem:$0x13300] =	vst v63  }
0x2d8: {  	s8 =	sld [smem:$0x7AA];
	v59 =	vperm.xlane v38, v26;
	v58 =	vadd.s32 v23, v57  }
0x2d9: {  	[tilespmem:s3], [sflag:$0x4] =	stream.indirect_vreg.gather [hbm4b:s2+s1], $0x80, v40, vm0, $0xb8;
	[tilespmem:$0x13300] =	vst v63  }
0x2da: {  	v61 =	vperm.xlane v38, v27;
	v60 =	vadd.s32 v23, v59;
	s3 =	sld [smem:$0x7AB]  }
0x2db: {  	[tilespmem:s8], [sflag:$0x4] =	stream.indirect_vreg.gather [hbm4b:s2+s1], $0x80, v41, vm0, $0xb8;
	[tilespmem:$0x13300] =	vst v63  }
0x2dc: {  	v63 =	vperm.xlane v38, v28;
	v62 =	vadd.s32 v23, v61;
	s8 =	sld [smem:$0x7AC]  }
0x2dd: {  	[tilespmem:s3], [sflag:$0x4] =	stream.indirect_vreg.gather [hbm4b:s2+s1], $0x80, v58, vm0, $0xb8;
	[tilespmem:$0x13300] =	vst v63  }
0x2de: {  	v46 =	vperm.xlane v38, v20;
	v45 =	vadd.s32 v23, v63;
	s3 =	sld [smem:$0x7AD]  }
0x2df: {  	[tilespmem:s8], [sflag:$0x4] =	stream.indirect_vreg.gather [hbm4b:s2+s1], $0x80, v60, vm0, $0xb8;
	[tilespmem:$0x13300] =	vst v63  }
0x2e0: {  	v48 =	vperm.xlane v38, v29;
	v47 =	vadd.s32 v23, v46;
	s8 =	sld [smem:$0x7AE]  }
0x2e1: {  	[tilespmem:s3], [sflag:$0x4] =	stream.indirect_vreg.gather [hbm4b:s2+s1], $0x80, v62, vm0, $0xb8;
	[tilespmem:$0x13300] =	vst v63  }
0x2e2: {  	v50 =	vperm.xlane v38, v30;
	v49 =	vadd.s32 v23, v48;
	s3 =	sld [smem:$0x7AF]  }
0x2e3: {  	[tilespmem:s8], [sflag:$0x4] =	stream.indirect_vreg.gather [hbm4b:s2+s1], $0x80, v45, vm0, $0xb8;
	[tilespmem:$0x13300] =	vst v63  }
0x2e4: {  	v52 =	vperm.xlane v38, v31;
	v51 =	vadd.s32 v23, v50;
	s8 =	sld [smem:$0x7B0]  }
0x2e5: {  	[tilespmem:s3], [sflag:$0x4] =	stream.indirect_vreg.gather [hbm4b:s2+s1], $0x80, v47, vm0, $0xb8;
	[tilespmem:$0x13300] =	vst v63  }
0x2e6: {  	v54 =	vperm.xlane v38, v32;
	v53 =	vadd.s32 v23, v52;
	s3 =	sld [smem:$0x7B1]  }
0x2e7: {  	[tilespmem:s8], [sflag:$0x4] =	stream.indirect_vreg.gather [hbm4b:s2+s1], $0x80, v49, vm0, $0xb8;
	[tilespmem:$0x13300] =	vst v63  }
0x2e8: {  	v55 =	vadd.s32 v23, v54;
	v56 =	vperm.xlane v38, v33;
	s8 =	sld [smem:$0x7B2]  }
0x2e9: {  	[tilespmem:s3], [sflag:$0x4] =	stream.indirect_vreg.gather [hbm4b:s2+s1], $0x80, v51, vm0, $0xb8;
	[tilespmem:$0x13300] =	vst v63  }
0x2ea: {  	v57 =	vadd.s32 v23, v56;
	v58 =	vperm.xlane v38, v34;
	s3 =	sld [smem:$0x7B3]  }
0x2eb: {  	[tilespmem:s8], [sflag:$0x4] =	stream.indirect_vreg.gather [hbm4b:s2+s1], $0x80, v53, vm0, $0xb8;
	[tilespmem:$0x13300] =	vst v63  }
0x2ec: {  	v59 =	vadd.s32 v23, v58;
	v60 =	vperm.xlane v38, v35;
	s8 =	sld [smem:$0x7B4]  }
0x2ed: {  	[tilespmem:s3], [sflag:$0x4] =	stream.indirect_vreg.gather [hbm4b:s2+s1], $0x80, v55, vm0, $0xb8;
	[tilespmem:$0x13300] =	vst v63  }
0x2ee: {  	v38 =	vperm.xlane v38, v36;
	v61 =	vadd.s32 v23, v60;
	s3 =	sld [smem:$0x7B5]  }
0x2ef: {  	[tilespmem:s8], [sflag:$0x4] =	stream.indirect_vreg.gather [hbm4b:s2+s1], $0x80, v57, vm0, $0xb8;
	[tilespmem:$0x13300] =	vst v63  }
0x2f0: {  	v38 =	vadd.s32 v23, v38;
	s8 =	sld [smem:$0x7B6]  }
0x2f1: {  	[tilespmem:s3], [sflag:$0x4] =	stream.indirect_vreg.gather [hbm4b:s2+s1], $0x80, v59, vm0, $0xb8;
	[tilespmem:$0x13300] =	vst v63  }
0x2f2: {  	s3 =	sld [smem:$0x7B7]  }
0x2f3: {  	[tilespmem:s8], [sflag:$0x4] =	stream.indirect_vreg.gather [hbm4b:s2+s1], $0x80, v61, vm0, $0xb8;
	[tilespmem:$0x13300] =	vst v63  }
0x2f4: {  	_ = 	snop  }
0x2f5: {  	[tilespmem:s3], [sflag:$0x4] =	stream.indirect_vreg.gather [hbm4b:s2+s1], $0x80, v38, vm0, $0xb8;
	[tilespmem:$0x13300] =	vst v63  }
0x2f6: {  	v38 =	vld [tilespmem:$0x32C0];
	_ =	sdelay $0x4  }
0x2f7: {  	v62 =	vshll.u32 v38, $0x1  }
0x2f8: {  	v38 =	vand.u32 $0x7, v38;
	v39 =	vand.u32 $0xFFFFFFF0, v62  }
0x2f9: {  	v38 =	vor.u32 v38, v39  }
0x2fa: {  	v39 =	vperm.xlane v38, v22;
	_ =	sdelay $0x1  }
0x2fb: {  	v63 =	vperm.xlane v38, v21;
	v39 =	vadd.s32 v23, v39;
	_ =	sdelay $0x1  }
0x2fc: {  	s9 =	sld [smem:$0x7B8];
	v44 =	vperm.xlane v38, v24;
	v40 =	vadd.s32 v23, v63;
	_ =	sdelay $0x1  }
0x2fd: {  	s3 =	sld [smem:$0x7B9];
	v45 =	vperm.xlane v38, v25;
	v41 =	vadd.s32 v23, v44  }
0x2fe: {  	[tilespmem:s9], [sflag:$0x4] =	stream.indirect_vreg.gather [hbm4b:s2+s1], $0x80, v39, vm0, $0xb8;
	[tilespmem:$0x13300] =	vst v63  }
0x2ff: {  	s8 =	sld [smem:$0x7BA];
	v47 =	vperm.xlane v38, v26;
	v46 =	vadd.s32 v23, v45  }
0x300: {  	[tilespmem:s3], [sflag:$0x4] =	stream.indirect_vreg.gather [hbm4b:s2+s1], $0x80, v40, vm0, $0xb8;
	[tilespmem:$0x13300] =	vst v63  }
0x301: {  	v49 =	vperm.xlane v38, v27;
	v48 =	vadd.s32 v23, v47;
	s3 =	sld [smem:$0x7BB]  }
0x302: {  	[tilespmem:s8], [sflag:$0x4] =	stream.indirect_vreg.gather [hbm4b:s2+s1], $0x80, v41, vm0, $0xb8;
	[tilespmem:$0x13300] =	vst v63  }
0x303: {  	v51 =	vperm.xlane v38, v28;
	v50 =	vadd.s32 v23, v49;
	s8 =	sld [smem:$0x7BC]  }
0x304: {  	[tilespmem:s3], [sflag:$0x4] =	stream.indirect_vreg.gather [hbm4b:s2+s1], $0x80, v46, vm0, $0xb8;
	[tilespmem:$0x13300] =	vst v63  }
0x305: {  	v53 =	vperm.xlane v38, v20;
	v52 =	vadd.s32 v23, v51;
	s3 =	sld [smem:$0x7BD]  }
0x306: {  	[tilespmem:s8], [sflag:$0x4] =	stream.indirect_vreg.gather [hbm4b:s2+s1], $0x80, v48, vm0, $0xb8;
	[tilespmem:$0x13300] =	vst v63  }
0x307: {  	v55 =	vperm.xlane v38, v29;
	v54 =	vadd.s32 v23, v53;
	s8 =	sld [smem:$0x7BE]  }
0x308: {  	[tilespmem:s3], [sflag:$0x4] =	stream.indirect_vreg.gather [hbm4b:s2+s1], $0x80, v50, vm0, $0xb8;
	[tilespmem:$0x13300] =	vst v63  }
0x309: {  	v57 =	vperm.xlane v38, v30;
	v56 =	vadd.s32 v23, v55;
	s3 =	sld [smem:$0x7BF]  }
0x30a: {  	[tilespmem:s8], [sflag:$0x4] =	stream.indirect_vreg.gather [hbm4b:s2+s1], $0x80, v52, vm0, $0xb8;
	[tilespmem:$0x13300] =	vst v63  }
0x30b: {  	v59 =	vperm.xlane v38, v31;
	v58 =	vadd.s32 v23, v57;
	s8 =	sld [smem:$0x7C0]  }
0x30c: {  	[tilespmem:s3], [sflag:$0x4] =	stream.indirect_vreg.gather [hbm4b:s2+s1], $0x80, v54, vm0, $0xb8;
	[tilespmem:$0x13300] =	vst v63  }
0x30d: {  	v61 =	vperm.xlane v38, v32;
	v60 =	vadd.s32 v23, v59;
	s3 =	sld [smem:$0x7C1]  }
0x30e: {  	[tilespmem:s8], [sflag:$0x4] =	stream.indirect_vreg.gather [hbm4b:s2+s1], $0x80, v56, vm0, $0xb8;
	[tilespmem:$0x13300] =	vst v63  }
0x30f: {  	v62 =	vadd.s32 v23, v61;
	v63 =	vperm.xlane v38, v33;
	s8 =	sld [smem:$0x7C2]  }
0x310: {  	[tilespmem:s3], [sflag:$0x4] =	stream.indirect_vreg.gather [hbm4b:s2+s1], $0x80, v58, vm0, $0xb8;
	[tilespmem:$0x13300] =	vst v63  }
0x311: {  	v45 =	vadd.s32 v23, v63;
	v46 =	vperm.xlane v38, v34;
	s3 =	sld [smem:$0x7C3]  }
0x312: {  	[tilespmem:s8], [sflag:$0x4] =	stream.indirect_vreg.gather [hbm4b:s2+s1], $0x80, v60, vm0, $0xb8;
	[tilespmem:$0x13300] =	vst v63  }
0x313: {  	v47 =	vadd.s32 v23, v46;
	v48 =	vperm.xlane v38, v35;
	s8 =	sld [smem:$0x7C4]  }
0x314: {  	[tilespmem:s3], [sflag:$0x4] =	stream.indirect_vreg.gather [hbm4b:s2+s1], $0x80, v62, vm0, $0xb8;
	[tilespmem:$0x13300] =	vst v63  }
0x315: {  	v38 =	vperm.xlane v38, v36;
	v49 =	vadd.s32 v23, v48;
	s3 =	sld [smem:$0x7C5]  }
0x316: {  	[tilespmem:s8], [sflag:$0x4] =	stream.indirect_vreg.gather [hbm4b:s2+s1], $0x80, v45, vm0, $0xb8;
	[tilespmem:$0x13300] =	vst v63  }
0x317: {  	v38 =	vadd.s32 v23, v38;
	s8 =	sld [smem:$0x7C6]  }
0x318: {  	[tilespmem:s3], [sflag:$0x4] =	stream.indirect_vreg.gather [hbm4b:s2+s1], $0x80, v47, vm0, $0xb8;
	[tilespmem:$0x13300] =	vst v63  }
0x319: {  	s3 =	sld [smem:$0x7C7]  }
0x31a: {  	[tilespmem:s8], [sflag:$0x4] =	stream.indirect_vreg.gather [hbm4b:s2+s1], $0x80, v49, vm0, $0xb8;
	[tilespmem:$0x13300] =	vst v63  }
0x31b: {  	_ = 	snop  }
0x31c: {  	[tilespmem:s3], [sflag:$0x4] =	stream.indirect_vreg.gather [hbm4b:s2+s1], $0x80, v38, vm0, $0xb8;
	[tilespmem:$0x13300] =	vst v63  }
0x31d: {  	v38 =	vld [tilespmem:$0x32D0];
	_ =	sdelay $0x4  }
0x31e: {  	v50 =	vshll.u32 v38, $0x1  }
0x31f: {  	v38 =	vand.u32 $0x7, v38;
	v39 =	vand.u32 $0xFFFFFFF0, v50  }
0x320: {  	v38 =	vor.u32 v38, v39  }
0x321: {  	v39 =	vperm.xlane v38, v22;
	_ =	sdelay $0x1  }
0x322: {  	v51 =	vperm.xlane v38, v21;
	v39 =	vadd.s32 v23, v39;
	_ =	sdelay $0x1  }
0x323: {  	s9 =	sld [smem:$0x7C8];
	v52 =	vperm.xlane v38, v24;
	v40 =	vadd.s32 v23, v51;
	_ =	sdelay $0x1  }
0x324: {  	s3 =	sld [smem:$0x7C9];
	v53 =	vperm.xlane v38, v25;
	v41 =	vadd.s32 v23, v52  }
0x325: {  	[tilespmem:s9], [sflag:$0x4] =	stream.indirect_vreg.gather [hbm4b:s2+s1], $0x80, v39, vm0, $0xb8;
	[tilespmem:$0x13300] =	vst v63  }
0x326: {  	s8 =	sld [smem:$0x7CA];
	v55 =	vperm.xlane v38, v26;
	v54 =	vadd.s32 v23, v53  }
0x327: {  	[tilespmem:s3], [sflag:$0x4] =	stream.indirect_vreg.gather [hbm4b:s2+s1], $0x80, v40, vm0, $0xb8;
	[tilespmem:$0x13300] =	vst v63  }
0x328: {  	v57 =	vperm.xlane v38, v27;
	v56 =	vadd.s32 v23, v55;
	s3 =	sld [smem:$0x7CB]  }
0x329: {  	[tilespmem:s8], [sflag:$0x4] =	stream.indirect_vreg.gather [hbm4b:s2+s1], $0x80, v41, vm0, $0xb8;
	[tilespmem:$0x13300] =	vst v63  }
0x32a: {  	v59 =	vperm.xlane v38, v28;
	v58 =	vadd.s32 v23, v57;
	s8 =	sld [smem:$0x7CC]  }
0x32b: {  	[tilespmem:s3], [sflag:$0x4] =	stream.indirect_vreg.gather [hbm4b:s2+s1], $0x80, v54, vm0, $0xb8;
	[tilespmem:$0x13300] =	vst v63  }
0x32c: {  	v61 =	vperm.xlane v38, v20;
	v60 =	vadd.s32 v23, v59;
	s3 =	sld [smem:$0x7CD]  }
0x32d: {  	[tilespmem:s8], [sflag:$0x4] =	stream.indirect_vreg.gather [hbm4b:s2+s1], $0x80, v56, vm0, $0xb8;
	[tilespmem:$0x13300] =	vst v63  }
0x32e: {  	v63 =	vperm.xlane v38, v29;
	v62 =	vadd.s32 v23, v61;
	s8 =	sld [smem:$0x7CE]  }
0x32f: {  	[tilespmem:s3], [sflag:$0x4] =	stream.indirect_vreg.gather [hbm4b:s2+s1], $0x80, v58, vm0, $0xb8;
	[tilespmem:$0x13300] =	vst v63  }
0x330: {  	v46 =	vperm.xlane v38, v30;
	v45 =	vadd.s32 v23, v63;
	s3 =	sld [smem:$0x7CF]  }
0x331: {  	[tilespmem:s8], [sflag:$0x4] =	stream.indirect_vreg.gather [hbm4b:s2+s1], $0x80, v60, vm0, $0xb8;
	[tilespmem:$0x13300] =	vst v63  }
0x332: {  	v48 =	vperm.xlane v38, v31;
	v47 =	vadd.s32 v23, v46;
	s8 =	sld [smem:$0x7D0]  }
0x333: {  	[tilespmem:s3], [sflag:$0x4] =	stream.indirect_vreg.gather [hbm4b:s2+s1], $0x80, v62, vm0, $0xb8;
	[tilespmem:$0x13300] =	vst v63  }
0x334: {  	v50 =	vperm.xlane v38, v32;
	v49 =	vadd.s32 v23, v48;
	s3 =	sld [smem:$0x7D1]  }
0x335: {  	[tilespmem:s8], [sflag:$0x4] =	stream.indirect_vreg.gather [hbm4b:s2+s1], $0x80, v45, vm0, $0xb8;
	[tilespmem:$0x13300] =	vst v63  }
0x336: {  	v51 =	vadd.s32 v23, v50;
	v52 =	vperm.xlane v38, v33;
	s8 =	sld [smem:$0x7D2]  }
0x337: {  	[tilespmem:s3], [sflag:$0x4] =	stream.indirect_vreg.gather [hbm4b:s2+s1], $0x80, v47, vm0, $0xb8;
	[tilespmem:$0x13300] =	vst v63  }
0x338: {  	v53 =	vadd.s32 v23, v52;
	v54 =	vperm.xlane v38, v34;
	s3 =	sld [smem:$0x7D3]  }
0x339: {  	[tilespmem:s8], [sflag:$0x4] =	stream.indirect_vreg.gather [hbm4b:s2+s1], $0x80, v49, vm0, $0xb8;
	[tilespmem:$0x13300] =	vst v63  }
0x33a: {  	v55 =	vadd.s32 v23, v54;
	v56 =	vperm.xlane v38, v35;
	s8 =	sld [smem:$0x7D4]  }
0x33b: {  	[tilespmem:s3], [sflag:$0x4] =	stream.indirect_vreg.gather [hbm4b:s2+s1], $0x80, v51, vm0, $0xb8;
	[tilespmem:$0x13300] =	vst v63  }
0x33c: {  	v38 =	vperm.xlane v38, v36;
	v57 =	vadd.s32 v23, v56;
	s3 =	sld [smem:$0x7D5]  }
0x33d: {  	[tilespmem:s8], [sflag:$0x4] =	stream.indirect_vreg.gather [hbm4b:s2+s1], $0x80, v53, vm0, $0xb8;
	[tilespmem:$0x13300] =	vst v63  }
0x33e: {  	v38 =	vadd.s32 v23, v38;
	s8 =	sld [smem:$0x7D6]  }
0x33f: {  	[tilespmem:s3], [sflag:$0x4] =	stream.indirect_vreg.gather [hbm4b:s2+s1], $0x80, v55, vm0, $0xb8;
	[tilespmem:$0x13300] =	vst v63  }
0x340: {  	s3 =	sld [smem:$0x7D7]  }
0x341: {  	[tilespmem:s8], [sflag:$0x4] =	stream.indirect_vreg.gather [hbm4b:s2+s1], $0x80, v57, vm0, $0xb8;
	[tilespmem:$0x13300] =	vst v63  }
0x342: {  	_ = 	snop  }
0x343: {  	[tilespmem:s3], [sflag:$0x4] =	stream.indirect_vreg.gather [hbm4b:s2+s1], $0x80, v38, vm0, $0xb8;
	[tilespmem:$0x13300] =	vst v63  }
0x344: {  	v38 =	vld [tilespmem:$0x32E0];
	_ =	sdelay $0x4  }
0x345: {  	v58 =	vshll.u32 v38, $0x1  }
0x346: {  	v38 =	vand.u32 $0x7, v38;
	v39 =	vand.u32 $0xFFFFFFF0, v58  }
0x347: {  	v38 =	vor.u32 v38, v39  }
0x348: {  	v39 =	vperm.xlane v38, v22;
	_ =	sdelay $0x1  }
0x349: {  	v59 =	vperm.xlane v38, v21;
	v39 =	vadd.s32 v23, v39;
	_ =	sdelay $0x1  }
0x34a: {  	s9 =	sld [smem:$0x7D8];
	v60 =	vperm.xlane v38, v24;
	v40 =	vadd.s32 v23, v59;
	_ =	sdelay $0x1  }
0x34b: {  	s3 =	sld [smem:$0x7D9];
	v61 =	vperm.xlane v38, v25;
	v41 =	vadd.s32 v23, v60  }
0x34c: {  	[tilespmem:s9], [sflag:$0x4] =	stream.indirect_vreg.gather [hbm4b:s2+s1], $0x80, v39, vm0, $0xb8;
	[tilespmem:$0x13300] =	vst v63  }
0x34d: {  	s8 =	sld [smem:$0x7DA];
	v63 =	vperm.xlane v38, v26;
	v62 =	vadd.s32 v23, v61  }
0x34e: {  	[tilespmem:s3], [sflag:$0x4] =	stream.indirect_vreg.gather [hbm4b:s2+s1], $0x80, v40, vm0, $0xb8;
	[tilespmem:$0x13300] =	vst v63  }
0x34f: {  	v46 =	vperm.xlane v38, v27;
	v45 =	vadd.s32 v23, v63;
	s3 =	sld [smem:$0x7DB]  }
0x350: {  	[tilespmem:s8], [sflag:$0x4] =	stream.indirect_vreg.gather [hbm4b:s2+s1], $0x80, v41, vm0, $0xb8;
	[tilespmem:$0x13300] =	vst v63  }
0x351: {  	v48 =	vperm.xlane v38, v28;
	v47 =	vadd.s32 v23, v46;
	s8 =	sld [smem:$0x7DC]  }
0x352: {  	[tilespmem:s3], [sflag:$0x4] =	stream.indirect_vreg.gather [hbm4b:s2+s1], $0x80, v62, vm0, $0xb8;
	[tilespmem:$0x13300] =	vst v63  }
0x353: {  	v50 =	vperm.xlane v38, v20;
	v49 =	vadd.s32 v23, v48;
	s3 =	sld [smem:$0x7DD]  }
0x354: {  	[tilespmem:s8], [sflag:$0x4] =	stream.indirect_vreg.gather [hbm4b:s2+s1], $0x80, v45, vm0, $0xb8;
	[tilespmem:$0x13300] =	vst v63  }
0x355: {  	v52 =	vperm.xlane v38, v29;
	v51 =	vadd.s32 v23, v50;
	s8 =	sld [smem:$0x7DE]  }
0x356: {  	[tilespmem:s3], [sflag:$0x4] =	stream.indirect_vreg.gather [hbm4b:s2+s1], $0x80, v47, vm0, $0xb8;
	[tilespmem:$0x13300] =	vst v63  }
0x357: {  	v54 =	vperm.xlane v38, v30;
	v53 =	vadd.s32 v23, v52;
	s3 =	sld [smem:$0x7DF]  }
0x358: {  	[tilespmem:s8], [sflag:$0x4] =	stream.indirect_vreg.gather [hbm4b:s2+s1], $0x80, v49, vm0, $0xb8;
	[tilespmem:$0x13300] =	vst v63  }
0x359: {  	v56 =	vperm.xlane v38, v31;
	v55 =	vadd.s32 v23, v54;
	s8 =	sld [smem:$0x7E1]  }
0x35a: {  	[tilespmem:s3], [sflag:$0x4] =	stream.indirect_vreg.gather [hbm4b:s2+s1], $0x80, v51, vm0, $0xb8;
	[tilespmem:$0x13300] =	vst v63  }
0x35b: {  	v58 =	vperm.xlane v38, v32;
	v57 =	vadd.s32 v23, v56;
	s3 =	sld [smem:$0x7E4]  }
0x35c: {  	[tilespmem:s8], [sflag:$0x4] =	stream.indirect_vreg.gather [hbm4b:s2+s1], $0x80, v53, vm0, $0xb8;
	[tilespmem:$0x13300] =	vst v63  }
0x35d: {  	v59 =	vadd.s32 v23, v58;
	v60 =	vperm.xlane v38, v33;
	s8 =	sld [smem:$0x7E6]  }
0x35e: {  	[tilespmem:s3], [sflag:$0x4] =	stream.indirect_vreg.gather [hbm4b:s2+s1], $0x80, v55, vm0, $0xb8;
	[tilespmem:$0x13300] =	vst v63  }
0x35f: {  	v61 =	vadd.s32 v23, v60;
	v62 =	vperm.xlane v38, v34;
	s3 =	sld [smem:$0x7E8]  }
0x360: {  	[tilespmem:s8], [sflag:$0x4] =	stream.indirect_vreg.gather [hbm4b:s2+s1], $0x80, v57, vm0, $0xb8;
	[tilespmem:$0x13300] =	vst v63  }
0x361: {  	v63 =	vadd.s32 v23, v62;
	v45 =	vperm.xlane v38, v35;
	s8 =	sld [smem:$0x7E9]  }
0x362: {  	[tilespmem:s3], [sflag:$0x4] =	stream.indirect_vreg.gather [hbm4b:s2+s1], $0x80, v59, vm0, $0xb8;
	[tilespmem:$0x13300] =	vst v63  }
0x363: {  	v38 =	vperm.xlane v38, v36;
	v46 =	vadd.s32 v23, v45;
	s3 =	sld [smem:$0x7EA]  }
0x364: {  	[tilespmem:s8], [sflag:$0x4] =	stream.indirect_vreg.gather [hbm4b:s2+s1], $0x80, v61, vm0, $0xb8;
	[tilespmem:$0x13300] =	vst v63  }
0x365: {  	v38 =	vadd.s32 v23, v38;
	s8 =	sld [smem:$0x7EB]  }
0x366: {  	[tilespmem:s3], [sflag:$0x4] =	stream.indirect_vreg.gather [hbm4b:s2+s1], $0x80, v63, vm0, $0xb8;
	[tilespmem:$0x13300] =	vst v63  }
0x367: {  	s3 =	sld [smem:$0x7ED]  }
0x368: {  	[tilespmem:s8], [sflag:$0x4] =	stream.indirect_vreg.gather [hbm4b:s2+s1], $0x80, v46, vm0, $0xb8;
	[tilespmem:$0x13300] =	vst v63  }
0x369: {  	_ = 	snop  }
0x36a: {  	[tilespmem:s3], [sflag:$0x4] =	stream.indirect_vreg.gather [hbm4b:s2+s1], $0x80, v38, vm0, $0xb8;
	[tilespmem:$0x13300] =	vst v63  }
0x36b: {  	v38 =	vld [tilespmem:$0x32F0];
	_ =	sdelay $0x4  }
0x36c: {  	v47 =	vshll.u32 v38, $0x1  }
0x36d: {  	v38 =	vand.u32 $0x7, v38;
	v39 =	vand.u32 $0xFFFFFFF0, v47  }
0x36e: {  	v38 =	vor.u32 v38, v39  }
0x36f: {  	v39 =	vperm.xlane v38, v22;
	_ =	sdelay $0x1  }
0x370: {  	v48 =	vperm.xlane v38, v21;
	v39 =	vadd.s32 v23, v39;
	_ =	sdelay $0x1  }
0x371: {  	s9 =	sld [smem:$0x7EE];
	v49 =	vperm.xlane v38, v24;
	v40 =	vadd.s32 v23, v48;
	_ =	sdelay $0x1  }
0x372: {  	s3 =	sld [smem:$0x7EF];
	v50 =	vperm.xlane v38, v25;
	v41 =	vadd.s32 v23, v49  }
0x373: {  	[tilespmem:s9], [sflag:$0x4] =	stream.indirect_vreg.gather [hbm4b:s2+s1], $0x80, v39, vm0, $0xb8;
	[tilespmem:$0x13300] =	vst v63  }
0x374: {  	s8 =	sld [smem:$0x7F0];
	v52 =	vperm.xlane v38, v26;
	v51 =	vadd.s32 v23, v50  }
0x375: {  	[tilespmem:s3], [sflag:$0x4] =	stream.indirect_vreg.gather [hbm4b:s2+s1], $0x80, v40, vm0, $0xb8;
	[tilespmem:$0x13300] =	vst v63  }
0x376: {  	v54 =	vperm.xlane v38, v27;
	v53 =	vadd.s32 v23, v52;
	s3 =	sld [smem:$0x7F1]  }
0x377: {  	[tilespmem:s8], [sflag:$0x4] =	stream.indirect_vreg.gather [hbm4b:s2+s1], $0x80, v41, vm0, $0xb8;
	[tilespmem:$0x13300] =	vst v63  }
0x378: {  	v56 =	vperm.xlane v38, v28;
	v55 =	vadd.s32 v23, v54;
	s8 =	sld [smem:$0x7F2]  }
0x379: {  	[tilespmem:s3], [sflag:$0x4] =	stream.indirect_vreg.gather [hbm4b:s2+s1], $0x80, v51, vm0, $0xb8;
	[tilespmem:$0x13300] =	vst v63  }
0x37a: {  	v58 =	vperm.xlane v38, v20;
	v57 =	vadd.s32 v23, v56;
	s3 =	sld [smem:$0x7F3]  }
0x37b: {  	[tilespmem:s8], [sflag:$0x4] =	stream.indirect_vreg.gather [hbm4b:s2+s1], $0x80, v53, vm0, $0xb8;
	[tilespmem:$0x13300] =	vst v63  }
0x37c: {  	v60 =	vperm.xlane v38, v29;
	v59 =	vadd.s32 v23, v58;
	s8 =	sld [smem:$0x7F4]  }
0x37d: {  	[tilespmem:s3], [sflag:$0x4] =	stream.indirect_vreg.gather [hbm4b:s2+s1], $0x80, v55, vm0, $0xb8;
	[tilespmem:$0x13300] =	vst v63  }
0x37e: {  	v62 =	vperm.xlane v38, v30;
	v61 =	vadd.s32 v23, v60;
	s3 =	sld [smem:$0x7F5]  }
0x37f: {  	[tilespmem:s8], [sflag:$0x4] =	stream.indirect_vreg.gather [hbm4b:s2+s1], $0x80, v57, vm0, $0xb8;
	[tilespmem:$0x13300] =	vst v63  }
0x380: {  	v45 =	vperm.xlane v38, v31;
	v63 =	vadd.s32 v23, v62;
	s8 =	sld [smem:$0x7F6]  }
0x381: {  	[tilespmem:s3], [sflag:$0x4] =	stream.indirect_vreg.gather [hbm4b:s2+s1], $0x80, v59, vm0, $0xb8;
	[tilespmem:$0x13300] =	vst v63  }
0x382: {  	v47 =	vperm.xlane v38, v32;
	v46 =	vadd.s32 v23, v45;
	s3 =	sld [smem:$0x7F7]  }
0x383: {  	[tilespmem:s8], [sflag:$0x4] =	stream.indirect_vreg.gather [hbm4b:s2+s1], $0x80, v61, vm0, $0xb8;
	[tilespmem:$0x13300] =	vst v63  }
0x384: {  	v48 =	vadd.s32 v23, v47;
	v49 =	vperm.xlane v38, v33;
	s8 =	sld [smem:$0x7F8]  }
0x385: {  	[tilespmem:s3], [sflag:$0x4] =	stream.indirect_vreg.gather [hbm4b:s2+s1], $0x80, v63, vm0, $0xb8;
	[tilespmem:$0x13300] =	vst v63  }
0x386: {  	v50 =	vadd.s32 v23, v49;
	v51 =	vperm.xlane v38, v34;
	s3 =	sld [smem:$0x7F9]  }
0x387: {  	[tilespmem:s8], [sflag:$0x4] =	stream.indirect_vreg.gather [hbm4b:s2+s1], $0x80, v46, vm0, $0xb8;
	[tilespmem:$0x13300] =	vst v63  }
0x388: {  	v52 =	vadd.s32 v23, v51;
	v53 =	vperm.xlane v38, v35;
	s8 =	sld [smem:$0x7FA]  }
0x389: {  	[tilespmem:s3], [sflag:$0x4] =	stream.indirect_vreg.gather [hbm4b:s2+s1], $0x80, v48, vm0, $0xb8;
	[tilespmem:$0x13300] =	vst v63  }
0x38a: {  	v38 =	vperm.xlane v38, v36;
	v54 =	vadd.s32 v23, v53;
	s3 =	sld [smem:$0x7FB]  }
0x38b: {  	[tilespmem:s8], [sflag:$0x4] =	stream.indirect_vreg.gather [hbm4b:s2+s1], $0x80, v50, vm0, $0xb8;
	[tilespmem:$0x13300] =	vst v63  }
0x38c: {  	v38 =	vadd.s32 v23, v38;
	s8 =	sld [smem:$0x7FC]  }
0x38d: {  	[tilespmem:s3], [sflag:$0x4] =	stream.indirect_vreg.gather [hbm4b:s2+s1], $0x80, v52, vm0, $0xb8;
	[tilespmem:$0x13300] =	vst v63  }
0x38e: {  	s9 =	sld [smem:$0x7FD];
	s3 =	sadd.s32 $0xFFFFFF90, s4  }
0x38f: {  	v55 =	vmov s3;
	[tilespmem:s8], [sflag:$0x4] =	stream.indirect_vreg.gather [hbm4b:s2+s1], $0x80, v54, vm0, $0xb8;
	[tilespmem:$0x13300] =	vst v63  }
0x390: {  	v39 =	vshll.u32 v55, $0x1  }
0x391: {  	v56 =	vor.u32 v0, v39;
	[tilespmem:s9], [sflag:$0x4] =	stream.indirect_vreg.gather [hbm4b:s2+s1], $0x80, v38, vm0, $0xb8;
	[tilespmem:$0x13300] =	vst v63  }
0x392: {  	v39 =	vadd.s32 v37, v56;
	_ =	swait.ge [sflag:s29], $0x8000  }
0x393: {  	v38 =	vand.u32 $0x1E, v56;
	v39 =	vand.u32 $0x7FFFFF80, v39;
	[sflag:s29] =	ssyncset.done $0x0  }
0x394: {  	s9 =	sadd.s32 $0x1000, s6;
	v38 =	vor.u32 v38, v39;
	[sflag:s29] =	ssyncadd.s32 $0xFFFF8000  }
0x395: {  	[hbm4b:s9+s1] =	stream.linear.scatter [tilespmem:s28], [sflag:$0x6], $0x8000, $0x38;
	[tilespmem:$0x13300] =	vst v63  }
0x396: {  	v39 =	vor.u32 $0x1, v38;
	_ =	swait.ge [sflag:s30], $0x8000  }
0x397: {  	s8 =	sadd.s32 $0xFFFFFFA0, s4;
	[sflag:s30] =	ssyncset.done $0x0  }
0x398: {  	v57 =	vmov s8;
	[sflag:s30] =	ssyncadd.s32 $0xFFFF8000  }
0x399: {  	v40 =	vshll.u32 v57, $0x1;
	v38 =	vld.idx.msk [tilespmem:v38+s1+$0x0], $0xffff  }
0x39a: {  	v40 =	vor.u32 v0, v40  }
0x39b: {  	v58 =	vadd.s32 v37, v40;
	v39 =	vld.idx.msk [tilespmem:v39+s1+$0x0], $0xffff  }
0x39c: {  	v40 =	vand.u32 $0x3E, v40;
	v41 =	vand.u32 $0x7FFFFF80, v58  }
0x39d: {  	v40 =	vor.u32 v40, v41  }
0x39e: {  	v38 =	vmul.u32 $0x58, v38  }
0x39f: {  	v41 =	vor.u32 $0x1, v40  }
0x3a0: {  	s9 =	sadd.s32 $0xFFFFFFB0, s4;
	v38 =	vadd.s32 v39, v38  }
0x3a1: {  	v59 =	vmov s9;
	[tilespmem:$0x3200] =	vst v38  }
0x3a2: {  	v42 =	vshll.u32 v59, $0x1;
	v40 =	vld.idx.msk [tilespmem:v40+s1+$0x0], $0xffff  }
0x3a3: {  	v42 =	vor.u32 v0, v42  }
0x3a4: {  	v60 =	vadd.s32 v37, v42;
	v41 =	vld.idx.msk [tilespmem:v41+s1+$0x0], $0xffff  }
0x3a5: {  	v42 =	vand.u32 $0x5E, v42;
	v43 =	vand.u32 $0x7FFFFF80, v60  }
0x3a6: {  	v42 =	vor.u32 v42, v43  }
0x3a7: {  	v40 =	vmul.u32 $0x58, v40  }
0x3a8: {  	v43 =	vor.u32 $0x1, v42  }
0x3a9: {  	s8 =	sadd.s32 $0xFFFFFFC0, s4;
	v40 =	vadd.s32 v41, v40  }
0x3aa: {  	v61 =	vmov s8;
	[tilespmem:$0x3210] =	vst v40  }
0x3ab: {  	v40 =	vshll.u32 v61, $0x1;
	v62 =	vld.idx.msk [tilespmem:v42+s1+$0x0], $0xffff  }
0x3ac: {  	v40 =	vor.u32 v0, v40  }
0x3ad: {  	v63 =	vld.idx.msk [tilespmem:v43+s1+$0x0], $0xffff;
	v45 =	vadd.s32 v37, v40  }
0x3ae: {  	v40 =	vand.u32 $0x7E, v40;
	v43 =	vand.u32 $0x7FFFFF80, v45  }
0x3af: {  	v40 =	vor.u32 v40, v43  }
0x3b0: {  	v41 =	vmul.u32 $0x58, v62  }
0x3b1: {  	v43 =	vor.u32 $0x1, v40  }
0x3b2: {  	s9 =	sadd.s32 $0xFFFFFFD0, s4;
	v41 =	vadd.s32 v63, v41  }
0x3b3: {  	v46 =	vmov s9;
	[tilespmem:$0x3220] =	vst v41  }
0x3b4: {  	v41 =	vshll.u32 v46, $0x1;
	v40 =	vld.idx.msk [tilespmem:v40+s1+$0x0], $0xffff  }
0x3b5: {  	v41 =	vor.u32 v0, v41  }
0x3b6: {  	v47 =	vld.idx.msk [tilespmem:v43+s1+$0x0], $0xffff;
	v48 =	vadd.s32 v37, v41  }
0x3b7: {  	v41 =	vand.u32 $0x1E, v41;
	v43 =	vand.u32 $0x7FFFFF80, v48  }
0x3b8: {  	v41 =	vor.u32 v41, v43  }
0x3b9: {  	v40 =	vmul.u32 $0x58, v40  }
0x3ba: {  	v43 =	vor.u32 $0x1, v41  }
0x3bb: {  	s8 =	sadd.s32 $0xFFFFFFE0, s4;
	v40 =	vadd.s32 v47, v40  }
0x3bc: {  	v49 =	vmov s8;
	[tilespmem:$0x3230] =	vst v40  }
0x3bd: {  	v40 =	vshll.u32 v49, $0x1;
	v41 =	vld.idx.msk [tilespmem:v41+s1+$0x0], $0xffff  }
0x3be: {  	v40 =	vor.u32 v0, v40  }
0x3bf: {  	v50 =	vld.idx.msk [tilespmem:v43+s1+$0x0], $0xffff;
	v51 =	vadd.s32 v37, v40  }
0x3c0: {  	v40 =	vand.u32 $0x3E, v40;
	v43 =	vand.u32 $0x7FFFFF80, v51  }
0x3c1: {  	v40 =	vor.u32 v40, v43  }
0x3c2: {  	v41 =	vmul.u32 $0x58, v41  }
0x3c3: {  	v43 =	vor.u32 $0x1, v40  }
0x3c4: {  	s9 =	sadd.s32 $0xFFFFFFF0, s4;
	v41 =	vadd.s32 v50, v41  }
0x3c5: {  	v52 =	vmov s9;
	[tilespmem:$0x3240] =	vst v41  }
0x3c6: {  	v53 =	vshll.u32 v52, $0x1;
	v40 =	vld.idx.msk [tilespmem:v40+s1+$0x0], $0xffff  }
0x3c7: {  	v41 =	vor.u32 v0, v53  }
0x3c8: {  	v54 =	vld.idx.msk [tilespmem:v43+s1+$0x0], $0xffff;
	v55 =	vadd.s32 v37, v41  }
0x3c9: {  	v41 =	vand.u32 $0x5E, v41;
	v43 =	vand.u32 $0x7FFFFF80, v55  }
0x3ca: {  	v41 =	vor.u32 v41, v43  }
0x3cb: {  	v40 =	vmul.u32 $0x58, v40  }
0x3cc: {  	v43 =	vor.u32 $0x1, v41  }
0x3cd: {  	v40 =	vadd.s32 v54, v40  }
0x3ce: {  	v56 =	vmov s4;
	[tilespmem:$0x3250] =	vst v40  }
0x3cf: {  	v40 =	vshll.u32 v56, $0x1;
	v41 =	vld.idx.msk [tilespmem:v41+s1+$0x0], $0xffff  }
0x3d0: {  	v40 =	vor.u32 v0, v40  }
0x3d1: {  	v57 =	vld.idx.msk [tilespmem:v43+s1+$0x0], $0xffff;
	v58 =	vadd.s32 v37, v40  }
0x3d2: {  	v40 =	vand.u32 $0x7E, v40;
	v43 =	vand.u32 $0x7FFFFF80, v58  }
0x3d3: {  	v40 =	vor.u32 v40, v43  }
0x3d4: {  	v41 =	vmul.u32 $0x58, v41  }
0x3d5: {  	v43 =	vor.u32 $0x1, v40  }
0x3d6: {  	v41 =	vadd.s32 v57, v41  }
0x3d7: {  	v38 =	vshll.u32 v38, $0x1;
	[tilespmem:$0x3260] =	vst v41  }
0x3d8: {  	v39 =	vand.u32 $0x7, v39;
	v38 =	vand.u32 $0xFFFFFFF0, v38;
	v40 =	vld.idx.msk [tilespmem:v40+s1+$0x0], $0xffff  }
0x3d9: {  	v38 =	vor.u32 v39, v38  }
0x3da: {  	v60 =	vperm.xlane v38, v22;
	v59 =	vld.idx.msk [tilespmem:v43+s1+$0x0], $0xffff;
	_ =	sdelay $0x1  }
0x3db: {  	v61 =	vperm.xlane v38, v21;
	v41 =	vadd.s32 v23, v60  }
0x3dc: {  	v40 =	vmul.u32 $0x58, v40  }
0x3dd: {  	v42 =	vadd.s32 v23, v61;
	v62 =	vperm.xlane v38, v24  }
0x3de: {  	v39 =	vadd.s32 v59, v40  }
0x3df: {  	v45 =	vperm.xlane v38, v25;
	v63 =	vadd.s32 v23, v62;
	[tilespmem:$0x3270] =	vst v39  }
0x3e0: {  	[tilespmem:s10], [sflag:$0x3] =	stream.indirect_vreg.gather [hbm4b:s2+s1], $0x80, v41, vm0, $0xb8;
	[tilespmem:$0x13300] =	vst v63  }
0x3e1: {  	v46 =	vperm.xlane v38, v26;
	v40 =	vadd.s32 v23, v45  }
0x3e2: {  	[tilespmem:s7], [sflag:$0x3] =	stream.indirect_vreg.gather [hbm4b:s2+s1], $0x80, v42, vm0, $0xb8;
	[tilespmem:$0x13300] =	vst v63  }
0x3e3: {  	s8 =	simm.s32 $0x3500;
	v47 =	vperm.xlane v38, v27;
	v41 =	vadd.s32 v23, v46  }
0x3e4: {  	[tilespmem:s8], [sflag:$0x3] =	stream.indirect_vreg.gather [hbm4b:s2+s1], $0x80, v63, vm0, $0xb8;
	[tilespmem:$0x13300] =	vst v63  }
0x3e5: {  	s9 =	simm.s32 $0x3600;
	v49 =	vperm.xlane v38, v28;
	v48 =	vadd.s32 v23, v47  }
0x3e6: {  	[tilespmem:s9], [sflag:$0x3] =	stream.indirect_vreg.gather [hbm4b:s2+s1], $0x80, v40, vm0, $0xb8;
	[tilespmem:$0x13300] =	vst v63  }
0x3e7: {  	v51 =	vperm.xlane v38, v20;
	v50 =	vadd.s32 v23, v49;
	s8 =	simm.s32 $0x3700  }
0x3e8: {  	[tilespmem:s8], [sflag:$0x3] =	stream.indirect_vreg.gather [hbm4b:s2+s1], $0x80, v41, vm0, $0xb8;
	[tilespmem:$0x13300] =	vst v63  }
0x3e9: {  	v52 =	vadd.s32 v23, v51;
	v53 =	vperm.xlane v38, v29;
	s9 =	simm.s32 $0x3800  }
0x3ea: {  	[tilespmem:s9], [sflag:$0x3] =	stream.indirect_vreg.gather [hbm4b:s2+s1], $0x80, v48, vm0, $0xb8;
	[tilespmem:$0x13300] =	vst v63  }
0x3eb: {  	v55 =	vperm.xlane v38, v30;
	v54 =	vadd.s32 v23, v53;
	s8 =	simm.s32 $0x3900  }
0x3ec: {  	[tilespmem:s8], [sflag:$0x3] =	stream.indirect_vreg.gather [hbm4b:s2+s1], $0x80, v50, vm0, $0xb8;
	[tilespmem:$0x13300] =	vst v63  }
0x3ed: {  	v56 =	vadd.s32 v23, v55;
	v57 =	vperm.xlane v38, v31;
	s9 =	simm.s32 $0x3A00  }
0x3ee: {  	[tilespmem:s9], [sflag:$0x3] =	stream.indirect_vreg.gather [hbm4b:s2+s1], $0x80, v52, vm0, $0xb8;
	[tilespmem:$0x13300] =	vst v63  }
0x3ef: {  	v58 =	vadd.s32 v23, v57;
	v59 =	vperm.xlane v38, v32;
	s8 =	simm.s32 $0x3B00  }
0x3f0: {  	[tilespmem:s8], [sflag:$0x3] =	stream.indirect_vreg.gather [hbm4b:s2+s1], $0x80, v54, vm0, $0xb8;
	[tilespmem:$0x13300] =	vst v63  }
0x3f1: {  	v61 =	vperm.xlane v38, v33;
	v60 =	vadd.s32 v23, v59;
	s9 =	simm.s32 $0x3C00  }
0x3f2: {  	[tilespmem:s9], [sflag:$0x3] =	stream.indirect_vreg.gather [hbm4b:s2+s1], $0x80, v56, vm0, $0xb8;
	[tilespmem:$0x13300] =	vst v63  }
0x3f3: {  	v62 =	vadd.s32 v23, v61;
	v63 =	vperm.xlane v38, v34;
	s8 =	simm.s32 $0x3D00  }
0x3f4: {  	[tilespmem:s8], [sflag:$0x3] =	stream.indirect_vreg.gather [hbm4b:s2+s1], $0x80, v58, vm0, $0xb8;
	[tilespmem:$0x13300] =	vst v63  }
0x3f5: {  	v46 =	vperm.xlane v38, v35;
	v45 =	vadd.s32 v23, v63;
	s9 =	simm.s32 $0x3E00  }
0x3f6: {  	[tilespmem:s9], [sflag:$0x3] =	stream.indirect_vreg.gather [hbm4b:s2+s1], $0x80, v60, vm0, $0xb8;
	[tilespmem:$0x13300] =	vst v63  }
0x3f7: {  	v47 =	vadd.s32 v23, v46;
	v38 =	vperm.xlane v38, v36;
	s8 =	simm.s32 $0x3F00  }
0x3f8: {  	[tilespmem:s8], [sflag:$0x3] =	stream.indirect_vreg.gather [hbm4b:s2+s1], $0x80, v62, vm0, $0xb8;
	[tilespmem:$0x13300] =	vst v63  }
0x3f9: {  	v38 =	vadd.s32 v23, v38;
	s9 =	simm.s32 $0x4000  }
0x3fa: {  	[tilespmem:s9], [sflag:$0x3] =	stream.indirect_vreg.gather [hbm4b:s2+s1], $0x80, v45, vm0, $0xb8;
	[tilespmem:$0x13300] =	vst v63  }
0x3fb: {  	s8 =	simm.s32 $0x4100  }
0x3fc: {  	[tilespmem:s8], [sflag:$0x3] =	stream.indirect_vreg.gather [hbm4b:s2+s1], $0x80, v47, vm0, $0xb8;
	[tilespmem:$0x13300] =	vst v63  }
0x3fd: {  	s9 =	simm.s32 $0x4200  }
0x3fe: {  	[tilespmem:s9], [sflag:$0x3] =	stream.indirect_vreg.gather [hbm4b:s2+s1], $0x80, v38, vm0, $0xb8;
	[tilespmem:$0x13300] =	vst v63  }
0x3ff: {  	v38 =	vld [tilespmem:$0x3210];
	_ =	sdelay $0x4  }
0x400: {  	v48 =	vshll.u32 v38, $0x1  }
0x401: {  	v38 =	vand.u32 $0x7, v38;
	v39 =	vand.u32 $0xFFFFFFF0, v48  }
0x402: {  	v38 =	vor.u32 v38, v39  }
0x403: {  	v39 =	vperm.xlane v38, v22;
	_ =	sdelay $0x1  }
0x404: {  	v49 =	vperm.xlane v38, v21;
	v39 =	vadd.s32 v23, v39;
	_ =	sdelay $0x1  }
0x405: {  	v50 =	vperm.xlane v38, v24;
	v40 =	vadd.s32 v23, v49;
	_ =	sdelay $0x1  }
0x406: {  	s8 =	simm.s32 $0x4300;
	v51 =	vperm.xlane v38, v25;
	v41 =	vadd.s32 v23, v50  }
0x407: {  	[tilespmem:s8], [sflag:$0x3] =	stream.indirect_vreg.gather [hbm4b:s2+s1], $0x80, v39, vm0, $0xb8;
	[tilespmem:$0x13300] =	vst v63  }
0x408: {  	s9 =	simm.s32 $0x4400;
	v53 =	vperm.xlane v38, v26;
	v52 =	vadd.s32 v23, v51  }
0x409: {  	[tilespmem:s9], [sflag:$0x3] =	stream.indirect_vreg.gather [hbm4b:s2+s1], $0x80, v40, vm0, $0xb8;
	[tilespmem:$0x13300] =	vst v63  }
0x40a: {  	v55 =	vperm.xlane v38, v27;
	v54 =	vadd.s32 v23, v53;
	s8 =	simm.s32 $0x4500  }
0x40b: {  	[tilespmem:s8], [sflag:$0x3] =	stream.indirect_vreg.gather [hbm4b:s2+s1], $0x80, v41, vm0, $0xb8;
	[tilespmem:$0x13300] =	vst v63  }
0x40c: {  	v57 =	vperm.xlane v38, v28;
	v56 =	vadd.s32 v23, v55;
	s9 =	simm.s32 $0x4600  }
0x40d: {  	[tilespmem:s9], [sflag:$0x3] =	stream.indirect_vreg.gather [hbm4b:s2+s1], $0x80, v52, vm0, $0xb8;
	[tilespmem:$0x13300] =	vst v63  }
0x40e: {  	v59 =	vperm.xlane v38, v20;
	v58 =	vadd.s32 v23, v57;
	s8 =	simm.s32 $0x4700  }
0x40f: {  	[tilespmem:s8], [sflag:$0x3] =	stream.indirect_vreg.gather [hbm4b:s2+s1], $0x80, v54, vm0, $0xb8;
	[tilespmem:$0x13300] =	vst v63  }
0x410: {  	v61 =	vperm.xlane v38, v29;
	v60 =	vadd.s32 v23, v59;
	s9 =	simm.s32 $0x4800  }
0x411: {  	[tilespmem:s9], [sflag:$0x3] =	stream.indirect_vreg.gather [hbm4b:s2+s1], $0x80, v56, vm0, $0xb8;
	[tilespmem:$0x13300] =	vst v63  }
0x412: {  	v63 =	vperm.xlane v38, v30;
	v62 =	vadd.s32 v23, v61;
	s8 =	simm.s32 $0x4900  }
0x413: {  	[tilespmem:s8], [sflag:$0x3] =	stream.indirect_vreg.gather [hbm4b:s2+s1], $0x80, v58, vm0, $0xb8;
	[tilespmem:$0x13300] =	vst v63  }
0x414: {  	v46 =	vperm.xlane v38, v31;
	v45 =	vadd.s32 v23, v63;
	s9 =	simm.s32 $0x4A00  }
0x415: {  	[tilespmem:s9], [sflag:$0x3] =	stream.indirect_vreg.gather [hbm4b:s2+s1], $0x80, v60, vm0, $0xb8;
	[tilespmem:$0x13300] =	vst v63  }
0x416: {  	v48 =	vperm.xlane v38, v32;
	v47 =	vadd.s32 v23, v46;
	s8 =	simm.s32 $0x4B00  }
0x417: {  	[tilespmem:s8], [sflag:$0x3] =	stream.indirect_vreg.gather [hbm4b:s2+s1], $0x80, v62, vm0, $0xb8;
	[tilespmem:$0x13300] =	vst v63  }
0x418: {  	v49 =	vadd.s32 v23, v48;
	v50 =	vperm.xlane v38, v33;
	s9 =	simm.s32 $0x4C00  }
0x419: {  	[tilespmem:s9], [sflag:$0x3] =	stream.indirect_vreg.gather [hbm4b:s2+s1], $0x80, v45, vm0, $0xb8;
	[tilespmem:$0x13300] =	vst v63  }
0x41a: {  	v51 =	vadd.s32 v23, v50;
	v52 =	vperm.xlane v38, v34;
	s8 =	simm.s32 $0x4D00  }
0x41b: {  	[tilespmem:s8], [sflag:$0x3] =	stream.indirect_vreg.gather [hbm4b:s2+s1], $0x80, v47, vm0, $0xb8;
	[tilespmem:$0x13300] =	vst v63  }
0x41c: {  	v53 =	vadd.s32 v23, v52;
	v54 =	vperm.xlane v38, v35;
	s9 =	simm.s32 $0x4E00  }
0x41d: {  	[tilespmem:s9], [sflag:$0x3] =	stream.indirect_vreg.gather [hbm4b:s2+s1], $0x80, v49, vm0, $0xb8;
	[tilespmem:$0x13300] =	vst v63  }
0x41e: {  	v38 =	vperm.xlane v38, v36;
	v55 =	vadd.s32 v23, v54;
	s8 =	simm.s32 $0x4F00  }
0x41f: {  	[tilespmem:s8], [sflag:$0x3] =	stream.indirect_vreg.gather [hbm4b:s2+s1], $0x80, v51, vm0, $0xb8;
	[tilespmem:$0x13300] =	vst v63  }
0x420: {  	v38 =	vadd.s32 v23, v38;
	s9 =	simm.s32 $0x5000  }
0x421: {  	[tilespmem:s9], [sflag:$0x3] =	stream.indirect_vreg.gather [hbm4b:s2+s1], $0x80, v53, vm0, $0xb8;
	[tilespmem:$0x13300] =	vst v63  }
0x422: {  	s8 =	simm.s32 $0x5100  }
0x423: {  	[tilespmem:s8], [sflag:$0x3] =	stream.indirect_vreg.gather [hbm4b:s2+s1], $0x80, v55, vm0, $0xb8;
	[tilespmem:$0x13300] =	vst v63  }
0x424: {  	s9 =	simm.s32 $0x5200  }
0x425: {  	[tilespmem:s9], [sflag:$0x3] =	stream.indirect_vreg.gather [hbm4b:s2+s1], $0x80, v38, vm0, $0xb8;
	[tilespmem:$0x13300] =	vst v63  }
0x426: {  	v38 =	vld [tilespmem:$0x3220];
	_ =	sdelay $0x4  }
0x427: {  	v56 =	vshll.u32 v38, $0x1  }
0x428: {  	v38 =	vand.u32 $0x7, v38;
	v39 =	vand.u32 $0xFFFFFFF0, v56  }
0x429: {  	v38 =	vor.u32 v38, v39  }
0x42a: {  	v39 =	vperm.xlane v38, v22;
	_ =	sdelay $0x1  }
0x42b: {  	v57 =	vperm.xlane v38, v21;
	v39 =	vadd.s32 v23, v39;
	_ =	sdelay $0x1  }
0x42c: {  	v58 =	vperm.xlane v38, v24;
	v40 =	vadd.s32 v23, v57;
	_ =	sdelay $0x1  }
0x42d: {  	s8 =	simm.s32 $0x5300;
	v59 =	vperm.xlane v38, v25;
	v41 =	vadd.s32 v23, v58  }
0x42e: {  	[tilespmem:s8], [sflag:$0x3] =	stream.indirect_vreg.gather [hbm4b:s2+s1], $0x80, v39, vm0, $0xb8;
	[tilespmem:$0x13300] =	vst v63  }
0x42f: {  	s9 =	simm.s32 $0x5400;
	v61 =	vperm.xlane v38, v26;
	v60 =	vadd.s32 v23, v59  }
0x430: {  	[tilespmem:s9], [sflag:$0x3] =	stream.indirect_vreg.gather [hbm4b:s2+s1], $0x80, v40, vm0, $0xb8;
	[tilespmem:$0x13300] =	vst v63  }
0x431: {  	v63 =	vperm.xlane v38, v27;
	v62 =	vadd.s32 v23, v61;
	s8 =	simm.s32 $0x5500  }
0x432: {  	[tilespmem:s8], [sflag:$0x3] =	stream.indirect_vreg.gather [hbm4b:s2+s1], $0x80, v41, vm0, $0xb8;
	[tilespmem:$0x13300] =	vst v63  }
0x433: {  	v46 =	vperm.xlane v38, v28;
	v45 =	vadd.s32 v23, v63;
	s9 =	simm.s32 $0x5600  }
0x434: {  	[tilespmem:s9], [sflag:$0x3] =	stream.indirect_vreg.gather [hbm4b:s2+s1], $0x80, v60, vm0, $0xb8;
	[tilespmem:$0x13300] =	vst v63  }
0x435: {  	v48 =	vperm.xlane v38, v20;
	v47 =	vadd.s32 v23, v46;
	s8 =	simm.s32 $0x5700  }
0x436: {  	[tilespmem:s8], [sflag:$0x3] =	stream.indirect_vreg.gather [hbm4b:s2+s1], $0x80, v62, vm0, $0xb8;
	[tilespmem:$0x13300] =	vst v63  }
0x437: {  	v50 =	vperm.xlane v38, v29;
	v49 =	vadd.s32 v23, v48;
	s9 =	simm.s32 $0x5800  }
0x438: {  	[tilespmem:s9], [sflag:$0x3] =	stream.indirect_vreg.gather [hbm4b:s2+s1], $0x80, v45, vm0, $0xb8;
	[tilespmem:$0x13300] =	vst v63  }
0x439: {  	v52 =	vperm.xlane v38, v30;
	v51 =	vadd.s32 v23, v50;
	s8 =	simm.s32 $0x5900  }
0x43a: {  	[tilespmem:s8], [sflag:$0x3] =	stream.indirect_vreg.gather [hbm4b:s2+s1], $0x80, v47, vm0, $0xb8;
	[tilespmem:$0x13300] =	vst v63  }
0x43b: {  	v54 =	vperm.xlane v38, v31;
	v53 =	vadd.s32 v23, v52;
	s9 =	simm.s32 $0x5A00  }
0x43c: {  	[tilespmem:s9], [sflag:$0x3] =	stream.indirect_vreg.gather [hbm4b:s2+s1], $0x80, v49, vm0, $0xb8;
	[tilespmem:$0x13300] =	vst v63  }
0x43d: {  	v56 =	vperm.xlane v38, v32;
	v55 =	vadd.s32 v23, v54;
	s8 =	simm.s32 $0x5B00  }
0x43e: {  	[tilespmem:s8], [sflag:$0x3] =	stream.indirect_vreg.gather [hbm4b:s2+s1], $0x80, v51, vm0, $0xb8;
	[tilespmem:$0x13300] =	vst v63  }
0x43f: {  	v57 =	vadd.s32 v23, v56;
	v58 =	vperm.xlane v38, v33;
	s9 =	simm.s32 $0x5C00  }
0x440: {  	[tilespmem:s9], [sflag:$0x3] =	stream.indirect_vreg.gather [hbm4b:s2+s1], $0x80, v53, vm0, $0xb8;
	[tilespmem:$0x13300] =	vst v63  }
0x441: {  	v59 =	vadd.s32 v23, v58;
	v60 =	vperm.xlane v38, v34;
	s8 =	simm.s32 $0x5D00  }
0x442: {  	[tilespmem:s8], [sflag:$0x3] =	stream.indirect_vreg.gather [hbm4b:s2+s1], $0x80, v55, vm0, $0xb8;
	[tilespmem:$0x13300] =	vst v63  }
0x443: {  	v61 =	vadd.s32 v23, v60;
	v62 =	vperm.xlane v38, v35;
	s9 =	simm.s32 $0x5E00  }
0x444: {  	[tilespmem:s9], [sflag:$0x3] =	stream.indirect_vreg.gather [hbm4b:s2+s1], $0x80, v57, vm0, $0xb8;
	[tilespmem:$0x13300] =	vst v63  }
0x445: {  	v38 =	vperm.xlane v38, v36;
	v63 =	vadd.s32 v23, v62;
	s8 =	simm.s32 $0x5F00  }
0x446: {  	[tilespmem:s8], [sflag:$0x3] =	stream.indirect_vreg.gather [hbm4b:s2+s1], $0x80, v59, vm0, $0xb8;
	[tilespmem:$0x13300] =	vst v63  }
0x447: {  	v38 =	vadd.s32 v23, v38;
	s9 =	simm.s32 $0x6000  }
0x448: {  	[tilespmem:s9], [sflag:$0x3] =	stream.indirect_vreg.gather [hbm4b:s2+s1], $0x80, v61, vm0, $0xb8;
	[tilespmem:$0x13300] =	vst v63  }
0x449: {  	s8 =	simm.s32 $0x6100  }
0x44a: {  	[tilespmem:s8], [sflag:$0x3] =	stream.indirect_vreg.gather [hbm4b:s2+s1], $0x80, v63, vm0, $0xb8;
	[tilespmem:$0x13300] =	vst v63  }
0x44b: {  	s9 =	simm.s32 $0x6200  }
0x44c: {  	[tilespmem:s9], [sflag:$0x3] =	stream.indirect_vreg.gather [hbm4b:s2+s1], $0x80, v38, vm0, $0xb8;
	[tilespmem:$0x13300] =	vst v63  }
0x44d: {  	v38 =	vld [tilespmem:$0x3230];
	_ =	sdelay $0x4  }
0x44e: {  	v43 =	vshll.u32 v38, $0x1  }
0x44f: {  	v38 =	vand.u32 $0x7, v38;
	v39 =	vand.u32 $0xFFFFFFF0, v43  }
0x450: {  	v38 =	vor.u32 v38, v39  }
0x451: {  	v39 =	vperm.xlane v38, v22;
	_ =	sdelay $0x1  }
0x452: {  	v44 =	vperm.xlane v38, v21;
	v39 =	vadd.s32 v23, v39;
	_ =	sdelay $0x1  }
0x453: {  	v45 =	vperm.xlane v38, v24;
	v40 =	vadd.s32 v23, v44;
	_ =	sdelay $0x1  }
0x454: {  	s8 =	simm.s32 $0x6300;
	v46 =	vperm.xlane v38, v25;
	v41 =	vadd.s32 v23, v45  }
0x455: {  	[tilespmem:s8], [sflag:$0x3] =	stream.indirect_vreg.gather [hbm4b:s2+s1], $0x80, v39, vm0, $0xb8;
	[tilespmem:$0x13300] =	vst v63  }
0x456: {  	s9 =	simm.s32 $0x6400;
	v48 =	vperm.xlane v38, v26;
	v47 =	vadd.s32 v23, v46  }
0x457: {  	[tilespmem:s9], [sflag:$0x3] =	stream.indirect_vreg.gather [hbm4b:s2+s1], $0x80, v40, vm0, $0xb8;
	[tilespmem:$0x13300] =	vst v63  }
0x458: {  	v50 =	vperm.xlane v38, v27;
	v49 =	vadd.s32 v23, v48;
	s8 =	simm.s32 $0x6500  }
0x459: {  	[tilespmem:s8], [sflag:$0x3] =	stream.indirect_vreg.gather [hbm4b:s2+s1], $0x80, v41, vm0, $0xb8;
	[tilespmem:$0x13300] =	vst v63  }
0x45a: {  	v52 =	vperm.xlane v38, v28;
	v51 =	vadd.s32 v23, v50;
	s9 =	simm.s32 $0x6600  }
0x45b: {  	[tilespmem:s9], [sflag:$0x3] =	stream.indirect_vreg.gather [hbm4b:s2+s1], $0x80, v47, vm0, $0xb8;
	[tilespmem:$0x13300] =	vst v63  }
0x45c: {  	v54 =	vperm.xlane v38, v20;
	v53 =	vadd.s32 v23, v52;
	s8 =	simm.s32 $0x6700  }
0x45d: {  	[tilespmem:s8], [sflag:$0x3] =	stream.indirect_vreg.gather [hbm4b:s2+s1], $0x80, v49, vm0, $0xb8;
	[tilespmem:$0x13300] =	vst v63  }
0x45e: {  	v56 =	vperm.xlane v38, v29;
	v55 =	vadd.s32 v23, v54;
	s9 =	simm.s32 $0x6800  }
0x45f: {  	[tilespmem:s9], [sflag:$0x3] =	stream.indirect_vreg.gather [hbm4b:s2+s1], $0x80, v51, vm0, $0xb8;
	[tilespmem:$0x13300] =	vst v63  }
0x460: {  	v58 =	vperm.xlane v38, v30;
	v57 =	vadd.s32 v23, v56;
	s8 =	simm.s32 $0x6900  }
0x461: {  	[tilespmem:s8], [sflag:$0x3] =	stream.indirect_vreg.gather [hbm4b:s2+s1], $0x80, v53, vm0, $0xb8;
	[tilespmem:$0x13300] =	vst v63  }
0x462: {  	v60 =	vperm.xlane v38, v31;
	v59 =	vadd.s32 v23, v58;
	s9 =	simm.s32 $0x6A00  }
0x463: {  	[tilespmem:s9], [sflag:$0x3] =	stream.indirect_vreg.gather [hbm4b:s2+s1], $0x80, v55, vm0, $0xb8;
	[tilespmem:$0x13300] =	vst v63  }
0x464: {  	v62 =	vperm.xlane v38, v32;
	v61 =	vadd.s32 v23, v60;
	s8 =	simm.s32 $0x6B00  }
0x465: {  	[tilespmem:s8], [sflag:$0x3] =	stream.indirect_vreg.gather [hbm4b:s2+s1], $0x80, v57, vm0, $0xb8;
	[tilespmem:$0x13300] =	vst v63  }
0x466: {  	v63 =	vadd.s32 v23, v62;
	v45 =	vperm.xlane v38, v33;
	s9 =	simm.s32 $0x6C00  }
0x467: {  	[tilespmem:s9], [sflag:$0x3] =	stream.indirect_vreg.gather [hbm4b:s2+s1], $0x80, v59, vm0, $0xb8;
	[tilespmem:$0x13300] =	vst v63  }
0x468: {  	v46 =	vadd.s32 v23, v45;
	v47 =	vperm.xlane v38, v34;
	s8 =	simm.s32 $0x6D00  }
0x469: {  	[tilespmem:s8], [sflag:$0x3] =	stream.indirect_vreg.gather [hbm4b:s2+s1], $0x80, v61, vm0, $0xb8;
	[tilespmem:$0x13300] =	vst v63  }
0x46a: {  	v48 =	vadd.s32 v23, v47;
	v49 =	vperm.xlane v38, v35;
	s9 =	simm.s32 $0x6E00  }
0x46b: {  	[tilespmem:s9], [sflag:$0x3] =	stream.indirect_vreg.gather [hbm4b:s2+s1], $0x80, v63, vm0, $0xb8;
	[tilespmem:$0x13300] =	vst v63  }
0x46c: {  	v38 =	vperm.xlane v38, v36;
	v50 =	vadd.s32 v23, v49;
	s8 =	simm.s32 $0x6F00  }
0x46d: {  	[tilespmem:s8], [sflag:$0x3] =	stream.indirect_vreg.gather [hbm4b:s2+s1], $0x80, v46, vm0, $0xb8;
	[tilespmem:$0x13300] =	vst v63  }
0x46e: {  	v38 =	vadd.s32 v23, v38;
	s9 =	simm.s32 $0x7000  }
0x46f: {  	[tilespmem:s9], [sflag:$0x3] =	stream.indirect_vreg.gather [hbm4b:s2+s1], $0x80, v48, vm0, $0xb8;
	[tilespmem:$0x13300] =	vst v63  }
0x470: {  	s8 =	simm.s32 $0x7100  }
0x471: {  	[tilespmem:s8], [sflag:$0x3] =	stream.indirect_vreg.gather [hbm4b:s2+s1], $0x80, v50, vm0, $0xb8;
	[tilespmem:$0x13300] =	vst v63  }
0x472: {  	s9 =	simm.s32 $0x7200  }
0x473: {  	[tilespmem:s9], [sflag:$0x3] =	stream.indirect_vreg.gather [hbm4b:s2+s1], $0x80, v38, vm0, $0xb8;
	[tilespmem:$0x13300] =	vst v63  }
0x474: {  	v38 =	vld [tilespmem:$0x3240];
	_ =	sdelay $0x4  }
0x475: {  	v51 =	vshll.u32 v38, $0x1  }
0x476: {  	v38 =	vand.u32 $0x7, v38;
	v39 =	vand.u32 $0xFFFFFFF0, v51  }
0x477: {  	v38 =	vor.u32 v38, v39  }
0x478: {  	v39 =	vperm.xlane v38, v22;
	_ =	sdelay $0x1  }
0x479: {  	v52 =	vperm.xlane v38, v21;
	v39 =	vadd.s32 v23, v39;
	_ =	sdelay $0x1  }
0x47a: {  	v53 =	vperm.xlane v38, v24;
	v40 =	vadd.s32 v23, v52;
	_ =	sdelay $0x1  }
0x47b: {  	s8 =	simm.s32 $0x7300;
	v54 =	vperm.xlane v38, v25;
	v41 =	vadd.s32 v23, v53  }
0x47c: {  	[tilespmem:s8], [sflag:$0x3] =	stream.indirect_vreg.gather [hbm4b:s2+s1], $0x80, v39, vm0, $0xb8;
	[tilespmem:$0x13300] =	vst v63  }
0x47d: {  	s9 =	simm.s32 $0x7400;
	v56 =	vperm.xlane v38, v26;
	v55 =	vadd.s32 v23, v54  }
0x47e: {  	[tilespmem:s9], [sflag:$0x3] =	stream.indirect_vreg.gather [hbm4b:s2+s1], $0x80, v40, vm0, $0xb8;
	[tilespmem:$0x13300] =	vst v63  }
0x47f: {  	v58 =	vperm.xlane v38, v27;
	v57 =	vadd.s32 v23, v56;
	s8 =	simm.s32 $0x7500  }
0x480: {  	[tilespmem:s8], [sflag:$0x3] =	stream.indirect_vreg.gather [hbm4b:s2+s1], $0x80, v41, vm0, $0xb8;
	[tilespmem:$0x13300] =	vst v63  }
0x481: {  	v60 =	vperm.xlane v38, v28;
	v59 =	vadd.s32 v23, v58;
	s9 =	simm.s32 $0x7600  }
0x482: {  	[tilespmem:s9], [sflag:$0x3] =	stream.indirect_vreg.gather [hbm4b:s2+s1], $0x80, v55, vm0, $0xb8;
	[tilespmem:$0x13300] =	vst v63  }
0x483: {  	v62 =	vperm.xlane v38, v20;
	v61 =	vadd.s32 v23, v60;
	s8 =	simm.s32 $0x7700  }
0x484: {  	[tilespmem:s8], [sflag:$0x3] =	stream.indirect_vreg.gather [hbm4b:s2+s1], $0x80, v57, vm0, $0xb8;
	[tilespmem:$0x13300] =	vst v63  }
0x485: {  	v45 =	vperm.xlane v38, v29;
	v63 =	vadd.s32 v23, v62;
	s9 =	simm.s32 $0x7800  }
0x486: {  	[tilespmem:s9], [sflag:$0x3] =	stream.indirect_vreg.gather [hbm4b:s2+s1], $0x80, v59, vm0, $0xb8;
	[tilespmem:$0x13300] =	vst v63  }
0x487: {  	v47 =	vperm.xlane v38, v30;
	v46 =	vadd.s32 v23, v45;
	s8 =	simm.s32 $0x7900  }
0x488: {  	[tilespmem:s8], [sflag:$0x3] =	stream.indirect_vreg.gather [hbm4b:s2+s1], $0x80, v61, vm0, $0xb8;
	[tilespmem:$0x13300] =	vst v63  }
0x489: {  	v49 =	vperm.xlane v38, v31;
	v48 =	vadd.s32 v23, v47;
	s9 =	simm.s32 $0x7A00  }
0x48a: {  	[tilespmem:s9], [sflag:$0x3] =	stream.indirect_vreg.gather [hbm4b:s2+s1], $0x80, v63, vm0, $0xb8;
	[tilespmem:$0x13300] =	vst v63  }
0x48b: {  	v51 =	vperm.xlane v38, v32;
	v50 =	vadd.s32 v23, v49;
	s8 =	simm.s32 $0x7B00  }
0x48c: {  	[tilespmem:s8], [sflag:$0x3] =	stream.indirect_vreg.gather [hbm4b:s2+s1], $0x80, v46, vm0, $0xb8;
	[tilespmem:$0x13300] =	vst v63  }
0x48d: {  	v52 =	vadd.s32 v23, v51;
	v53 =	vperm.xlane v38, v33;
	s9 =	simm.s32 $0x7C00  }
0x48e: {  	[tilespmem:s9], [sflag:$0x3] =	stream.indirect_vreg.gather [hbm4b:s2+s1], $0x80, v48, vm0, $0xb8;
	[tilespmem:$0x13300] =	vst v63  }
0x48f: {  	v54 =	vadd.s32 v23, v53;
	v55 =	vperm.xlane v38, v34;
	s8 =	simm.s32 $0x7D00  }
0x490: {  	[tilespmem:s8], [sflag:$0x3] =	stream.indirect_vreg.gather [hbm4b:s2+s1], $0x80, v50, vm0, $0xb8;
	[tilespmem:$0x13300] =	vst v63  }
0x491: {  	v56 =	vadd.s32 v23, v55;
	v57 =	vperm.xlane v38, v35;
	s9 =	simm.s32 $0x7E00  }
0x492: {  	[tilespmem:s9], [sflag:$0x3] =	stream.indirect_vreg.gather [hbm4b:s2+s1], $0x80, v52, vm0, $0xb8;
	[tilespmem:$0x13300] =	vst v63  }
0x493: {  	v38 =	vperm.xlane v38, v36;
	v58 =	vadd.s32 v23, v57;
	s8 =	simm.s32 $0x7F00  }
0x494: {  	[tilespmem:s8], [sflag:$0x3] =	stream.indirect_vreg.gather [hbm4b:s2+s1], $0x80, v54, vm0, $0xb8;
	[tilespmem:$0x13300] =	vst v63  }
0x495: {  	v38 =	vadd.s32 v23, v38;
	s9 =	simm.s32 $0x8000  }
0x496: {  	[tilespmem:s9], [sflag:$0x3] =	stream.indirect_vreg.gather [hbm4b:s2+s1], $0x80, v56, vm0, $0xb8;
	[tilespmem:$0x13300] =	vst v63  }
0x497: {  	s8 =	simm.s32 $0x8100  }
0x498: {  	[tilespmem:s8], [sflag:$0x3] =	stream.indirect_vreg.gather [hbm4b:s2+s1], $0x80, v58, vm0, $0xb8;
	[tilespmem:$0x13300] =	vst v63  }
0x499: {  	s9 =	simm.s32 $0x8200  }
0x49a: {  	[tilespmem:s9], [sflag:$0x3] =	stream.indirect_vreg.gather [hbm4b:s2+s1], $0x80, v38, vm0, $0xb8;
	[tilespmem:$0x13300] =	vst v63  }
0x49b: {  	v38 =	vld [tilespmem:$0x3250];
	_ =	sdelay $0x4  }
0x49c: {  	v59 =	vshll.u32 v38, $0x1  }
0x49d: {  	v38 =	vand.u32 $0x7, v38;
	v39 =	vand.u32 $0xFFFFFFF0, v59  }
0x49e: {  	v38 =	vor.u32 v38, v39  }
0x49f: {  	v39 =	vperm.xlane v38, v22;
	_ =	sdelay $0x1  }
0x4a0: {  	v60 =	vperm.xlane v38, v21;
	v39 =	vadd.s32 v23, v39;
	_ =	sdelay $0x1  }
0x4a1: {  	v61 =	vperm.xlane v38, v24;
	v40 =	vadd.s32 v23, v60;
	_ =	sdelay $0x1  }
0x4a2: {  	s8 =	simm.s32 $0x8300;
	v62 =	vperm.xlane v38, v25;
	v41 =	vadd.s32 v23, v61  }
0x4a3: {  	[tilespmem:s8], [sflag:$0x3] =	stream.indirect_vreg.gather [hbm4b:s2+s1], $0x80, v39, vm0, $0xb8;
	[tilespmem:$0x13300] =	vst v63  }
0x4a4: {  	s9 =	simm.s32 $0x8400;
	v45 =	vperm.xlane v38, v26;
	v63 =	vadd.s32 v23, v62  }
0x4a5: {  	[tilespmem:s9], [sflag:$0x3] =	stream.indirect_vreg.gather [hbm4b:s2+s1], $0x80, v40, vm0, $0xb8;
	[tilespmem:$0x13300] =	vst v63  }
0x4a6: {  	v47 =	vperm.xlane v38, v27;
	v46 =	vadd.s32 v23, v45;
	s8 =	simm.s32 $0x8500  }
0x4a7: {  	[tilespmem:s8], [sflag:$0x3] =	stream.indirect_vreg.gather [hbm4b:s2+s1], $0x80, v41, vm0, $0xb8;
	[tilespmem:$0x13300] =	vst v63  }
0x4a8: {  	v49 =	vperm.xlane v38, v28;
	v48 =	vadd.s32 v23, v47;
	s9 =	simm.s32 $0x8600  }
0x4a9: {  	[tilespmem:s9], [sflag:$0x3] =	stream.indirect_vreg.gather [hbm4b:s2+s1], $0x80, v63, vm0, $0xb8;
	[tilespmem:$0x13300] =	vst v63  }
0x4aa: {  	v51 =	vperm.xlane v38, v20;
	v50 =	vadd.s32 v23, v49;
	s8 =	simm.s32 $0x8700  }
0x4ab: {  	[tilespmem:s8], [sflag:$0x3] =	stream.indirect_vreg.gather [hbm4b:s2+s1], $0x80, v46, vm0, $0xb8;
	[tilespmem:$0x13300] =	vst v63  }
0x4ac: {  	v53 =	vperm.xlane v38, v29;
	v52 =	vadd.s32 v23, v51;
	s9 =	simm.s32 $0x8800  }
0x4ad: {  	[tilespmem:s9], [sflag:$0x3] =	stream.indirect_vreg.gather [hbm4b:s2+s1], $0x80, v48, vm0, $0xb8;
	[tilespmem:$0x13300] =	vst v63  }
0x4ae: {  	v55 =	vperm.xlane v38, v30;
	v54 =	vadd.s32 v23, v53;
	s8 =	simm.s32 $0x8900  }
0x4af: {  	[tilespmem:s8], [sflag:$0x3] =	stream.indirect_vreg.gather [hbm4b:s2+s1], $0x80, v50, vm0, $0xb8;
	[tilespmem:$0x13300] =	vst v63  }
0x4b0: {  	v57 =	vperm.xlane v38, v31;
	v56 =	vadd.s32 v23, v55;
	s9 =	simm.s32 $0x8A00  }
0x4b1: {  	[tilespmem:s9], [sflag:$0x3] =	stream.indirect_vreg.gather [hbm4b:s2+s1], $0x80, v52, vm0, $0xb8;
	[tilespmem:$0x13300] =	vst v63  }
0x4b2: {  	v59 =	vperm.xlane v38, v32;
	v58 =	vadd.s32 v23, v57;
	s8 =	simm.s32 $0x8B00  }
0x4b3: {  	[tilespmem:s8], [sflag:$0x3] =	stream.indirect_vreg.gather [hbm4b:s2+s1], $0x80, v54, vm0, $0xb8;
	[tilespmem:$0x13300] =	vst v63  }
0x4b4: {  	v60 =	vadd.s32 v23, v59;
	v61 =	vperm.xlane v38, v33;
	s9 =	simm.s32 $0x8C00  }
0x4b5: {  	[tilespmem:s9], [sflag:$0x3] =	stream.indirect_vreg.gather [hbm4b:s2+s1], $0x80, v56, vm0, $0xb8;
	[tilespmem:$0x13300] =	vst v63  }
0x4b6: {  	v62 =	vadd.s32 v23, v61;
	v63 =	vperm.xlane v38, v34;
	s8 =	simm.s32 $0x8D00  }
0x4b7: {  	[tilespmem:s8], [sflag:$0x3] =	stream.indirect_vreg.gather [hbm4b:s2+s1], $0x80, v58, vm0, $0xb8;
	[tilespmem:$0x13300] =	vst v63  }
0x4b8: {  	v45 =	vadd.s32 v23, v63;
	v46 =	vperm.xlane v38, v35;
	s9 =	simm.s32 $0x8E00  }
0x4b9: {  	[tilespmem:s9], [sflag:$0x3] =	stream.indirect_vreg.gather [hbm4b:s2+s1], $0x80, v60, vm0, $0xb8;
	[tilespmem:$0x13300] =	vst v63  }
0x4ba: {  	v38 =	vperm.xlane v38, v36;
	v47 =	vadd.s32 v23, v46;
	s8 =	simm.s32 $0x8F00  }
0x4bb: {  	[tilespmem:s8], [sflag:$0x3] =	stream.indirect_vreg.gather [hbm4b:s2+s1], $0x80, v62, vm0, $0xb8;
	[tilespmem:$0x13300] =	vst v63  }
0x4bc: {  	v38 =	vadd.s32 v23, v38;
	s9 =	simm.s32 $0x9000  }
0x4bd: {  	[tilespmem:s9], [sflag:$0x3] =	stream.indirect_vreg.gather [hbm4b:s2+s1], $0x80, v45, vm0, $0xb8;
	[tilespmem:$0x13300] =	vst v63  }
0x4be: {  	s8 =	simm.s32 $0x9100  }
0x4bf: {  	[tilespmem:s8], [sflag:$0x3] =	stream.indirect_vreg.gather [hbm4b:s2+s1], $0x80, v47, vm0, $0xb8;
	[tilespmem:$0x13300] =	vst v63  }
0x4c0: {  	s9 =	simm.s32 $0x9200  }
0x4c1: {  	[tilespmem:s9], [sflag:$0x3] =	stream.indirect_vreg.gather [hbm4b:s2+s1], $0x80, v38, vm0, $0xb8;
	[tilespmem:$0x13300] =	vst v63  }
0x4c2: {  	v38 =	vld [tilespmem:$0x3260];
	_ =	sdelay $0x4  }
0x4c3: {  	v48 =	vshll.u32 v38, $0x1  }
0x4c4: {  	v38 =	vand.u32 $0x7, v38;
	v39 =	vand.u32 $0xFFFFFFF0, v48  }
0x4c5: {  	v38 =	vor.u32 v38, v39  }
0x4c6: {  	v39 =	vperm.xlane v38, v22;
	_ =	sdelay $0x1  }
0x4c7: {  	v49 =	vperm.xlane v38, v21;
	v39 =	vadd.s32 v23, v39;
	_ =	sdelay $0x1  }
0x4c8: {  	v50 =	vperm.xlane v38, v24;
	v40 =	vadd.s32 v23, v49;
	_ =	sdelay $0x1  }
0x4c9: {  	s8 =	simm.s32 $0x9300;
	v51 =	vperm.xlane v38, v25;
	v41 =	vadd.s32 v23, v50  }
0x4ca: {  	[tilespmem:s8], [sflag:$0x3] =	stream.indirect_vreg.gather [hbm4b:s2+s1], $0x80, v39, vm0, $0xb8;
	[tilespmem:$0x13300] =	vst v63  }
0x4cb: {  	s9 =	simm.s32 $0x9400;
	v53 =	vperm.xlane v38, v26;
	v52 =	vadd.s32 v23, v51  }
0x4cc: {  	[tilespmem:s9], [sflag:$0x3] =	stream.indirect_vreg.gather [hbm4b:s2+s1], $0x80, v40, vm0, $0xb8;
	[tilespmem:$0x13300] =	vst v63  }
0x4cd: {  	v55 =	vperm.xlane v38, v27;
	v54 =	vadd.s32 v23, v53;
	s8 =	simm.s32 $0x9500  }
0x4ce: {  	[tilespmem:s8], [sflag:$0x3] =	stream.indirect_vreg.gather [hbm4b:s2+s1], $0x80, v41, vm0, $0xb8;
	[tilespmem:$0x13300] =	vst v63  }
0x4cf: {  	v57 =	vperm.xlane v38, v28;
	v56 =	vadd.s32 v23, v55;
	s9 =	simm.s32 $0x9600  }
0x4d0: {  	[tilespmem:s9], [sflag:$0x3] =	stream.indirect_vreg.gather [hbm4b:s2+s1], $0x80, v52, vm0, $0xb8;
	[tilespmem:$0x13300] =	vst v63  }
0x4d1: {  	v59 =	vperm.xlane v38, v20;
	v58 =	vadd.s32 v23, v57;
	s8 =	simm.s32 $0x9700  }
0x4d2: {  	[tilespmem:s8], [sflag:$0x3] =	stream.indirect_vreg.gather [hbm4b:s2+s1], $0x80, v54, vm0, $0xb8;
	[tilespmem:$0x13300] =	vst v63  }
0x4d3: {  	v61 =	vperm.xlane v38, v29;
	v60 =	vadd.s32 v23, v59;
	s9 =	simm.s32 $0x9800  }
0x4d4: {  	[tilespmem:s9], [sflag:$0x3] =	stream.indirect_vreg.gather [hbm4b:s2+s1], $0x80, v56, vm0, $0xb8;
	[tilespmem:$0x13300] =	vst v63  }
0x4d5: {  	v63 =	vperm.xlane v38, v30;
	v62 =	vadd.s32 v23, v61;
	s8 =	simm.s32 $0x9900  }
0x4d6: {  	[tilespmem:s8], [sflag:$0x3] =	stream.indirect_vreg.gather [hbm4b:s2+s1], $0x80, v58, vm0, $0xb8;
	[tilespmem:$0x13300] =	vst v63  }
0x4d7: {  	v46 =	vperm.xlane v38, v31;
	v45 =	vadd.s32 v23, v63;
	s9 =	simm.s32 $0x9A00  }
0x4d8: {  	[tilespmem:s9], [sflag:$0x3] =	stream.indirect_vreg.gather [hbm4b:s2+s1], $0x80, v60, vm0, $0xb8;
	[tilespmem:$0x13300] =	vst v63  }
0x4d9: {  	v48 =	vperm.xlane v38, v32;
	v47 =	vadd.s32 v23, v46;
	s8 =	simm.s32 $0x9B00  }
0x4da: {  	[tilespmem:s8], [sflag:$0x3] =	stream.indirect_vreg.gather [hbm4b:s2+s1], $0x80, v62, vm0, $0xb8;
	[tilespmem:$0x13300] =	vst v63  }
0x4db: {  	v49 =	vadd.s32 v23, v48;
	v50 =	vperm.xlane v38, v33;
	s9 =	simm.s32 $0x9C00  }
0x4dc: {  	[tilespmem:s9], [sflag:$0x3] =	stream.indirect_vreg.gather [hbm4b:s2+s1], $0x80, v45, vm0, $0xb8;
	[tilespmem:$0x13300] =	vst v63  }
0x4dd: {  	v51 =	vadd.s32 v23, v50;
	v52 =	vperm.xlane v38, v34;
	s8 =	simm.s32 $0x9D00  }
0x4de: {  	[tilespmem:s8], [sflag:$0x3] =	stream.indirect_vreg.gather [hbm4b:s2+s1], $0x80, v47, vm0, $0xb8;
	[tilespmem:$0x13300] =	vst v63  }
0x4df: {  	v53 =	vadd.s32 v23, v52;
	v54 =	vperm.xlane v38, v35;
	s9 =	simm.s32 $0x9E00  }
0x4e0: {  	[tilespmem:s9], [sflag:$0x3] =	stream.indirect_vreg.gather [hbm4b:s2+s1], $0x80, v49, vm0, $0xb8;
	[tilespmem:$0x13300] =	vst v63  }
0x4e1: {  	v38 =	vperm.xlane v38, v36;
	v55 =	vadd.s32 v23, v54;
	s8 =	simm.s32 $0x9F00  }
0x4e2: {  	[tilespmem:s8], [sflag:$0x3] =	stream.indirect_vreg.gather [hbm4b:s2+s1], $0x80, v51, vm0, $0xb8;
	[tilespmem:$0x13300] =	vst v63  }
0x4e3: {  	v38 =	vadd.s32 v23, v38;
	s9 =	simm.s32 $0xA000  }
0x4e4: {  	[tilespmem:s9], [sflag:$0x3] =	stream.indirect_vreg.gather [hbm4b:s2+s1], $0x80, v53, vm0, $0xb8;
	[tilespmem:$0x13300] =	vst v63  }
0x4e5: {  	s8 =	simm.s32 $0xA100  }
0x4e6: {  	[tilespmem:s8], [sflag:$0x3] =	stream.indirect_vreg.gather [hbm4b:s2+s1], $0x80, v55, vm0, $0xb8;
	[tilespmem:$0x13300] =	vst v63  }
0x4e7: {  	s9 =	simm.s32 $0xA200  }
0x4e8: {  	[tilespmem:s9], [sflag:$0x3] =	stream.indirect_vreg.gather [hbm4b:s2+s1], $0x80, v38, vm0, $0xb8;
	[tilespmem:$0x13300] =	vst v63  }
0x4e9: {  	v38 =	vld [tilespmem:$0x3270];
	_ =	sdelay $0x4  }
0x4ea: {  	v56 =	vshll.u32 v38, $0x1  }
0x4eb: {  	v38 =	vand.u32 $0x7, v38;
	v39 =	vand.u32 $0xFFFFFFF0, v56  }
0x4ec: {  	v38 =	vor.u32 v38, v39  }
0x4ed: {  	v39 =	vperm.xlane v38, v22;
	_ =	sdelay $0x1  }
0x4ee: {  	v57 =	vperm.xlane v38, v21;
	v39 =	vadd.s32 v23, v39;
	_ =	sdelay $0x1  }
0x4ef: {  	v58 =	vperm.xlane v38, v24;
	v40 =	vadd.s32 v23, v57;
	_ =	sdelay $0x1  }
0x4f0: {  	v59 =	vperm.xlane v38, v25;
	v41 =	vadd.s32 v23, v58  }
0x4f1: {  	[tilespmem:s5], [sflag:$0x3] =	stream.indirect_vreg.gather [hbm4b:s2+s1], $0x80, v39, vm0, $0xb8;
	[tilespmem:$0x13300] =	vst v63  }
0x4f2: {  	v61 =	vperm.xlane v38, v26;
	v60 =	vadd.s32 v23, v59  }
0x4f3: {  	[tilespmem:s11], [sflag:$0x3] =	stream.indirect_vreg.gather [hbm4b:s2+s1], $0x80, v40, vm0, $0xb8;
	[tilespmem:$0x13300] =	vst v63  }
0x4f4: {  	v63 =	vperm.xlane v38, v27;
	v62 =	vadd.s32 v23, v61  }
0x4f5: {  	[tilespmem:s12], [sflag:$0x3] =	stream.indirect_vreg.gather [hbm4b:s2+s1], $0x80, v41, vm0, $0xb8;
	[tilespmem:$0x13300] =	vst v63  }
0x4f6: {  	v46 =	vperm.xlane v38, v28;
	v45 =	vadd.s32 v23, v63  }
0x4f7: {  	[tilespmem:s13], [sflag:$0x3] =	stream.indirect_vreg.gather [hbm4b:s2+s1], $0x80, v60, vm0, $0xb8;
	[tilespmem:$0x13300] =	vst v63  }
0x4f8: {  	v48 =	vperm.xlane v38, v20;
	v47 =	vadd.s32 v23, v46  }
0x4f9: {  	[tilespmem:s14], [sflag:$0x3] =	stream.indirect_vreg.gather [hbm4b:s2+s1], $0x80, v62, vm0, $0xb8;
	[tilespmem:$0x13300] =	vst v63  }
0x4fa: {  	v50 =	vperm.xlane v38, v29;
	v49 =	vadd.s32 v23, v48  }
0x4fb: {  	[tilespmem:s15], [sflag:$0x3] =	stream.indirect_vreg.gather [hbm4b:s2+s1], $0x80, v45, vm0, $0xb8;
	[tilespmem:$0x13300] =	vst v63  }
0x4fc: {  	v52 =	vperm.xlane v38, v30;
	v51 =	vadd.s32 v23, v50  }
0x4fd: {  	[tilespmem:s16], [sflag:$0x3] =	stream.indirect_vreg.gather [hbm4b:s2+s1], $0x80, v47, vm0, $0xb8;
	[tilespmem:$0x13300] =	vst v63  }
0x4fe: {  	v54 =	vperm.xlane v38, v31;
	v53 =	vadd.s32 v23, v52  }
0x4ff: {  	[tilespmem:s17], [sflag:$0x3] =	stream.indirect_vreg.gather [hbm4b:s2+s1], $0x80, v49, vm0, $0xb8;
	[tilespmem:$0x13300] =	vst v63  }
0x500: {  	v56 =	vperm.xlane v38, v32;
	v55 =	vadd.s32 v23, v54  }
0x501: {  	[tilespmem:s18], [sflag:$0x3] =	stream.indirect_vreg.gather [hbm4b:s2+s1], $0x80, v51, vm0, $0xb8;
	[tilespmem:$0x13300] =	vst v63  }
0x502: {  	v57 =	vadd.s32 v23, v56;
	v58 =	vperm.xlane v38, v33  }
0x503: {  	[tilespmem:s19], [sflag:$0x3] =	stream.indirect_vreg.gather [hbm4b:s2+s1], $0x80, v53, vm0, $0xb8;
	[tilespmem:$0x13300] =	vst v63  }
0x504: {  	v59 =	vadd.s32 v23, v58;
	v60 =	vperm.xlane v38, v34  }
0x505: {  	[tilespmem:s20], [sflag:$0x3] =	stream.indirect_vreg.gather [hbm4b:s2+s1], $0x80, v55, vm0, $0xb8;
	[tilespmem:$0x13300] =	vst v63  }
0x506: {  	v61 =	vadd.s32 v23, v60  }
0x507: {  	v62 =	vperm.xlane v38, v35;
	[tilespmem:s21], [sflag:$0x3] =	stream.indirect_vreg.gather [hbm4b:s2+s1], $0x80, v57, vm0, $0xb8;
	[tilespmem:$0x13300] =	vst v63  }
0x508: {  	s4 =	sadd.s32 $0x100, s4  }
0x509: {  	v38 =	vperm.xlane v38, v36;
	v63 =	vadd.s32 v23, v62;
	[tilespmem:s22], [sflag:$0x3] =	stream.indirect_vreg.gather [hbm4b:s2+s1], $0x80, v59, vm0, $0xb8;
	[tilespmem:$0x13300] =	vst v63  }
0x50a: {  	p0 =	sne.s32 s4, $0xD70  }
0x50b: {  	v38 =	vadd.s32 v23, v38;
	[tilespmem:s23], [sflag:$0x3] =	stream.indirect_vreg.gather [hbm4b:s2+s1], $0x80, v61, vm0, $0xb8;
	[tilespmem:$0x13300] =	vst v63  }
.Ltmp0:
0x50c: {  	_ = 	snop;
	(pc) =	sbr.rel @p0 .LBB2_3-.Ltmp0, $4  }
0x50d: {  	_ = 	snop  }
0x50e: {  	[tilespmem:s24], [sflag:$0x3] =	stream.indirect_vreg.gather [hbm4b:s2+s1], $0x80, v63, vm0, $0xb8;
	[tilespmem:$0x13300] =	vst v63  }
0x50f: {  	s0 =	sadd.s32 $0x1, s0;
	s6 =	sadd.s32 $0x2000, s6  }
0x510: {  	[tilespmem:s25], [sflag:$0x3] =	stream.indirect_vreg.gather [hbm4b:s2+s1], $0x80, v38, vm0, $0xb8;
	[tilespmem:$0x13300] =	vst v63  }
0x511: {  	_ =	swait.ge [sflag:s26], $0x8000  }
0x512: {  	s31 =	sld [smem:$0x793]  }
0x513: {  	s0 =	sld [smem:$0x7E5]  }
0x514: {  	s3 =	sld [smem:$0x792]  }
0x515: {  	p0 =	sne.s32 s31, $0x10  }
.Ltmp1:
0x516: {  	[sflag:s26] =	ssyncset.done $0x0;
	s9 =	sld [smem:$0x795];
	(pc) =	sbr.rel @p0 .LBB2_2-.Ltmp1, $4  }
0x517: {  	[sflag:s26] =	ssyncadd.s32 $0xFFFF8000;
	s0 =	sadd.s32 s3, s0  }
0x518: {  	[hbm4b:s0+s1] =	stream.linear.scatter [tilespmem:s10], [sflag:$0x5], $0x8000, $0x38;
	[tilespmem:$0x13300] =	vst v63  }
0x519: {  	s0 =	sadd.s32 $0x19000, s9  }
0x51a: {  	[smem:$0x795] =	sst s0  }
0x51b: {  	_ =	swait.ge [sflag:s30], $0x8000  }
0x51c: {  	[sflag:s30] =	ssyncset.done $0x0  }
0x51d: {  	s3 =	simm.s32 $0x6;
	[sflag:s30] =	ssyncadd.s32 $0xFFFF8000  }
0x51e: {  	_ =	swait.ge [sflag:s3], $0x8000  }
0x51f: {  	s4 =	sld [smem:$0x794]  }
0x520: {  	s0 =	sld [smem:$0x7E7];
	_ =	sdelay $0x1  }
0x521: {  	s4 =	sadd.s32 $0x1, s4  }
0x522: {  	p0 =	sne.s32 s4, s0  }
.Ltmp2:
0x523: {  	_ = 	snop;
	(pc) =	sbr.rel @p0 .LBB2_1-.Ltmp2, $3  }
0x524: {  	_ =	sdelay $0x1  }
0x525: {  	[sflag:s3] =	ssyncset.done $0x0  }
0x526: {  	[sflag:s3] =	ssyncadd.s32 $0xFFFF8000  }
0x527: {  	_ =	sfence.sel $0x180000  }
0x528: {  	[bflag:$0x0] =	sbarrier.arrive $0xFFFF  }
0x529: {  	_ =	strace $0x90000047  }
0x52a: {  	s0 =	stileid.u32;
	[bflag:$0x2] =	sbarrier.arrive $0xFFFF  }
0x52b: {  	p0 =	sne.s32 s0, $0x0;
	s0 =	rddreg [dreg:$0x2]  }
0x52c: {  	s0 =	sadd.s32 @!p0 $0x100000, s0  }
0x52d: {  	[sflag:s0] =	ssyncadd.tile.s32 @!p0 $0x1;
	_ =	shalt  }
.Lfunc_end2:
_tile_overlayer_lowered:
.L_overlay_start_2:
0x52e: {  	(tag) =	ssettag $0x2  }
0x52f: {  	s0 =	rddreg [dreg:$0x0];
	s2 =	stileid.u32  }
0x530: {  	s1 =	rddreg [dreg:$0x1];
	p0 =	sne.s32 s2, $0x0  }
0x531: {  	s3 =	rddreg [dreg:$0x2];
	[bflag:$0x3] =	sbarrier.arrive $0xFFFF;
	s2 =	simm.s32 @!p0 $0x1C07  }
0x532: {  	[timem:s3], [sflag:s2] =	dma.local @!p0 [hbm:s0], s1  }
0x533: {  	s0 =	simm.s32 @!p0 $0x7  }
0x534: {  	_ =	swait.ge @!p0 [sflag:s0], s1  }
0x535: {  	s1 =	ssub.s32 @!p0 $0x0, s1;
	[sflag:s0] =	ssyncset.done @!p0 $0x0  }
0x536: {  	[sflag:s0] =	ssyncadd.s32 @!p0 s1  }
0x537: {  	[bflag:$0x3] =	sbarrier.arrive $0xFFFF  }
0x538: {  	_ =	shalt  }

</sc_bundles>
